<compile_context>
chip_gen: v7x
topology: tpu7x:2x2x1
jax: 0.10.2.dev20260603
libtpu: 0.0.44.dev20260713+nightly
codegen_flags: <defaults>
</compile_context>

<pallas_src>
import functools
import jax
import jax.numpy as jnp
from jax import lax
from jax.experimental import pallas as pl
from jax.experimental.pallas import tpu as pltpu
from jax.experimental.pallas import tpu_sc as plsc

B = 128
V = 100000
F = 800
SUB = 8
C = F * SUB
K = (V + C - 1) // C
TAIL = V - (K - 1) * C
NFV = V // F
NW = 32
RPW = B // NW
NV16 = F // 16

NEG_BIG = -3.0e38


def _lane_shift_right(x, sh):
    r, w = x.shape
    return jnp.concatenate(
        [jnp.zeros((r, sh), x.dtype), x[:, :w - sh]], axis=1)


def _lane_cumsum(x):
    w = x.shape[1]
    sh = 1
    while sh < w:
        x = x + _lane_shift_right(x, sh)
        sh *= 2
    return x


def _g16(x, idx):
    return jax.lax.gather(
        x, idx[:, None],
        jax.lax.GatherDimensionNumbers(
            offset_dims=(), collapsed_slice_dims=(0,),
            start_index_map=(0,)),
        (1,), mode=jax.lax.GatherScatterMode.PROMISE_IN_BOUNDS)


def _substats(scaled, masked):
    mks, sks = [], []
    for i in range(SUB):
        xs = scaled[:, i * F:(i + 1) * F]
        mk = jnp.max(xs, axis=1, keepdims=True)
        e = jnp.exp(xs - mk)
        if masked:
            lane = jax.lax.broadcasted_iota(jnp.int32, (B, F), 1)
            e = jnp.where(i * F + lane < TAIL, e, 0.0)
        sks.append(jnp.sum(e, axis=1, keepdims=True))
        mks.append(mk)
    return jnp.concatenate(mks, axis=1), jnp.concatenate(sks, axis=1)


def _stats_kernel(logits_ref, invt_ref, u_ref, gidx_ref, scal_ref,
                  m3, s3):
    k = pl.program_id(0)
    x = logits_ref[...]
    invt = invt_ref[...]

    @pl.when(k < K - 1)
    def _full_block():
        mk, sk = _substats(x * invt, masked=False)
        m3[pl.ds(k, 1)] = mk.reshape(1, B, SUB)
        s3[pl.ds(k, 1)] = sk.reshape(1, B, SUB)

    @pl.when(k == K - 1)
    def _tail_and_merge():
        lane = jax.lax.broadcasted_iota(jnp.int32, (B, C), 1)
        scaled = jnp.where(lane < TAIL, x * invt, NEG_BIG)
        mk, sk = _substats(scaled, masked=True)
        m3[pl.ds(k, 1)] = mk.reshape(1, B, SUB)
        s3[pl.ds(k, 1)] = sk.reshape(1, B, SUB)

        m = jnp.full((B, 1), NEG_BIG, jnp.float32)
        for kk in range(K):
            m = jnp.maximum(m, jnp.max(m3[kk], axis=1, keepdims=True))
        z = jnp.zeros((B, 1), jnp.float32)
        for kk in range(K):
            a = s3[kk] * jnp.exp(m3[kk] - m)
            z = z + jnp.sum(a, axis=1, keepdims=True)
        t = u_ref[...] * z
        run = jnp.zeros((B, 1), jnp.float32)
        cnt = jnp.zeros((B, 1), jnp.float32)
        pexc = jnp.zeros((B, 1), jnp.float32)
        for kk in range(K):
            a = s3[kk] * jnp.exp(m3[kk] - m)
            p = run + _lane_cumsum(a)
            below = p < t
            cnt = cnt + jnp.sum(
                jnp.where(below, 1.0, 0.0), axis=1, keepdims=True)
            pexc = pexc + jnp.sum(
                jnp.where(below, a, 0.0), axis=1, keepdims=True)
            run = run + jnp.sum(a, axis=1, keepdims=True)
        kst = jnp.minimum(cnt, float(NFV - 1))
        ridx = jax.lax.broadcasted_iota(jnp.int32, (B, 1), 0).astype(
            jnp.float32)
        ridx = jax.lax.broadcasted_iota(jnp.int32, (B, 1), 0).astype(
            jnp.float32)
        gidx_ref[...] = (ridx * float(NFV) + kst).astype(jnp.int32)
        scal_ref[...] = jnp.concatenate(
            [m, t, pexc, kst, jnp.zeros((B, 4), jnp.float32)], axis=1)


def _sc_pick(table_hbm, gidx_hbm, scalv_hbm, out_hbm,
             idx_v, rows_v, scal_v, outv_v, sem):
    wid = lax.axis_index("s") * 2 + lax.axis_index("c")
    pltpu.sync_copy(gidx_hbm.at[wid], idx_v)
    pltpu.async_copy(table_hbm.at[idx_v], rows_v, sem).wait()
    lane = jax.lax.broadcasted_iota(jnp.int32, (16,), 0)
    last = jnp.full((16,), 15, jnp.int32)
    outvec = jnp.zeros((16,), jnp.int32)
    for j in range(RPW):
        pltpu.sync_copy(scalv_hbm.at[wid * RPW + j], scal_v)
        m_v = scal_v[0]
        t_v = scal_v[1]
        pexc_v = scal_v[2]
        kst_v = scal_v[3]
        invt_v = scal_v[4]

        def body(i, carry):
            off_v, cnt_v = carry
            v = rows_v[j, pl.ds(i * 16, 16)]
            e = jnp.exp(v * invt_v - m_v)
            lane16 = jax.lax.broadcasted_iota(jnp.int32, (16,), 0)
            for _sh in (1, 2, 4, 8):
                g = _g16(e, jnp.maximum(lane16 - _sh, 0))
                e = e + jnp.where(lane16 >= _sh, g, 0.0)
            p = off_v + e
            off_v = _g16(p, jnp.full((16,), 15, jnp.int32))
            below = p < t_v
            cnt_v = cnt_v + jnp.where(below, 1.0, 0.0)
            return off_v, cnt_v

        _, cnt_v = lax.fori_loop(
            0, NV16, body, (pexc_v, jnp.zeros((16,), jnp.float32)))
        for _sh in (1, 2, 4, 8):
            g = _g16(cnt_v, jnp.maximum(lane - _sh, 0))
            cnt_v = cnt_v + jnp.where(lane >= _sh, g, 0.0)
        tot = _g16(cnt_v, jnp.full((16,), 15, jnp.int32))
        samp = jnp.minimum(
            kst_v * float(F) + tot, float(V - 1)).astype(jnp.int32)
        outvec = jnp.where(lane == j, samp, outvec)
    outv_v[...] = outvec
    pltpu.sync_copy(outv_v, out_hbm.at[wid])


def kernel(logits, temperatures):
    u = jax.random.uniform(jax.random.key(42), (B, 1), dtype=jnp.float32)
    invt = (1.0 / temperatures).reshape(B, 1)

    gidx, scal = pl.pallas_call(
        _stats_kernel,
        grid=(K,),
        in_specs=[
            pl.BlockSpec((B, C), lambda k: (0, k)),
            pl.BlockSpec((B, 1), lambda k: (0, 0)),
            pl.BlockSpec((B, 1), lambda k: (0, 0)),
        ],
        out_specs=[
            pl.BlockSpec((B, 1), lambda k: (0, 0)),
            pl.BlockSpec((B, 8), lambda k: (0, 0)),
        ],
        out_shape=[
            jax.ShapeDtypeStruct((B, 1), jnp.int32),
            jax.ShapeDtypeStruct((B, 8), jnp.float32),
        ],
        scratch_shapes=[
            pltpu.VMEM((K, B, SUB), jnp.float32),
            pltpu.VMEM((K, B, SUB), jnp.float32),
        ],
    )(logits, invt, u)

    gidx32 = jnp.pad(gidx.reshape(NW, RPW), ((0, 0), (0, 8 - RPW)))
    scal5 = jnp.concatenate([scal[:, :4], invt], axis=1)
    scalv = jnp.broadcast_to(
        jnp.pad(scal5, ((0, 0), (0, 3)))[:, :, None], (B, 8, 16))

    mesh = plsc.VectorSubcoreMesh(core_axis_name="c", subcore_axis_name="s")
    sc = functools.partial(
        pl.kernel, mesh=mesh,
        compiler_params=pltpu.CompilerParams(use_tc_tiling_on_sc=False),
        out_type=jax.ShapeDtypeStruct((NW, 16), jnp.int32),
        scratch_types=[
            pltpu.VMEM((8,), jnp.int32),
            pltpu.VMEM((8, F), jnp.float32),
            pltpu.VMEM((8, 16), jnp.float32),
            pltpu.VMEM((16,), jnp.int32),
            pltpu.SemaphoreType.DMA,
        ])(_sc_pick)
    table = logits.reshape(B * NFV, F)
    out32 = sc(table, gidx32, scalv)

    return out32[:, :RPW].reshape(B)

# --- scband reference (transcript-rebuilt; emitter-appended) ---
"""Pipeline reference for scband-sampler-18064632447136 (READ-ONLY COPY).

The authoritative reference and input builder live on the scoring server;
editing this copy changes nothing except your own understanding.
"""

import jax, jax.numpy as jnp
import numpy as np

B = 128
V = 100000

def setup_inputs(seed: int = 0) -> dict:
    key = jax.random.key(seed)
    k1, k2 = jax.random.split(key)
    logits = jax.random.normal(k1, (B, V), dtype=jnp.float32)
    # temperatures ~ rand; floored away from 0 to avoid div-by-zero blowup
    temperatures = jax.random.uniform(k2, (B,), dtype=jnp.float32, minval=0.05, maxval=1.0)
    return {"logits": logits, "temperatures": temperatures}

def reference(logits, temperatures):
    # logits.div(temperatures.unsqueeze(-1))
    scaled = logits / temperatures[:, None]
    # torch.softmax(logits, dim=-1)
    probs = jax.nn.softmax(scaled, axis=-1)
    # torch.multinomial(probs, num_samples=1).view(-1) via inverse-CDF sampling
    cdf = jnp.cumsum(probs, axis=-1)
    u = jax.random.uniform(jax.random.key(42), (probs.shape[0], 1), dtype=probs.dtype)
    samples = jnp.sum(cdf < u, axis=-1)
    samples = jnp.clip(samples, 0, probs.shape[1] - 1).astype(jnp.int32)
    return samples

if __name__ == "__main__":
    import jax
    _d = setup_inputs()
    print(jax.jit(kernel)(*tuple(_d.values())))

</pallas_src>

<mosaic_0001>
#map = affine_map<(d0, d1) -> (0, 0)>
#map1 = affine_map<(d0, d1) -> (0, 0, 0)>
module attributes {stable_mosaic.version = 14 : i64} {
  func.func @_sc_pick(%arg0: i32, %arg1: i32, %arg2: memref<16000x800xf32, #tpu.memory_space<hbm>>, %arg3: memref<32x8xi32, #tpu.memory_space<hbm>>, %arg4: memref<128x8x16xf32, #tpu.memory_space<hbm>>, %arg5: memref<32x16xi32, #tpu.memory_space<hbm>>, %arg6: memref<8xi32, #tpu.memory_space<vmem>>, %arg7: memref<8x800xf32, #tpu.memory_space<vmem>>, %arg8: memref<8x16xf32, #tpu.memory_space<vmem>>, %arg9: memref<16xi32, #tpu.memory_space<vmem>>, %arg10: memref<!tpu.dma_semaphore, #tpu.memory_space<semaphore_mem>>) attributes {dimension_semantics = [#tpu.dimension_semantics<core_parallel>, #tpu.dimension_semantics<subcore_parallel>], iteration_bounds = array<i64: 2, 16>, scalar_prefetch = 0 : i64, scratch_operands = 5 : i64, tpu.core_type = #tpu.core_type<sc_vector_subcore>, window_params = [{transform_indices = #map}, {transform_indices = #map}, {transform_indices = #map1}, {transform_indices = #map}]} {
    %mul3A = arith.constant 2 : i32
    %mul3A_0 = arith.muli %arg1, %mul3A : i32
    %add3A = arith.addi %mul3A_0, %arg0 : i32
    "tpu.region"() ({
      %run_scoped3A = tpu.sem_alloc : memref<!tpu.dma_semaphore, #tpu.memory_space<semaphore_mem>>
      %dma_start3A_472 = arith.constant 0 : i32
      %dma_start3A_473 = tpu.memref_slice %arg3[%add3A, %dma_start3A_472] : memref<32x8xi32, #tpu.memory_space<hbm>> -> memref<1x8xi32, #tpu.memory_space<hbm>>
      %dma_start3A_474 = tpu.memref_squeeze %dma_start3A_473 : memref<1x8xi32, #tpu.memory_space<hbm>> -> memref<8xi32, #tpu.memory_space<hbm>>
      %dma_start3A_475 = arith.constant 0 : i32
      %dma_start3A_476 = tpu.memref_slice %arg3[%add3A, %dma_start3A_475] : memref<32x8xi32, #tpu.memory_space<hbm>> -> memref<1x8xi32, #tpu.memory_space<hbm>>
      %dma_start3A_477 = tpu.memref_squeeze %dma_start3A_476 : memref<1x8xi32, #tpu.memory_space<hbm>> -> memref<8xi32, #tpu.memory_space<hbm>>
      tpu.enqueue_dma source(%dma_start3A_477 : memref<8xi32, #tpu.memory_space<hbm>>) target(%arg6 : memref<8xi32, #tpu.memory_space<vmem>>) target_semaphore(%run_scoped3A : memref<!tpu.dma_semaphore, #tpu.memory_space<semaphore_mem>>)
      %dma_wait3A_478 = arith.constant 0 : i32
      %dma_wait3A_479 = tpu.memref_slice %arg3[%add3A, %dma_wait3A_478] : memref<32x8xi32, #tpu.memory_space<hbm>> -> memref<1x8xi32, #tpu.memory_space<hbm>>
      %dma_wait3A_480 = tpu.memref_squeeze %dma_wait3A_479 : memref<1x8xi32, #tpu.memory_space<hbm>> -> memref<8xi32, #tpu.memory_space<hbm>>
      %dma_wait3A_481 = arith.constant 0 : i32
      %dma_wait3A_482 = tpu.memref_slice %arg3[%add3A, %dma_wait3A_481] : memref<32x8xi32, #tpu.memory_space<hbm>> -> memref<1x8xi32, #tpu.memory_space<hbm>>
      %dma_wait3A_483 = tpu.memref_squeeze %dma_wait3A_482 : memref<1x8xi32, #tpu.memory_space<hbm>> -> memref<8xi32, #tpu.memory_space<hbm>>
      tpu.wait_dma2 semaphore(%run_scoped3A : memref<!tpu.dma_semaphore, #tpu.memory_space<semaphore_mem>>) src(%dma_wait3A_483 : memref<8xi32, #tpu.memory_space<hbm>>) dst(%arg6 : memref<8xi32, #tpu.memory_space<vmem>>)
      tpu.yield
    }) : () -> ()
    %dma_start3A = arith.constant 0 : i32
    %dma_start3A_1 = arith.constant 0 : i32
    %dma_start3A_2 = tpu.memref_slice %arg2[%dma_start3A, %dma_start3A_1] : memref<16000x800xf32, #tpu.memory_space<hbm>> -> memref<16000x800xf32, #tpu.memory_space<hbm>>
    tpu.enqueue_indirect_dma source(%dma_start3A_2 : memref<16000x800xf32, #tpu.memory_space<hbm>>) target(%arg7 : memref<8x800xf32, #tpu.memory_space<vmem>>) offsets(%arg6 : memref<8xi32, #tpu.memory_space<vmem>>) semaphore(%arg10 : memref<!tpu.dma_semaphore, #tpu.memory_space<semaphore_mem>>)
    %dma_wait3A = arith.constant 0 : i32
    %dma_wait3A_3 = arith.constant 0 : i32
    %dma_wait3A_4 = tpu.memref_slice %arg2[%dma_wait3A, %dma_wait3A_3] : memref<16000x800xf32, #tpu.memory_space<hbm>> -> memref<16000x800xf32, #tpu.memory_space<hbm>>
    tpu.wait_indirect_dma semaphore(%arg10 : memref<!tpu.dma_semaphore, #tpu.memory_space<semaphore_mem>>) src(%dma_wait3A_4 : memref<16000x800xf32, #tpu.memory_space<hbm>>) dst(%arg7 : memref<8x800xf32, #tpu.memory_space<vmem>>)
    %iota3A = tpu.iota {dimensions = array<i32: 0>} : vector<16xi32>
    %broadcast_in_dim3A = arith.constant 15 : i32
    %broadcast_in_dim3A_5 = vector.broadcast %broadcast_in_dim3A : i32 to vector<16xi32>
    %broadcast_in_dim3A_6 = arith.constant 0 : i32
    %broadcast_in_dim3A_7 = vector.broadcast %broadcast_in_dim3A_6 : i32 to vector<16xi32>
    %mul3A_8 = arith.constant 4 : i32
    %mul3A_9 = arith.muli %add3A, %mul3A_8 : i32
    %add3A_10 = arith.constant 0 : i32
    %add3A_11 = arith.addi %mul3A_9, %add3A_10 : i32
    "tpu.region"() ({
      %run_scoped3A = tpu.sem_alloc : memref<!tpu.dma_semaphore, #tpu.memory_space<semaphore_mem>>
      %dma_start3A_472 = arith.constant 0 : i32
      %dma_start3A_473 = arith.constant 0 : i32
      %dma_start3A_474 = tpu.memref_slice %arg4[%add3A_11, %dma_start3A_472, %dma_start3A_473] : memref<128x8x16xf32, #tpu.memory_space<hbm>> -> memref<1x8x16xf32, #tpu.memory_space<hbm>>
      %dma_start3A_475 = tpu.memref_squeeze %dma_start3A_474 : memref<1x8x16xf32, #tpu.memory_space<hbm>> -> memref<8x16xf32, #tpu.memory_space<hbm>>
      %dma_start3A_476 = arith.constant 0 : i32
      %dma_start3A_477 = arith.constant 0 : i32
      %dma_start3A_478 = tpu.memref_slice %arg4[%add3A_11, %dma_start3A_476, %dma_start3A_477] : memref<128x8x16xf32, #tpu.memory_space<hbm>> -> memref<1x8x16xf32, #tpu.memory_space<hbm>>
      %dma_start3A_479 = tpu.memref_squeeze %dma_start3A_478 : memref<1x8x16xf32, #tpu.memory_space<hbm>> -> memref<8x16xf32, #tpu.memory_space<hbm>>
      tpu.enqueue_dma source(%dma_start3A_479 : memref<8x16xf32, #tpu.memory_space<hbm>>) target(%arg8 : memref<8x16xf32, #tpu.memory_space<vmem>>) target_semaphore(%run_scoped3A : memref<!tpu.dma_semaphore, #tpu.memory_space<semaphore_mem>>)
      %dma_wait3A_480 = arith.constant 0 : i32
      %dma_wait3A_481 = arith.constant 0 : i32
      %dma_wait3A_482 = tpu.memref_slice %arg4[%add3A_11, %dma_wait3A_480, %dma_wait3A_481] : memref<128x8x16xf32, #tpu.memory_space<hbm>> -> memref<1x8x16xf32, #tpu.memory_space<hbm>>
      %dma_wait3A_483 = tpu.memref_squeeze %dma_wait3A_482 : memref<1x8x16xf32, #tpu.memory_space<hbm>> -> memref<8x16xf32, #tpu.memory_space<hbm>>
      %dma_wait3A_484 = arith.constant 0 : i32
      %dma_wait3A_485 = arith.constant 0 : i32
      %dma_wait3A_486 = tpu.memref_slice %arg4[%add3A_11, %dma_wait3A_484, %dma_wait3A_485] : memref<128x8x16xf32, #tpu.memory_space<hbm>> -> memref<1x8x16xf32, #tpu.memory_space<hbm>>
      %dma_wait3A_487 = tpu.memref_squeeze %dma_wait3A_486 : memref<1x8x16xf32, #tpu.memory_space<hbm>> -> memref<8x16xf32, #tpu.memory_space<hbm>>
      tpu.wait_dma2 semaphore(%run_scoped3A : memref<!tpu.dma_semaphore, #tpu.memory_space<semaphore_mem>>) src(%dma_wait3A_487 : memref<8x16xf32, #tpu.memory_space<hbm>>) dst(%arg8 : memref<8x16xf32, #tpu.memory_space<vmem>>)
      tpu.yield
    }) : () -> ()
    %get3A = arith.constant 0 : i32
    %get3A_12 = arith.index_cast %get3A : i32 to index
    %get3A_13 = arith.constant 0 : index
    %get3A_14 = tpu.vector_load %arg8[%get3A_12, %get3A_13] {strides = array<i32>} : memref<8x16xf32, #tpu.memory_space<vmem>>, vector<1x16xf32>,
    %get3A_15 = vector.shape_cast %get3A_14 : vector<1x16xf32> to vector<16xf32>
    %get3A_16 = arith.constant 1 : i32
    %get3A_17 = arith.index_cast %get3A_16 : i32 to index
    %get3A_18 = arith.constant 0 : index
    %get3A_19 = tpu.vector_load %arg8[%get3A_17, %get3A_18] {strides = array<i32>} : memref<8x16xf32, #tpu.memory_space<vmem>>, vector<1x16xf32>,
    %get3A_20 = vector.shape_cast %get3A_19 : vector<1x16xf32> to vector<16xf32>
    %get3A_21 = arith.constant 2 : i32
    %get3A_22 = arith.index_cast %get3A_21 : i32 to index
    %get3A_23 = arith.constant 0 : index
    %get3A_24 = tpu.vector_load %arg8[%get3A_22, %get3A_23] {strides = array<i32>} : memref<8x16xf32, #tpu.memory_space<vmem>>, vector<1x16xf32>,
    %get3A_25 = vector.shape_cast %get3A_24 : vector<1x16xf32> to vector<16xf32>
    %get3A_26 = arith.constant 3 : i32
    %get3A_27 = arith.index_cast %get3A_26 : i32 to index
    %get3A_28 = arith.constant 0 : index
    %get3A_29 = tpu.vector_load %arg8[%get3A_27, %get3A_28] {strides = array<i32>} : memref<8x16xf32, #tpu.memory_space<vmem>>, vector<1x16xf32>,
    %get3A_30 = vector.shape_cast %get3A_29 : vector<1x16xf32> to vector<16xf32>
    %get3A_31 = arith.constant 4 : i32
    %get3A_32 = arith.index_cast %get3A_31 : i32 to index
    %get3A_33 = arith.constant 0 : index
    %get3A_34 = tpu.vector_load %arg8[%get3A_32, %get3A_33] {strides = array<i32>} : memref<8x16xf32, #tpu.memory_space<vmem>>, vector<1x16xf32>,
    %get3A_35 = vector.shape_cast %get3A_34 : vector<1x16xf32> to vector<16xf32>
    %broadcast_in_dim3A_36 = arith.constant 0.000000e+00 : f32
    %broadcast_in_dim3A_37 = vector.broadcast %broadcast_in_dim3A_36 : f32 to vector<16xf32>
    %scan3A = arith.constant 0 : i32
    %scan3A_38 = arith.constant 50 : i32
    %scan3A_39 = arith.addi %scan3A, %scan3A_38 : i32
    %scan3A_40 = arith.constant 1 : i32
    %scan3A_41:2 = scf.for %scan3A_472 = %scan3A to %scan3A_39 step %scan3A_40 iter_args(%scan3A_473 = %get3A_25, %scan3A_474 = %broadcast_in_dim3A_37) -> (vector<16xf32>, vector<16xf32>)  : i32 {
      %mul3A_475 = arith.constant 16 : i32
      %mul3A_476 = arith.muli %scan3A_472, %mul3A_475 : i32
      %get3A_477 = arith.constant 0 : i32
      %get3A_478 = arith.index_cast %get3A_477 : i32 to index
      %get3A_479 = arith.index_cast %mul3A_476 : i32 to index
      %get3A_480 = tpu.vector_load %arg7[%get3A_478, %get3A_479] {strides = array<i32>} : memref<8x800xf32, #tpu.memory_space<vmem>>, vector<1x16xf32>,
      %get3A_481 = vector.shape_cast %get3A_480 : vector<1x16xf32> to vector<16xf32>
      %mul3A_482 = arith.mulf %get3A_481, %get3A_35 : vector<16xf32>
      %sub3A_483 = arith.subf %mul3A_482, %get3A_15 : vector<16xf32>
      %exp3A = math.exp %sub3A_483 : vector<16xf32>
      %iota3A_484 = tpu.iota {dimensions = array<i32: 0>} : vector<16xi32>
      %sub3A_485 = arith.constant 1 : i32
      %sub3A_486 = vector.broadcast %sub3A_485 : i32 to vector<16xi32>
      %sub3A_487 = arith.subi %iota3A_484, %sub3A_486 : vector<16xi32>
      %max3A_488 = arith.constant 0 : i32
      %max3A_489 = vector.broadcast %max3A_488 : i32 to vector<16xi32>
      %max3A_490 = arith.maxsi %sub3A_487, %max3A_489 : vector<16xi32>
      %broadcast_in_dim3A_491 = vector.shape_cast %max3A_490 : vector<16xi32> to vector<16x1xi32>
      %gather3A_492 = vector.shape_cast %broadcast_in_dim3A_491 : vector<16x1xi32> to vector<16xi32>
      %gather3A_493 = tpu.dynamic_gather %exp3A[%gather3A_492] in [0] : vector<16xf32>, vector<16xi32> -> vector<16xf32>
      %ge3A_494 = arith.constant 1 : i32
      %ge3A_495 = vector.broadcast %ge3A_494 : i32 to vector<16xi32>
      %ge3A_496 = arith.cmpi sge, %iota3A_484, %ge3A_495 : vector<16xi32>
      %jit3A_497 = arith.constant 0.000000e+00 : f32
      %broadcast_in_dim3A_498 = vector.broadcast %jit3A_497 : f32 to vector<16xf32>
      %select_n3A_499 = arith.select %ge3A_496, %gather3A_493, %broadcast_in_dim3A_498 : vector<16xi1>, vector<16xf32>
      %add3A_500 = arith.addf %exp3A, %select_n3A_499 : vector<16xf32>
      %sub3A_501 = arith.constant 2 : i32
      %sub3A_502 = vector.broadcast %sub3A_501 : i32 to vector<16xi32>
      %sub3A_503 = arith.subi %iota3A_484, %sub3A_502 : vector<16xi32>
      %max3A_504 = arith.constant 0 : i32
      %max3A_505 = vector.broadcast %max3A_504 : i32 to vector<16xi32>
      %max3A_506 = arith.maxsi %sub3A_503, %max3A_505 : vector<16xi32>
      %broadcast_in_dim3A_507 = vector.shape_cast %max3A_506 : vector<16xi32> to vector<16x1xi32>
      %gather3A_508 = vector.shape_cast %broadcast_in_dim3A_507 : vector<16x1xi32> to vector<16xi32>
      %gather3A_509 = tpu.dynamic_gather %add3A_500[%gather3A_508] in [0] : vector<16xf32>, vector<16xi32> -> vector<16xf32>
      %ge3A_510 = arith.constant 2 : i32
      %ge3A_511 = vector.broadcast %ge3A_510 : i32 to vector<16xi32>
      %ge3A_512 = arith.cmpi sge, %iota3A_484, %ge3A_511 : vector<16xi32>
      %jit3A_513 = arith.constant 0.000000e+00 : f32
      %broadcast_in_dim3A_514 = vector.broadcast %jit3A_513 : f32 to vector<16xf32>
      %select_n3A_515 = arith.select %ge3A_512, %gather3A_509, %broadcast_in_dim3A_514 : vector<16xi1>, vector<16xf32>
      %add3A_516 = arith.addf %add3A_500, %select_n3A_515 : vector<16xf32>
      %sub3A_517 = arith.constant 4 : i32
      %sub3A_518 = vector.broadcast %sub3A_517 : i32 to vector<16xi32>
      %sub3A_519 = arith.subi %iota3A_484, %sub3A_518 : vector<16xi32>
      %max3A_520 = arith.constant 0 : i32
      %max3A_521 = vector.broadcast %max3A_520 : i32 to vector<16xi32>
      %max3A_522 = arith.maxsi %sub3A_519, %max3A_521 : vector<16xi32>
      %broadcast_in_dim3A_523 = vector.shape_cast %max3A_522 : vector<16xi32> to vector<16x1xi32>
      %gather3A_524 = vector.shape_cast %broadcast_in_dim3A_523 : vector<16x1xi32> to vector<16xi32>
      %gather3A_525 = tpu.dynamic_gather %add3A_516[%gather3A_524] in [0] : vector<16xf32>, vector<16xi32> -> vector<16xf32>
      %ge3A_526 = arith.constant 4 : i32
      %ge3A_527 = vector.broadcast %ge3A_526 : i32 to vector<16xi32>
      %ge3A_528 = arith.cmpi sge, %iota3A_484, %ge3A_527 : vector<16xi32>
      %jit3A_529 = arith.constant 0.000000e+00 : f32
      %broadcast_in_dim3A_530 = vector.broadcast %jit3A_529 : f32 to vector<16xf32>
      %select_n3A_531 = arith.select %ge3A_528, %gather3A_525, %broadcast_in_dim3A_530 : vector<16xi1>, vector<16xf32>
      %add3A_532 = arith.addf %add3A_516, %select_n3A_531 : vector<16xf32>
      %sub3A_533 = arith.constant 8 : i32
      %sub3A_534 = vector.broadcast %sub3A_533 : i32 to vector<16xi32>
      %sub3A_535 = arith.subi %iota3A_484, %sub3A_534 : vector<16xi32>
      %max3A_536 = arith.constant 0 : i32
      %max3A_537 = vector.broadcast %max3A_536 : i32 to vector<16xi32>
      %max3A_538 = arith.maxsi %sub3A_535, %max3A_537 : vector<16xi32>
      %broadcast_in_dim3A_539 = vector.shape_cast %max3A_538 : vector<16xi32> to vector<16x1xi32>
      %gather3A_540 = vector.shape_cast %broadcast_in_dim3A_539 : vector<16x1xi32> to vector<16xi32>
      %gather3A_541 = tpu.dynamic_gather %add3A_532[%gather3A_540] in [0] : vector<16xf32>, vector<16xi32> -> vector<16xf32>
      %ge3A_542 = arith.constant 8 : i32
      %ge3A_543 = vector.broadcast %ge3A_542 : i32 to vector<16xi32>
      %ge3A_544 = arith.cmpi sge, %iota3A_484, %ge3A_543 : vector<16xi32>
      %jit3A_545 = arith.constant 0.000000e+00 : f32
      %broadcast_in_dim3A_546 = vector.broadcast %jit3A_545 : f32 to vector<16xf32>
      %select_n3A_547 = arith.select %ge3A_544, %gather3A_541, %broadcast_in_dim3A_546 : vector<16xi1>, vector<16xf32>
      %add3A_548 = arith.addf %add3A_532, %select_n3A_547 : vector<16xf32>
      %add3A_549 = arith.addf %scan3A_473, %add3A_548 : vector<16xf32>
      %broadcast_in_dim3A_550 = arith.constant 15 : i32
      %broadcast_in_dim3A_551 = vector.broadcast %broadcast_in_dim3A_550 : i32 to vector<16xi32>
      %broadcast_in_dim3A_552 = vector.shape_cast %broadcast_in_dim3A_551 : vector<16xi32> to vector<16x1xi32>
      %gather3A_553 = vector.shape_cast %broadcast_in_dim3A_552 : vector<16x1xi32> to vector<16xi32>
      %gather3A_554 = tpu.dynamic_gather %add3A_549[%gather3A_553] in [0] : vector<16xf32>, vector<16xi32> -> vector<16xf32>
      %lt3A = arith.cmpf olt, %add3A_549, %get3A_20 : vector<16xf32>
      %jit3A_555 = arith.constant 1.000000e+00 : f32
      %jit3A_556 = arith.constant 0.000000e+00 : f32
      %broadcast_in_dim3A_557 = vector.broadcast %jit3A_555 : f32 to vector<16xf32>
      %broadcast_in_dim3A_558 = vector.broadcast %jit3A_556 : f32 to vector<16xf32>
      %select_n3A_559 = arith.select %lt3A, %broadcast_in_dim3A_557, %broadcast_in_dim3A_558 : vector<16xi1>, vector<16xf32>
      %add3A_560 = arith.addf %scan3A_474, %select_n3A_559 : vector<16xf32>
      scf.yield %gather3A_554, %add3A_560 : vector<16xf32>, vector<16xf32>
    }
    %scan3A_42 = arith.constant 50 : i32
    %sub3A = arith.constant 1 : i32
    %sub3A_43 = vector.broadcast %sub3A : i32 to vector<16xi32>
    %sub3A_44 = arith.subi %iota3A, %sub3A_43 : vector<16xi32>
    %max3A = arith.constant 0 : i32
    %max3A_45 = vector.broadcast %max3A : i32 to vector<16xi32>
    %max3A_46 = arith.maxsi %sub3A_44, %max3A_45 : vector<16xi32>
    %broadcast_in_dim3A_47 = vector.shape_cast %max3A_46 : vector<16xi32> to vector<16x1xi32>
    %gather3A = vector.shape_cast %broadcast_in_dim3A_47 : vector<16x1xi32> to vector<16xi32>
    %gather3A_48 = tpu.dynamic_gather %scan3A_41#1[%gather3A] in [0] : vector<16xf32>, vector<16xi32> -> vector<16xf32>
    %ge3A = arith.constant 1 : i32
    %ge3A_49 = vector.broadcast %ge3A : i32 to vector<16xi32>
    %ge3A_50 = arith.cmpi sge, %iota3A, %ge3A_49 : vector<16xi32>
    %jit3A = arith.constant 0.000000e+00 : f32
    %broadcast_in_dim3A_51 = vector.broadcast %jit3A : f32 to vector<16xf32>
    %select_n3A = arith.select %ge3A_50, %gather3A_48, %broadcast_in_dim3A_51 : vector<16xi1>, vector<16xf32>
    %add3A_52 = arith.addf %scan3A_41#1, %select_n3A : vector<16xf32>
    %sub3A_53 = arith.constant 2 : i32
    %sub3A_54 = vector.broadcast %sub3A_53 : i32 to vector<16xi32>
    %sub3A_55 = arith.subi %iota3A, %sub3A_54 : vector<16xi32>
    %max3A_56 = arith.constant 0 : i32
    %max3A_57 = vector.broadcast %max3A_56 : i32 to vector<16xi32>
    %max3A_58 = arith.maxsi %sub3A_55, %max3A_57 : vector<16xi32>
    %broadcast_in_dim3A_59 = vector.shape_cast %max3A_58 : vector<16xi32> to vector<16x1xi32>
    %gather3A_60 = vector.shape_cast %broadcast_in_dim3A_59 : vector<16x1xi32> to vector<16xi32>
    %gather3A_61 = tpu.dynamic_gather %add3A_52[%gather3A_60] in [0] : vector<16xf32>, vector<16xi32> -> vector<16xf32>
    %ge3A_62 = arith.constant 2 : i32
    %ge3A_63 = vector.broadcast %ge3A_62 : i32 to vector<16xi32>
    %ge3A_64 = arith.cmpi sge, %iota3A, %ge3A_63 : vector<16xi32>
    %jit3A_65 = arith.constant 0.000000e+00 : f32
    %broadcast_in_dim3A_66 = vector.broadcast %jit3A_65 : f32 to vector<16xf32>
    %select_n3A_67 = arith.select %ge3A_64, %gather3A_61, %broadcast_in_dim3A_66 : vector<16xi1>, vector<16xf32>
    %add3A_68 = arith.addf %add3A_52, %select_n3A_67 : vector<16xf32>
    %sub3A_69 = arith.constant 4 : i32
    %sub3A_70 = vector.broadcast %sub3A_69 : i32 to vector<16xi32>
    %sub3A_71 = arith.subi %iota3A, %sub3A_70 : vector<16xi32>
    %max3A_72 = arith.constant 0 : i32
    %max3A_73 = vector.broadcast %max3A_72 : i32 to vector<16xi32>
    %max3A_74 = arith.maxsi %sub3A_71, %max3A_73 : vector<16xi32>
    %broadcast_in_dim3A_75 = vector.shape_cast %max3A_74 : vector<16xi32> to vector<16x1xi32>
    %gather3A_76 = vector.shape_cast %broadcast_in_dim3A_75 : vector<16x1xi32> to vector<16xi32>
    %gather3A_77 = tpu.dynamic_gather %add3A_68[%gather3A_76] in [0] : vector<16xf32>, vector<16xi32> -> vector<16xf32>
    %ge3A_78 = arith.constant 4 : i32
    %ge3A_79 = vector.broadcast %ge3A_78 : i32 to vector<16xi32>
    %ge3A_80 = arith.cmpi sge, %iota3A, %ge3A_79 : vector<16xi32>
    %jit3A_81 = arith.constant 0.000000e+00 : f32
    %broadcast_in_dim3A_82 = vector.broadcast %jit3A_81 : f32 to vector<16xf32>
    %select_n3A_83 = arith.select %ge3A_80, %gather3A_77, %broadcast_in_dim3A_82 : vector<16xi1>, vector<16xf32>
    %add3A_84 = arith.addf %add3A_68, %select_n3A_83 : vector<16xf32>
    %sub3A_85 = arith.constant 8 : i32
    %sub3A_86 = vector.broadcast %sub3A_85 : i32 to vector<16xi32>
    %sub3A_87 = arith.subi %iota3A, %sub3A_86 : vector<16xi32>
    %max3A_88 = arith.constant 0 : i32
    %max3A_89 = vector.broadcast %max3A_88 : i32 to vector<16xi32>
    %max3A_90 = arith.maxsi %sub3A_87, %max3A_89 : vector<16xi32>
    %broadcast_in_dim3A_91 = vector.shape_cast %max3A_90 : vector<16xi32> to vector<16x1xi32>
    %gather3A_92 = vector.shape_cast %broadcast_in_dim3A_91 : vector<16x1xi32> to vector<16xi32>
    %gather3A_93 = tpu.dynamic_gather %add3A_84[%gather3A_92] in [0] : vector<16xf32>, vector<16xi32> -> vector<16xf32>
    %ge3A_94 = arith.constant 8 : i32
    %ge3A_95 = vector.broadcast %ge3A_94 : i32 to vector<16xi32>
    %ge3A_96 = arith.cmpi sge, %iota3A, %ge3A_95 : vector<16xi32>
    %jit3A_97 = arith.constant 0.000000e+00 : f32
    %broadcast_in_dim3A_98 = vector.broadcast %jit3A_97 : f32 to vector<16xf32>
    %select_n3A_99 = arith.select %ge3A_96, %gather3A_93, %broadcast_in_dim3A_98 : vector<16xi1>, vector<16xf32>
    %add3A_100 = arith.addf %add3A_84, %select_n3A_99 : vector<16xf32>
    %broadcast_in_dim3A_101 = arith.constant 15 : i32
    %broadcast_in_dim3A_102 = vector.broadcast %broadcast_in_dim3A_101 : i32 to vector<16xi32>
    %broadcast_in_dim3A_103 = vector.shape_cast %broadcast_in_dim3A_102 : vector<16xi32> to vector<16x1xi32>
    %gather3A_104 = vector.shape_cast %broadcast_in_dim3A_103 : vector<16x1xi32> to vector<16xi32>
    %gather3A_105 = tpu.dynamic_gather %add3A_100[%gather3A_104] in [0] : vector<16xf32>, vector<16xi32> -> vector<16xf32>
    %mul3A_106 = arith.constant 8.000000e+02 : f32
    %mul3A_107 = vector.broadcast %mul3A_106 : f32 to vector<16xf32>
    %mul3A_108 = arith.mulf %get3A_30, %mul3A_107 : vector<16xf32>
    %add3A_109 = arith.addf %mul3A_108, %gather3A_105 : vector<16xf32>
    %min3A = arith.constant 9.999900e+04 : f32
    %min3A_110 = vector.broadcast %min3A : f32 to vector<16xf32>
    %min3A_111 = arith.minimumf %add3A_109, %min3A_110 : vector<16xf32>
    %convert_element_type3A = arith.fptosi %min3A_111 : vector<16xf32> to vector<16xi32>
    %eq3A = arith.constant 0 : i32
    %eq3A_112 = vector.broadcast %eq3A : i32 to vector<16xi32>
    %eq3A_113 = arith.cmpi eq, %iota3A, %eq3A_112 : vector<16xi32>
    %select_n3A_114 = arith.select %eq3A_113, %convert_element_type3A, %broadcast_in_dim3A_7 : vector<16xi1>, vector<16xi32>
    %mul3A_115 = arith.constant 4 : i32
    %mul3A_116 = arith.muli %add3A, %mul3A_115 : i32
    %add3A_117 = arith.constant 1 : i32
    %add3A_118 = arith.addi %mul3A_116, %add3A_117 : i32
    "tpu.region"() ({
      %run_scoped3A = tpu.sem_alloc : memref<!tpu.dma_semaphore, #tpu.memory_space<semaphore_mem>>
      %dma_start3A_472 = arith.constant 0 : i32
      %dma_start3A_473 = arith.constant 0 : i32
      %dma_start3A_474 = tpu.memref_slice %arg4[%add3A_118, %dma_start3A_472, %dma_start3A_473] : memref<128x8x16xf32, #tpu.memory_space<hbm>> -> memref<1x8x16xf32, #tpu.memory_space<hbm>>
      %dma_start3A_475 = tpu.memref_squeeze %dma_start3A_474 : memref<1x8x16xf32, #tpu.memory_space<hbm>> -> memref<8x16xf32, #tpu.memory_space<hbm>>
      %dma_start3A_476 = arith.constant 0 : i32
      %dma_start3A_477 = arith.constant 0 : i32
      %dma_start3A_478 = tpu.memref_slice %arg4[%add3A_118, %dma_start3A_476, %dma_start3A_477] : memref<128x8x16xf32, #tpu.memory_space<hbm>> -> memref<1x8x16xf32, #tpu.memory_space<hbm>>
      %dma_start3A_479 = tpu.memref_squeeze %dma_start3A_478 : memref<1x8x16xf32, #tpu.memory_space<hbm>> -> memref<8x16xf32, #tpu.memory_space<hbm>>
      tpu.enqueue_dma source(%dma_start3A_479 : memref<8x16xf32, #tpu.memory_space<hbm>>) target(%arg8 : memref<8x16xf32, #tpu.memory_space<vmem>>) target_semaphore(%run_scoped3A : memref<!tpu.dma_semaphore, #tpu.memory_space<semaphore_mem>>)
      %dma_wait3A_480 = arith.constant 0 : i32
      %dma_wait3A_481 = arith.constant 0 : i32
      %dma_wait3A_482 = tpu.memref_slice %arg4[%add3A_118, %dma_wait3A_480, %dma_wait3A_481] : memref<128x8x16xf32, #tpu.memory_space<hbm>> -> memref<1x8x16xf32, #tpu.memory_space<hbm>>
      %dma_wait3A_483 = tpu.memref_squeeze %dma_wait3A_482 : memref<1x8x16xf32, #tpu.memory_space<hbm>> -> memref<8x16xf32, #tpu.memory_space<hbm>>
      %dma_wait3A_484 = arith.constant 0 : i32
      %dma_wait3A_485 = arith.constant 0 : i32
      %dma_wait3A_486 = tpu.memref_slice %arg4[%add3A_118, %dma_wait3A_484, %dma_wait3A_485] : memref<128x8x16xf32, #tpu.memory_space<hbm>> -> memref<1x8x16xf32, #tpu.memory_space<hbm>>
      %dma_wait3A_487 = tpu.memref_squeeze %dma_wait3A_486 : memref<1x8x16xf32, #tpu.memory_space<hbm>> -> memref<8x16xf32, #tpu.memory_space<hbm>>
      tpu.wait_dma2 semaphore(%run_scoped3A : memref<!tpu.dma_semaphore, #tpu.memory_space<semaphore_mem>>) src(%dma_wait3A_487 : memref<8x16xf32, #tpu.memory_space<hbm>>) dst(%arg8 : memref<8x16xf32, #tpu.memory_space<vmem>>)
      tpu.yield
    }) : () -> ()
    %get3A_119 = arith.constant 0 : i32
    %get3A_120 = arith.index_cast %get3A_119 : i32 to index
    %get3A_121 = arith.constant 0 : index
    %get3A_122 = tpu.vector_load %arg8[%get3A_120, %get3A_121] {strides = array<i32>} : memref<8x16xf32, #tpu.memory_space<vmem>>, vector<1x16xf32>,
    %get3A_123 = vector.shape_cast %get3A_122 : vector<1x16xf32> to vector<16xf32>
    %get3A_124 = arith.constant 1 : i32
    %get3A_125 = arith.index_cast %get3A_124 : i32 to index
    %get3A_126 = arith.constant 0 : index
    %get3A_127 = tpu.vector_load %arg8[%get3A_125, %get3A_126] {strides = array<i32>} : memref<8x16xf32, #tpu.memory_space<vmem>>, vector<1x16xf32>,
    %get3A_128 = vector.shape_cast %get3A_127 : vector<1x16xf32> to vector<16xf32>
    %get3A_129 = arith.constant 2 : i32
    %get3A_130 = arith.index_cast %get3A_129 : i32 to index
    %get3A_131 = arith.constant 0 : index
    %get3A_132 = tpu.vector_load %arg8[%get3A_130, %get3A_131] {strides = array<i32>} : memref<8x16xf32, #tpu.memory_space<vmem>>, vector<1x16xf32>,
    %get3A_133 = vector.shape_cast %get3A_132 : vector<1x16xf32> to vector<16xf32>
    %get3A_134 = arith.constant 3 : i32
    %get3A_135 = arith.index_cast %get3A_134 : i32 to index
    %get3A_136 = arith.constant 0 : index
    %get3A_137 = tpu.vector_load %arg8[%get3A_135, %get3A_136] {strides = array<i32>} : memref<8x16xf32, #tpu.memory_space<vmem>>, vector<1x16xf32>,
    %get3A_138 = vector.shape_cast %get3A_137 : vector<1x16xf32> to vector<16xf32>
    %get3A_139 = arith.constant 4 : i32
    %get3A_140 = arith.index_cast %get3A_139 : i32 to index
    %get3A_141 = arith.constant 0 : index
    %get3A_142 = tpu.vector_load %arg8[%get3A_140, %get3A_141] {strides = array<i32>} : memref<8x16xf32, #tpu.memory_space<vmem>>, vector<1x16xf32>,
    %get3A_143 = vector.shape_cast %get3A_142 : vector<1x16xf32> to vector<16xf32>
    %broadcast_in_dim3A_144 = arith.constant 0.000000e+00 : f32
    %broadcast_in_dim3A_145 = vector.broadcast %broadcast_in_dim3A_144 : f32 to vector<16xf32>
    %scan3A_146 = arith.constant 0 : i32
    %scan3A_147 = arith.constant 50 : i32
    %scan3A_148 = arith.addi %scan3A_146, %scan3A_147 : i32
    %scan3A_149 = arith.constant 1 : i32
    %scan3A_150:2 = scf.for %scan3A_472 = %scan3A_146 to %scan3A_148 step %scan3A_149 iter_args(%scan3A_473 = %get3A_133, %scan3A_474 = %broadcast_in_dim3A_145) -> (vector<16xf32>, vector<16xf32>)  : i32 {
      %mul3A_475 = arith.constant 16 : i32
      %mul3A_476 = arith.muli %scan3A_472, %mul3A_475 : i32
      %get3A_477 = arith.constant 1 : i32
      %get3A_478 = arith.index_cast %get3A_477 : i32 to index
      %get3A_479 = arith.index_cast %mul3A_476 : i32 to index
      %get3A_480 = tpu.vector_load %arg7[%get3A_478, %get3A_479] {strides = array<i32>} : memref<8x800xf32, #tpu.memory_space<vmem>>, vector<1x16xf32>,
      %get3A_481 = vector.shape_cast %get3A_480 : vector<1x16xf32> to vector<16xf32>
      %mul3A_482 = arith.mulf %get3A_481, %get3A_143 : vector<16xf32>
      %sub3A_483 = arith.subf %mul3A_482, %get3A_123 : vector<16xf32>
      %exp3A = math.exp %sub3A_483 : vector<16xf32>
      %iota3A_484 = tpu.iota {dimensions = array<i32: 0>} : vector<16xi32>
      %sub3A_485 = arith.constant 1 : i32
      %sub3A_486 = vector.broadcast %sub3A_485 : i32 to vector<16xi32>
      %sub3A_487 = arith.subi %iota3A_484, %sub3A_486 : vector<16xi32>
      %max3A_488 = arith.constant 0 : i32
      %max3A_489 = vector.broadcast %max3A_488 : i32 to vector<16xi32>
      %max3A_490 = arith.maxsi %sub3A_487, %max3A_489 : vector<16xi32>
      %broadcast_in_dim3A_491 = vector.shape_cast %max3A_490 : vector<16xi32> to vector<16x1xi32>
      %gather3A_492 = vector.shape_cast %broadcast_in_dim3A_491 : vector<16x1xi32> to vector<16xi32>
      %gather3A_493 = tpu.dynamic_gather %exp3A[%gather3A_492] in [0] : vector<16xf32>, vector<16xi32> -> vector<16xf32>
      %ge3A_494 = arith.constant 1 : i32
      %ge3A_495 = vector.broadcast %ge3A_494 : i32 to vector<16xi32>
      %ge3A_496 = arith.cmpi sge, %iota3A_484, %ge3A_495 : vector<16xi32>
      %jit3A_497 = arith.constant 0.000000e+00 : f32
      %broadcast_in_dim3A_498 = vector.broadcast %jit3A_497 : f32 to vector<16xf32>
      %select_n3A_499 = arith.select %ge3A_496, %gather3A_493, %broadcast_in_dim3A_498 : vector<16xi1>, vector<16xf32>
      %add3A_500 = arith.addf %exp3A, %select_n3A_499 : vector<16xf32>
      %sub3A_501 = arith.constant 2 : i32
      %sub3A_502 = vector.broadcast %sub3A_501 : i32 to vector<16xi32>
      %sub3A_503 = arith.subi %iota3A_484, %sub3A_502 : vector<16xi32>
      %max3A_504 = arith.constant 0 : i32
      %max3A_505 = vector.broadcast %max3A_504 : i32 to vector<16xi32>
      %max3A_506 = arith.maxsi %sub3A_503, %max3A_505 : vector<16xi32>
      %broadcast_in_dim3A_507 = vector.shape_cast %max3A_506 : vector<16xi32> to vector<16x1xi32>
      %gather3A_508 = vector.shape_cast %broadcast_in_dim3A_507 : vector<16x1xi32> to vector<16xi32>
      %gather3A_509 = tpu.dynamic_gather %add3A_500[%gather3A_508] in [0] : vector<16xf32>, vector<16xi32> -> vector<16xf32>
      %ge3A_510 = arith.constant 2 : i32
      %ge3A_511 = vector.broadcast %ge3A_510 : i32 to vector<16xi32>
      %ge3A_512 = arith.cmpi sge, %iota3A_484, %ge3A_511 : vector<16xi32>
      %jit3A_513 = arith.constant 0.000000e+00 : f32
      %broadcast_in_dim3A_514 = vector.broadcast %jit3A_513 : f32 to vector<16xf32>
      %select_n3A_515 = arith.select %ge3A_512, %gather3A_509, %broadcast_in_dim3A_514 : vector<16xi1>, vector<16xf32>
      %add3A_516 = arith.addf %add3A_500, %select_n3A_515 : vector<16xf32>
      %sub3A_517 = arith.constant 4 : i32
      %sub3A_518 = vector.broadcast %sub3A_517 : i32 to vector<16xi32>
      %sub3A_519 = arith.subi %iota3A_484, %sub3A_518 : vector<16xi32>
      %max3A_520 = arith.constant 0 : i32
      %max3A_521 = vector.broadcast %max3A_520 : i32 to vector<16xi32>
      %max3A_522 = arith.maxsi %sub3A_519, %max3A_521 : vector<16xi32>
      %broadcast_in_dim3A_523 = vector.shape_cast %max3A_522 : vector<16xi32> to vector<16x1xi32>
      %gather3A_524 = vector.shape_cast %broadcast_in_dim3A_523 : vector<16x1xi32> to vector<16xi32>
      %gather3A_525 = tpu.dynamic_gather %add3A_516[%gather3A_524] in [0] : vector<16xf32>, vector<16xi32> -> vector<16xf32>
      %ge3A_526 = arith.constant 4 : i32
      %ge3A_527 = vector.broadcast %ge3A_526 : i32 to vector<16xi32>
      %ge3A_528 = arith.cmpi sge, %iota3A_484, %ge3A_527 : vector<16xi32>
      %jit3A_529 = arith.constant 0.000000e+00 : f32
      %broadcast_in_dim3A_530 = vector.broadcast %jit3A_529 : f32 to vector<16xf32>
      %select_n3A_531 = arith.select %ge3A_528, %gather3A_525, %broadcast_in_dim3A_530 : vector<16xi1>, vector<16xf32>
      %add3A_532 = arith.addf %add3A_516, %select_n3A_531 : vector<16xf32>
      %sub3A_533 = arith.constant 8 : i32
      %sub3A_534 = vector.broadcast %sub3A_533 : i32 to vector<16xi32>
      %sub3A_535 = arith.subi %iota3A_484, %sub3A_534 : vector<16xi32>
      %max3A_536 = arith.constant 0 : i32
      %max3A_537 = vector.broadcast %max3A_536 : i32 to vector<16xi32>
      %max3A_538 = arith.maxsi %sub3A_535, %max3A_537 : vector<16xi32>
      %broadcast_in_dim3A_539 = vector.shape_cast %max3A_538 : vector<16xi32> to vector<16x1xi32>
      %gather3A_540 = vector.shape_cast %broadcast_in_dim3A_539 : vector<16x1xi32> to vector<16xi32>
      %gather3A_541 = tpu.dynamic_gather %add3A_532[%gather3A_540] in [0] : vector<16xf32>, vector<16xi32> -> vector<16xf32>
      %ge3A_542 = arith.constant 8 : i32
      %ge3A_543 = vector.broadcast %ge3A_542 : i32 to vector<16xi32>
      %ge3A_544 = arith.cmpi sge, %iota3A_484, %ge3A_543 : vector<16xi32>
      %jit3A_545 = arith.constant 0.000000e+00 : f32
      %broadcast_in_dim3A_546 = vector.broadcast %jit3A_545 : f32 to vector<16xf32>
      %select_n3A_547 = arith.select %ge3A_544, %gather3A_541, %broadcast_in_dim3A_546 : vector<16xi1>, vector<16xf32>
      %add3A_548 = arith.addf %add3A_532, %select_n3A_547 : vector<16xf32>
      %add3A_549 = arith.addf %scan3A_473, %add3A_548 : vector<16xf32>
      %broadcast_in_dim3A_550 = arith.constant 15 : i32
      %broadcast_in_dim3A_551 = vector.broadcast %broadcast_in_dim3A_550 : i32 to vector<16xi32>
      %broadcast_in_dim3A_552 = vector.shape_cast %broadcast_in_dim3A_551 : vector<16xi32> to vector<16x1xi32>
      %gather3A_553 = vector.shape_cast %broadcast_in_dim3A_552 : vector<16x1xi32> to vector<16xi32>
      %gather3A_554 = tpu.dynamic_gather %add3A_549[%gather3A_553] in [0] : vector<16xf32>, vector<16xi32> -> vector<16xf32>
      %lt3A = arith.cmpf olt, %add3A_549, %get3A_128 : vector<16xf32>
      %jit3A_555 = arith.constant 1.000000e+00 : f32
      %jit3A_556 = arith.constant 0.000000e+00 : f32
      %broadcast_in_dim3A_557 = vector.broadcast %jit3A_555 : f32 to vector<16xf32>
      %broadcast_in_dim3A_558 = vector.broadcast %jit3A_556 : f32 to vector<16xf32>
      %select_n3A_559 = arith.select %lt3A, %broadcast_in_dim3A_557, %broadcast_in_dim3A_558 : vector<16xi1>, vector<16xf32>
      %add3A_560 = arith.addf %scan3A_474, %select_n3A_559 : vector<16xf32>
      scf.yield %gather3A_554, %add3A_560 : vector<16xf32>, vector<16xf32>
    }
    %scan3A_151 = arith.constant 50 : i32
    %sub3A_152 = arith.constant 1 : i32
    %sub3A_153 = vector.broadcast %sub3A_152 : i32 to vector<16xi32>
    %sub3A_154 = arith.subi %iota3A, %sub3A_153 : vector<16xi32>
    %max3A_155 = arith.constant 0 : i32
    %max3A_156 = vector.broadcast %max3A_155 : i32 to vector<16xi32>
    %max3A_157 = arith.maxsi %sub3A_154, %max3A_156 : vector<16xi32>
    %broadcast_in_dim3A_158 = vector.shape_cast %max3A_157 : vector<16xi32> to vector<16x1xi32>
    %gather3A_159 = vector.shape_cast %broadcast_in_dim3A_158 : vector<16x1xi32> to vector<16xi32>
    %gather3A_160 = tpu.dynamic_gather %scan3A_150#1[%gather3A_159] in [0] : vector<16xf32>, vector<16xi32> -> vector<16xf32>
    %ge3A_161 = arith.constant 1 : i32
    %ge3A_162 = vector.broadcast %ge3A_161 : i32 to vector<16xi32>
    %ge3A_163 = arith.cmpi sge, %iota3A, %ge3A_162 : vector<16xi32>
    %jit3A_164 = arith.constant 0.000000e+00 : f32
    %broadcast_in_dim3A_165 = vector.broadcast %jit3A_164 : f32 to vector<16xf32>
    %select_n3A_166 = arith.select %ge3A_163, %gather3A_160, %broadcast_in_dim3A_165 : vector<16xi1>, vector<16xf32>
    %add3A_167 = arith.addf %scan3A_150#1, %select_n3A_166 : vector<16xf32>
    %sub3A_168 = arith.constant 2 : i32
    %sub3A_169 = vector.broadcast %sub3A_168 : i32 to vector<16xi32>
    %sub3A_170 = arith.subi %iota3A, %sub3A_169 : vector<16xi32>
    %max3A_171 = arith.constant 0 : i32
    %max3A_172 = vector.broadcast %max3A_171 : i32 to vector<16xi32>
    %max3A_173 = arith.maxsi %sub3A_170, %max3A_172 : vector<16xi32>
    %broadcast_in_dim3A_174 = vector.shape_cast %max3A_173 : vector<16xi32> to vector<16x1xi32>
    %gather3A_175 = vector.shape_cast %broadcast_in_dim3A_174 : vector<16x1xi32> to vector<16xi32>
    %gather3A_176 = tpu.dynamic_gather %add3A_167[%gather3A_175] in [0] : vector<16xf32>, vector<16xi32> -> vector<16xf32>
    %ge3A_177 = arith.constant 2 : i32
    %ge3A_178 = vector.broadcast %ge3A_177 : i32 to vector<16xi32>
    %ge3A_179 = arith.cmpi sge, %iota3A, %ge3A_178 : vector<16xi32>
    %jit3A_180 = arith.constant 0.000000e+00 : f32
    %broadcast_in_dim3A_181 = vector.broadcast %jit3A_180 : f32 to vector<16xf32>
    %select_n3A_182 = arith.select %ge3A_179, %gather3A_176, %broadcast_in_dim3A_181 : vector<16xi1>, vector<16xf32>
    %add3A_183 = arith.addf %add3A_167, %select_n3A_182 : vector<16xf32>
    %sub3A_184 = arith.constant 4 : i32
    %sub3A_185 = vector.broadcast %sub3A_184 : i32 to vector<16xi32>
    %sub3A_186 = arith.subi %iota3A, %sub3A_185 : vector<16xi32>
    %max3A_187 = arith.constant 0 : i32
    %max3A_188 = vector.broadcast %max3A_187 : i32 to vector<16xi32>
    %max3A_189 = arith.maxsi %sub3A_186, %max3A_188 : vector<16xi32>
    %broadcast_in_dim3A_190 = vector.shape_cast %max3A_189 : vector<16xi32> to vector<16x1xi32>
    %gather3A_191 = vector.shape_cast %broadcast_in_dim3A_190 : vector<16x1xi32> to vector<16xi32>
    %gather3A_192 = tpu.dynamic_gather %add3A_183[%gather3A_191] in [0] : vector<16xf32>, vector<16xi32> -> vector<16xf32>
    %ge3A_193 = arith.constant 4 : i32
    %ge3A_194 = vector.broadcast %ge3A_193 : i32 to vector<16xi32>
    %ge3A_195 = arith.cmpi sge, %iota3A, %ge3A_194 : vector<16xi32>
    %jit3A_196 = arith.constant 0.000000e+00 : f32
    %broadcast_in_dim3A_197 = vector.broadcast %jit3A_196 : f32 to vector<16xf32>
    %select_n3A_198 = arith.select %ge3A_195, %gather3A_192, %broadcast_in_dim3A_197 : vector<16xi1>, vector<16xf32>
    %add3A_199 = arith.addf %add3A_183, %select_n3A_198 : vector<16xf32>
    %sub3A_200 = arith.constant 8 : i32
    %sub3A_201 = vector.broadcast %sub3A_200 : i32 to vector<16xi32>
    %sub3A_202 = arith.subi %iota3A, %sub3A_201 : vector<16xi32>
    %max3A_203 = arith.constant 0 : i32
    %max3A_204 = vector.broadcast %max3A_203 : i32 to vector<16xi32>
    %max3A_205 = arith.maxsi %sub3A_202, %max3A_204 : vector<16xi32>
    %broadcast_in_dim3A_206 = vector.shape_cast %max3A_205 : vector<16xi32> to vector<16x1xi32>
    %gather3A_207 = vector.shape_cast %broadcast_in_dim3A_206 : vector<16x1xi32> to vector<16xi32>
    %gather3A_208 = tpu.dynamic_gather %add3A_199[%gather3A_207] in [0] : vector<16xf32>, vector<16xi32> -> vector<16xf32>
    %ge3A_209 = arith.constant 8 : i32
    %ge3A_210 = vector.broadcast %ge3A_209 : i32 to vector<16xi32>
    %ge3A_211 = arith.cmpi sge, %iota3A, %ge3A_210 : vector<16xi32>
    %jit3A_212 = arith.constant 0.000000e+00 : f32
    %broadcast_in_dim3A_213 = vector.broadcast %jit3A_212 : f32 to vector<16xf32>
    %select_n3A_214 = arith.select %ge3A_211, %gather3A_208, %broadcast_in_dim3A_213 : vector<16xi1>, vector<16xf32>
    %add3A_215 = arith.addf %add3A_199, %select_n3A_214 : vector<16xf32>
    %broadcast_in_dim3A_216 = arith.constant 15 : i32
    %broadcast_in_dim3A_217 = vector.broadcast %broadcast_in_dim3A_216 : i32 to vector<16xi32>
    %broadcast_in_dim3A_218 = vector.shape_cast %broadcast_in_dim3A_217 : vector<16xi32> to vector<16x1xi32>
    %gather3A_219 = vector.shape_cast %broadcast_in_dim3A_218 : vector<16x1xi32> to vector<16xi32>
    %gather3A_220 = tpu.dynamic_gather %add3A_215[%gather3A_219] in [0] : vector<16xf32>, vector<16xi32> -> vector<16xf32>
    %mul3A_221 = arith.constant 8.000000e+02 : f32
    %mul3A_222 = vector.broadcast %mul3A_221 : f32 to vector<16xf32>
    %mul3A_223 = arith.mulf %get3A_138, %mul3A_222 : vector<16xf32>
    %add3A_224 = arith.addf %mul3A_223, %gather3A_220 : vector<16xf32>
    %min3A_225 = arith.constant 9.999900e+04 : f32
    %min3A_226 = vector.broadcast %min3A_225 : f32 to vector<16xf32>
    %min3A_227 = arith.minimumf %add3A_224, %min3A_226 : vector<16xf32>
    %convert_element_type3A_228 = arith.fptosi %min3A_227 : vector<16xf32> to vector<16xi32>
    %eq3A_229 = arith.constant 1 : i32
    %eq3A_230 = vector.broadcast %eq3A_229 : i32 to vector<16xi32>
    %eq3A_231 = arith.cmpi eq, %iota3A, %eq3A_230 : vector<16xi32>
    %select_n3A_232 = arith.select %eq3A_231, %convert_element_type3A_228, %select_n3A_114 : vector<16xi1>, vector<16xi32>
    %mul3A_233 = arith.constant 4 : i32
    %mul3A_234 = arith.muli %add3A, %mul3A_233 : i32
    %add3A_235 = arith.constant 2 : i32
    %add3A_236 = arith.addi %mul3A_234, %add3A_235 : i32
    "tpu.region"() ({
      %run_scoped3A = tpu.sem_alloc : memref<!tpu.dma_semaphore, #tpu.memory_space<semaphore_mem>>
      %dma_start3A_472 = arith.constant 0 : i32
      %dma_start3A_473 = arith.constant 0 : i32
      %dma_start3A_474 = tpu.memref_slice %arg4[%add3A_236, %dma_start3A_472, %dma_start3A_473] : memref<128x8x16xf32, #tpu.memory_space<hbm>> -> memref<1x8x16xf32, #tpu.memory_space<hbm>>
      %dma_start3A_475 = tpu.memref_squeeze %dma_start3A_474 : memref<1x8x16xf32, #tpu.memory_space<hbm>> -> memref<8x16xf32, #tpu.memory_space<hbm>>
      %dma_start3A_476 = arith.constant 0 : i32
      %dma_start3A_477 = arith.constant 0 : i32
      %dma_start3A_478 = tpu.memref_slice %arg4[%add3A_236, %dma_start3A_476, %dma_start3A_477] : memref<128x8x16xf32, #tpu.memory_space<hbm>> -> memref<1x8x16xf32, #tpu.memory_space<hbm>>
      %dma_start3A_479 = tpu.memref_squeeze %dma_start3A_478 : memref<1x8x16xf32, #tpu.memory_space<hbm>> -> memref<8x16xf32, #tpu.memory_space<hbm>>
      tpu.enqueue_dma source(%dma_start3A_479 : memref<8x16xf32, #tpu.memory_space<hbm>>) target(%arg8 : memref<8x16xf32, #tpu.memory_space<vmem>>) target_semaphore(%run_scoped3A : memref<!tpu.dma_semaphore, #tpu.memory_space<semaphore_mem>>)
      %dma_wait3A_480 = arith.constant 0 : i32
      %dma_wait3A_481 = arith.constant 0 : i32
      %dma_wait3A_482 = tpu.memref_slice %arg4[%add3A_236, %dma_wait3A_480, %dma_wait3A_481] : memref<128x8x16xf32, #tpu.memory_space<hbm>> -> memref<1x8x16xf32, #tpu.memory_space<hbm>>
      %dma_wait3A_483 = tpu.memref_squeeze %dma_wait3A_482 : memref<1x8x16xf32, #tpu.memory_space<hbm>> -> memref<8x16xf32, #tpu.memory_space<hbm>>
      %dma_wait3A_484 = arith.constant 0 : i32
      %dma_wait3A_485 = arith.constant 0 : i32
      %dma_wait3A_486 = tpu.memref_slice %arg4[%add3A_236, %dma_wait3A_484, %dma_wait3A_485] : memref<128x8x16xf32, #tpu.memory_space<hbm>> -> memref<1x8x16xf32, #tpu.memory_space<hbm>>
      %dma_wait3A_487 = tpu.memref_squeeze %dma_wait3A_486 : memref<1x8x16xf32, #tpu.memory_space<hbm>> -> memref<8x16xf32, #tpu.memory_space<hbm>>
      tpu.wait_dma2 semaphore(%run_scoped3A : memref<!tpu.dma_semaphore, #tpu.memory_space<semaphore_mem>>) src(%dma_wait3A_487 : memref<8x16xf32, #tpu.memory_space<hbm>>) dst(%arg8 : memref<8x16xf32, #tpu.memory_space<vmem>>)
      tpu.yield
    }) : () -> ()
    %get3A_237 = arith.constant 0 : i32
    %get3A_238 = arith.index_cast %get3A_237 : i32 to index
    %get3A_239 = arith.constant 0 : index
    %get3A_240 = tpu.vector_load %arg8[%get3A_238, %get3A_239] {strides = array<i32>} : memref<8x16xf32, #tpu.memory_space<vmem>>, vector<1x16xf32>,
    %get3A_241 = vector.shape_cast %get3A_240 : vector<1x16xf32> to vector<16xf32>
    %get3A_242 = arith.constant 1 : i32
    %get3A_243 = arith.index_cast %get3A_242 : i32 to index
    %get3A_244 = arith.constant 0 : index
    %get3A_245 = tpu.vector_load %arg8[%get3A_243, %get3A_244] {strides = array<i32>} : memref<8x16xf32, #tpu.memory_space<vmem>>, vector<1x16xf32>,
    %get3A_246 = vector.shape_cast %get3A_245 : vector<1x16xf32> to vector<16xf32>
    %get3A_247 = arith.constant 2 : i32
    %get3A_248 = arith.index_cast %get3A_247 : i32 to index
    %get3A_249 = arith.constant 0 : index
    %get3A_250 = tpu.vector_load %arg8[%get3A_248, %get3A_249] {strides = array<i32>} : memref<8x16xf32, #tpu.memory_space<vmem>>, vector<1x16xf32>,
    %get3A_251 = vector.shape_cast %get3A_250 : vector<1x16xf32> to vector<16xf32>
    %get3A_252 = arith.constant 3 : i32
    %get3A_253 = arith.index_cast %get3A_252 : i32 to index
    %get3A_254 = arith.constant 0 : index
    %get3A_255 = tpu.vector_load %arg8[%get3A_253, %get3A_254] {strides = array<i32>} : memref<8x16xf32, #tpu.memory_space<vmem>>, vector<1x16xf32>,
    %get3A_256 = vector.shape_cast %get3A_255 : vector<1x16xf32> to vector<16xf32>
    %get3A_257 = arith.constant 4 : i32
    %get3A_258 = arith.index_cast %get3A_257 : i32 to index
    %get3A_259 = arith.constant 0 : index
    %get3A_260 = tpu.vector_load %arg8[%get3A_258, %get3A_259] {strides = array<i32>} : memref<8x16xf32, #tpu.memory_space<vmem>>, vector<1x16xf32>,
    %get3A_261 = vector.shape_cast %get3A_260 : vector<1x16xf32> to vector<16xf32>
    %broadcast_in_dim3A_262 = arith.constant 0.000000e+00 : f32
    %broadcast_in_dim3A_263 = vector.broadcast %broadcast_in_dim3A_262 : f32 to vector<16xf32>
    %scan3A_264 = arith.constant 0 : i32
    %scan3A_265 = arith.constant 50 : i32
    %scan3A_266 = arith.addi %scan3A_264, %scan3A_265 : i32
    %scan3A_267 = arith.constant 1 : i32
    %scan3A_268:2 = scf.for %scan3A_472 = %scan3A_264 to %scan3A_266 step %scan3A_267 iter_args(%scan3A_473 = %get3A_251, %scan3A_474 = %broadcast_in_dim3A_263) -> (vector<16xf32>, vector<16xf32>)  : i32 {
      %mul3A_475 = arith.constant 16 : i32
      %mul3A_476 = arith.muli %scan3A_472, %mul3A_475 : i32
      %get3A_477 = arith.constant 2 : i32
      %get3A_478 = arith.index_cast %get3A_477 : i32 to index
      %get3A_479 = arith.index_cast %mul3A_476 : i32 to index
      %get3A_480 = tpu.vector_load %arg7[%get3A_478, %get3A_479] {strides = array<i32>} : memref<8x800xf32, #tpu.memory_space<vmem>>, vector<1x16xf32>,
      %get3A_481 = vector.shape_cast %get3A_480 : vector<1x16xf32> to vector<16xf32>
      %mul3A_482 = arith.mulf %get3A_481, %get3A_261 : vector<16xf32>
      %sub3A_483 = arith.subf %mul3A_482, %get3A_241 : vector<16xf32>
      %exp3A = math.exp %sub3A_483 : vector<16xf32>
      %iota3A_484 = tpu.iota {dimensions = array<i32: 0>} : vector<16xi32>
      %sub3A_485 = arith.constant 1 : i32
      %sub3A_486 = vector.broadcast %sub3A_485 : i32 to vector<16xi32>
      %sub3A_487 = arith.subi %iota3A_484, %sub3A_486 : vector<16xi32>
      %max3A_488 = arith.constant 0 : i32
      %max3A_489 = vector.broadcast %max3A_488 : i32 to vector<16xi32>
      %max3A_490 = arith.maxsi %sub3A_487, %max3A_489 : vector<16xi32>
      %broadcast_in_dim3A_491 = vector.shape_cast %max3A_490 : vector<16xi32> to vector<16x1xi32>
      %gather3A_492 = vector.shape_cast %broadcast_in_dim3A_491 : vector<16x1xi32> to vector<16xi32>
      %gather3A_493 = tpu.dynamic_gather %exp3A[%gather3A_492] in [0] : vector<16xf32>, vector<16xi32> -> vector<16xf32>
      %ge3A_494 = arith.constant 1 : i32
      %ge3A_495 = vector.broadcast %ge3A_494 : i32 to vector<16xi32>
      %ge3A_496 = arith.cmpi sge, %iota3A_484, %ge3A_495 : vector<16xi32>
      %jit3A_497 = arith.constant 0.000000e+00 : f32
      %broadcast_in_dim3A_498 = vector.broadcast %jit3A_497 : f32 to vector<16xf32>
      %select_n3A_499 = arith.select %ge3A_496, %gather3A_493, %broadcast_in_dim3A_498 : vector<16xi1>, vector<16xf32>
      %add3A_500 = arith.addf %exp3A, %select_n3A_499 : vector<16xf32>
      %sub3A_501 = arith.constant 2 : i32
      %sub3A_502 = vector.broadcast %sub3A_501 : i32 to vector<16xi32>
      %sub3A_503 = arith.subi %iota3A_484, %sub3A_502 : vector<16xi32>
      %max3A_504 = arith.constant 0 : i32
      %max3A_505 = vector.broadcast %max3A_504 : i32 to vector<16xi32>
      %max3A_506 = arith.maxsi %sub3A_503, %max3A_505 : vector<16xi32>
      %broadcast_in_dim3A_507 = vector.shape_cast %max3A_506 : vector<16xi32> to vector<16x1xi32>
      %gather3A_508 = vector.shape_cast %broadcast_in_dim3A_507 : vector<16x1xi32> to vector<16xi32>
      %gather3A_509 = tpu.dynamic_gather %add3A_500[%gather3A_508] in [0] : vector<16xf32>, vector<16xi32> -> vector<16xf32>
      %ge3A_510 = arith.constant 2 : i32
      %ge3A_511 = vector.broadcast %ge3A_510 : i32 to vector<16xi32>
      %ge3A_512 = arith.cmpi sge, %iota3A_484, %ge3A_511 : vector<16xi32>
      %jit3A_513 = arith.constant 0.000000e+00 : f32
      %broadcast_in_dim3A_514 = vector.broadcast %jit3A_513 : f32 to vector<16xf32>
      %select_n3A_515 = arith.select %ge3A_512, %gather3A_509, %broadcast_in_dim3A_514 : vector<16xi1>, vector<16xf32>
      %add3A_516 = arith.addf %add3A_500, %select_n3A_515 : vector<16xf32>
      %sub3A_517 = arith.constant 4 : i32
      %sub3A_518 = vector.broadcast %sub3A_517 : i32 to vector<16xi32>
      %sub3A_519 = arith.subi %iota3A_484, %sub3A_518 : vector<16xi32>
      %max3A_520 = arith.constant 0 : i32
      %max3A_521 = vector.broadcast %max3A_520 : i32 to vector<16xi32>
      %max3A_522 = arith.maxsi %sub3A_519, %max3A_521 : vector<16xi32>
      %broadcast_in_dim3A_523 = vector.shape_cast %max3A_522 : vector<16xi32> to vector<16x1xi32>
      %gather3A_524 = vector.shape_cast %broadcast_in_dim3A_523 : vector<16x1xi32> to vector<16xi32>
      %gather3A_525 = tpu.dynamic_gather %add3A_516[%gather3A_524] in [0] : vector<16xf32>, vector<16xi32> -> vector<16xf32>
      %ge3A_526 = arith.constant 4 : i32
      %ge3A_527 = vector.broadcast %ge3A_526 : i32 to vector<16xi32>
      %ge3A_528 = arith.cmpi sge, %iota3A_484, %ge3A_527 : vector<16xi32>
      %jit3A_529 = arith.constant 0.000000e+00 : f32
      %broadcast_in_dim3A_530 = vector.broadcast %jit3A_529 : f32 to vector<16xf32>
      %select_n3A_531 = arith.select %ge3A_528, %gather3A_525, %broadcast_in_dim3A_530 : vector<16xi1>, vector<16xf32>
      %add3A_532 = arith.addf %add3A_516, %select_n3A_531 : vector<16xf32>
      %sub3A_533 = arith.constant 8 : i32
      %sub3A_534 = vector.broadcast %sub3A_533 : i32 to vector<16xi32>
      %sub3A_535 = arith.subi %iota3A_484, %sub3A_534 : vector<16xi32>
      %max3A_536 = arith.constant 0 : i32
      %max3A_537 = vector.broadcast %max3A_536 : i32 to vector<16xi32>
      %max3A_538 = arith.maxsi %sub3A_535, %max3A_537 : vector<16xi32>
      %broadcast_in_dim3A_539 = vector.shape_cast %max3A_538 : vector<16xi32> to vector<16x1xi32>
      %gather3A_540 = vector.shape_cast %broadcast_in_dim3A_539 : vector<16x1xi32> to vector<16xi32>
      %gather3A_541 = tpu.dynamic_gather %add3A_532[%gather3A_540] in [0] : vector<16xf32>, vector<16xi32> -> vector<16xf32>
      %ge3A_542 = arith.constant 8 : i32
      %ge3A_543 = vector.broadcast %ge3A_542 : i32 to vector<16xi32>
      %ge3A_544 = arith.cmpi sge, %iota3A_484, %ge3A_543 : vector<16xi32>
      %jit3A_545 = arith.constant 0.000000e+00 : f32
      %broadcast_in_dim3A_546 = vector.broadcast %jit3A_545 : f32 to vector<16xf32>
      %select_n3A_547 = arith.select %ge3A_544, %gather3A_541, %broadcast_in_dim3A_546 : vector<16xi1>, vector<16xf32>
      %add3A_548 = arith.addf %add3A_532, %select_n3A_547 : vector<16xf32>
      %add3A_549 = arith.addf %scan3A_473, %add3A_548 : vector<16xf32>
      %broadcast_in_dim3A_550 = arith.constant 15 : i32
      %broadcast_in_dim3A_551 = vector.broadcast %broadcast_in_dim3A_550 : i32 to vector<16xi32>
      %broadcast_in_dim3A_552 = vector.shape_cast %broadcast_in_dim3A_551 : vector<16xi32> to vector<16x1xi32>
      %gather3A_553 = vector.shape_cast %broadcast_in_dim3A_552 : vector<16x1xi32> to vector<16xi32>
      %gather3A_554 = tpu.dynamic_gather %add3A_549[%gather3A_553] in [0] : vector<16xf32>, vector<16xi32> -> vector<16xf32>
      %lt3A = arith.cmpf olt, %add3A_549, %get3A_246 : vector<16xf32>
      %jit3A_555 = arith.constant 1.000000e+00 : f32
      %jit3A_556 = arith.constant 0.000000e+00 : f32
      %broadcast_in_dim3A_557 = vector.broadcast %jit3A_555 : f32 to vector<16xf32>
      %broadcast_in_dim3A_558 = vector.broadcast %jit3A_556 : f32 to vector<16xf32>
      %select_n3A_559 = arith.select %lt3A, %broadcast_in_dim3A_557, %broadcast_in_dim3A_558 : vector<16xi1>, vector<16xf32>
      %add3A_560 = arith.addf %scan3A_474, %select_n3A_559 : vector<16xf32>
      scf.yield %gather3A_554, %add3A_560 : vector<16xf32>, vector<16xf32>
    }
    %scan3A_269 = arith.constant 50 : i32
    %sub3A_270 = arith.constant 1 : i32
    %sub3A_271 = vector.broadcast %sub3A_270 : i32 to vector<16xi32>
    %sub3A_272 = arith.subi %iota3A, %sub3A_271 : vector<16xi32>
    %max3A_273 = arith.constant 0 : i32
    %max3A_274 = vector.broadcast %max3A_273 : i32 to vector<16xi32>
    %max3A_275 = arith.maxsi %sub3A_272, %max3A_274 : vector<16xi32>
    %broadcast_in_dim3A_276 = vector.shape_cast %max3A_275 : vector<16xi32> to vector<16x1xi32>
    %gather3A_277 = vector.shape_cast %broadcast_in_dim3A_276 : vector<16x1xi32> to vector<16xi32>
    %gather3A_278 = tpu.dynamic_gather %scan3A_268#1[%gather3A_277] in [0] : vector<16xf32>, vector<16xi32> -> vector<16xf32>
    %ge3A_279 = arith.constant 1 : i32
    %ge3A_280 = vector.broadcast %ge3A_279 : i32 to vector<16xi32>
    %ge3A_281 = arith.cmpi sge, %iota3A, %ge3A_280 : vector<16xi32>
    %jit3A_282 = arith.constant 0.000000e+00 : f32
    %broadcast_in_dim3A_283 = vector.broadcast %jit3A_282 : f32 to vector<16xf32>
    %select_n3A_284 = arith.select %ge3A_281, %gather3A_278, %broadcast_in_dim3A_283 : vector<16xi1>, vector<16xf32>
    %add3A_285 = arith.addf %scan3A_268#1, %select_n3A_284 : vector<16xf32>
    %sub3A_286 = arith.constant 2 : i32
    %sub3A_287 = vector.broadcast %sub3A_286 : i32 to vector<16xi32>
    %sub3A_288 = arith.subi %iota3A, %sub3A_287 : vector<16xi32>
    %max3A_289 = arith.constant 0 : i32
    %max3A_290 = vector.broadcast %max3A_289 : i32 to vector<16xi32>
    %max3A_291 = arith.maxsi %sub3A_288, %max3A_290 : vector<16xi32>
    %broadcast_in_dim3A_292 = vector.shape_cast %max3A_291 : vector<16xi32> to vector<16x1xi32>
    %gather3A_293 = vector.shape_cast %broadcast_in_dim3A_292 : vector<16x1xi32> to vector<16xi32>
    %gather3A_294 = tpu.dynamic_gather %add3A_285[%gather3A_293] in [0] : vector<16xf32>, vector<16xi32> -> vector<16xf32>
    %ge3A_295 = arith.constant 2 : i32
    %ge3A_296 = vector.broadcast %ge3A_295 : i32 to vector<16xi32>
    %ge3A_297 = arith.cmpi sge, %iota3A, %ge3A_296 : vector<16xi32>
    %jit3A_298 = arith.constant 0.000000e+00 : f32
    %broadcast_in_dim3A_299 = vector.broadcast %jit3A_298 : f32 to vector<16xf32>
    %select_n3A_300 = arith.select %ge3A_297, %gather3A_294, %broadcast_in_dim3A_299 : vector<16xi1>, vector<16xf32>
    %add3A_301 = arith.addf %add3A_285, %select_n3A_300 : vector<16xf32>
    %sub3A_302 = arith.constant 4 : i32
    %sub3A_303 = vector.broadcast %sub3A_302 : i32 to vector<16xi32>
    %sub3A_304 = arith.subi %iota3A, %sub3A_303 : vector<16xi32>
    %max3A_305 = arith.constant 0 : i32
    %max3A_306 = vector.broadcast %max3A_305 : i32 to vector<16xi32>
    %max3A_307 = arith.maxsi %sub3A_304, %max3A_306 : vector<16xi32>
    %broadcast_in_dim3A_308 = vector.shape_cast %max3A_307 : vector<16xi32> to vector<16x1xi32>
    %gather3A_309 = vector.shape_cast %broadcast_in_dim3A_308 : vector<16x1xi32> to vector<16xi32>
    %gather3A_310 = tpu.dynamic_gather %add3A_301[%gather3A_309] in [0] : vector<16xf32>, vector<16xi32> -> vector<16xf32>
    %ge3A_311 = arith.constant 4 : i32
    %ge3A_312 = vector.broadcast %ge3A_311 : i32 to vector<16xi32>
    %ge3A_313 = arith.cmpi sge, %iota3A, %ge3A_312 : vector<16xi32>
    %jit3A_314 = arith.constant 0.000000e+00 : f32
    %broadcast_in_dim3A_315 = vector.broadcast %jit3A_314 : f32 to vector<16xf32>
    %select_n3A_316 = arith.select %ge3A_313, %gather3A_310, %broadcast_in_dim3A_315 : vector<16xi1>, vector<16xf32>
    %add3A_317 = arith.addf %add3A_301, %select_n3A_316 : vector<16xf32>
    %sub3A_318 = arith.constant 8 : i32
    %sub3A_319 = vector.broadcast %sub3A_318 : i32 to vector<16xi32>
    %sub3A_320 = arith.subi %iota3A, %sub3A_319 : vector<16xi32>
    %max3A_321 = arith.constant 0 : i32
    %max3A_322 = vector.broadcast %max3A_321 : i32 to vector<16xi32>
    %max3A_323 = arith.maxsi %sub3A_320, %max3A_322 : vector<16xi32>
    %broadcast_in_dim3A_324 = vector.shape_cast %max3A_323 : vector<16xi32> to vector<16x1xi32>
    %gather3A_325 = vector.shape_cast %broadcast_in_dim3A_324 : vector<16x1xi32> to vector<16xi32>
    %gather3A_326 = tpu.dynamic_gather %add3A_317[%gather3A_325] in [0] : vector<16xf32>, vector<16xi32> -> vector<16xf32>
    %ge3A_327 = arith.constant 8 : i32
    %ge3A_328 = vector.broadcast %ge3A_327 : i32 to vector<16xi32>
    %ge3A_329 = arith.cmpi sge, %iota3A, %ge3A_328 : vector<16xi32>
    %jit3A_330 = arith.constant 0.000000e+00 : f32
    %broadcast_in_dim3A_331 = vector.broadcast %jit3A_330 : f32 to vector<16xf32>
    %select_n3A_332 = arith.select %ge3A_329, %gather3A_326, %broadcast_in_dim3A_331 : vector<16xi1>, vector<16xf32>
    %add3A_333 = arith.addf %add3A_317, %select_n3A_332 : vector<16xf32>
    %broadcast_in_dim3A_334 = arith.constant 15 : i32
    %broadcast_in_dim3A_335 = vector.broadcast %broadcast_in_dim3A_334 : i32 to vector<16xi32>
    %broadcast_in_dim3A_336 = vector.shape_cast %broadcast_in_dim3A_335 : vector<16xi32> to vector<16x1xi32>
    %gather3A_337 = vector.shape_cast %broadcast_in_dim3A_336 : vector<16x1xi32> to vector<16xi32>
    %gather3A_338 = tpu.dynamic_gather %add3A_333[%gather3A_337] in [0] : vector<16xf32>, vector<16xi32> -> vector<16xf32>
    %mul3A_339 = arith.constant 8.000000e+02 : f32
    %mul3A_340 = vector.broadcast %mul3A_339 : f32 to vector<16xf32>
    %mul3A_341 = arith.mulf %get3A_256, %mul3A_340 : vector<16xf32>
    %add3A_342 = arith.addf %mul3A_341, %gather3A_338 : vector<16xf32>
    %min3A_343 = arith.constant 9.999900e+04 : f32
    %min3A_344 = vector.broadcast %min3A_343 : f32 to vector<16xf32>
    %min3A_345 = arith.minimumf %add3A_342, %min3A_344 : vector<16xf32>
    %convert_element_type3A_346 = arith.fptosi %min3A_345 : vector<16xf32> to vector<16xi32>
    %eq3A_347 = arith.constant 2 : i32
    %eq3A_348 = vector.broadcast %eq3A_347 : i32 to vector<16xi32>
    %eq3A_349 = arith.cmpi eq, %iota3A, %eq3A_348 : vector<16xi32>
    %select_n3A_350 = arith.select %eq3A_349, %convert_element_type3A_346, %select_n3A_232 : vector<16xi1>, vector<16xi32>
    %mul3A_351 = arith.constant 4 : i32
    %mul3A_352 = arith.muli %add3A, %mul3A_351 : i32
    %add3A_353 = arith.constant 3 : i32
    %add3A_354 = arith.addi %mul3A_352, %add3A_353 : i32
    "tpu.region"() ({
      %run_scoped3A = tpu.sem_alloc : memref<!tpu.dma_semaphore, #tpu.memory_space<semaphore_mem>>
      %dma_start3A_472 = arith.constant 0 : i32
      %dma_start3A_473 = arith.constant 0 : i32
      %dma_start3A_474 = tpu.memref_slice %arg4[%add3A_354, %dma_start3A_472, %dma_start3A_473] : memref<128x8x16xf32, #tpu.memory_space<hbm>> -> memref<1x8x16xf32, #tpu.memory_space<hbm>>
      %dma_start3A_475 = tpu.memref_squeeze %dma_start3A_474 : memref<1x8x16xf32, #tpu.memory_space<hbm>> -> memref<8x16xf32, #tpu.memory_space<hbm>>
      %dma_start3A_476 = arith.constant 0 : i32
      %dma_start3A_477 = arith.constant 0 : i32
      %dma_start3A_478 = tpu.memref_slice %arg4[%add3A_354, %dma_start3A_476, %dma_start3A_477] : memref<128x8x16xf32, #tpu.memory_space<hbm>> -> memref<1x8x16xf32, #tpu.memory_space<hbm>>
      %dma_start3A_479 = tpu.memref_squeeze %dma_start3A_478 : memref<1x8x16xf32, #tpu.memory_space<hbm>> -> memref<8x16xf32, #tpu.memory_space<hbm>>
      tpu.enqueue_dma source(%dma_start3A_479 : memref<8x16xf32, #tpu.memory_space<hbm>>) target(%arg8 : memref<8x16xf32, #tpu.memory_space<vmem>>) target_semaphore(%run_scoped3A : memref<!tpu.dma_semaphore, #tpu.memory_space<semaphore_mem>>)
      %dma_wait3A_480 = arith.constant 0 : i32
      %dma_wait3A_481 = arith.constant 0 : i32
      %dma_wait3A_482 = tpu.memref_slice %arg4[%add3A_354, %dma_wait3A_480, %dma_wait3A_481] : memref<128x8x16xf32, #tpu.memory_space<hbm>> -> memref<1x8x16xf32, #tpu.memory_space<hbm>>
      %dma_wait3A_483 = tpu.memref_squeeze %dma_wait3A_482 : memref<1x8x16xf32, #tpu.memory_space<hbm>> -> memref<8x16xf32, #tpu.memory_space<hbm>>
      %dma_wait3A_484 = arith.constant 0 : i32
      %dma_wait3A_485 = arith.constant 0 : i32
      %dma_wait3A_486 = tpu.memref_slice %arg4[%add3A_354, %dma_wait3A_484, %dma_wait3A_485] : memref<128x8x16xf32, #tpu.memory_space<hbm>> -> memref<1x8x16xf32, #tpu.memory_space<hbm>>
      %dma_wait3A_487 = tpu.memref_squeeze %dma_wait3A_486 : memref<1x8x16xf32, #tpu.memory_space<hbm>> -> memref<8x16xf32, #tpu.memory_space<hbm>>
      tpu.wait_dma2 semaphore(%run_scoped3A : memref<!tpu.dma_semaphore, #tpu.memory_space<semaphore_mem>>) src(%dma_wait3A_487 : memref<8x16xf32, #tpu.memory_space<hbm>>) dst(%arg8 : memref<8x16xf32, #tpu.memory_space<vmem>>)
      tpu.yield
    }) : () -> ()
    %get3A_355 = arith.constant 0 : i32
    %get3A_356 = arith.index_cast %get3A_355 : i32 to index
    %get3A_357 = arith.constant 0 : index
    %get3A_358 = tpu.vector_load %arg8[%get3A_356, %get3A_357] {strides = array<i32>} : memref<8x16xf32, #tpu.memory_space<vmem>>, vector<1x16xf32>,
    %get3A_359 = vector.shape_cast %get3A_358 : vector<1x16xf32> to vector<16xf32>
    %get3A_360 = arith.constant 1 : i32
    %get3A_361 = arith.index_cast %get3A_360 : i32 to index
    %get3A_362 = arith.constant 0 : index
    %get3A_363 = tpu.vector_load %arg8[%get3A_361, %get3A_362] {strides = array<i32>} : memref<8x16xf32, #tpu.memory_space<vmem>>, vector<1x16xf32>,
    %get3A_364 = vector.shape_cast %get3A_363 : vector<1x16xf32> to vector<16xf32>
    %get3A_365 = arith.constant 2 : i32
    %get3A_366 = arith.index_cast %get3A_365 : i32 to index
    %get3A_367 = arith.constant 0 : index
    %get3A_368 = tpu.vector_load %arg8[%get3A_366, %get3A_367] {strides = array<i32>} : memref<8x16xf32, #tpu.memory_space<vmem>>, vector<1x16xf32>,
    %get3A_369 = vector.shape_cast %get3A_368 : vector<1x16xf32> to vector<16xf32>
    %get3A_370 = arith.constant 3 : i32
    %get3A_371 = arith.index_cast %get3A_370 : i32 to index
    %get3A_372 = arith.constant 0 : index
    %get3A_373 = tpu.vector_load %arg8[%get3A_371, %get3A_372] {strides = array<i32>} : memref<8x16xf32, #tpu.memory_space<vmem>>, vector<1x16xf32>,
    %get3A_374 = vector.shape_cast %get3A_373 : vector<1x16xf32> to vector<16xf32>
    %get3A_375 = arith.constant 4 : i32
    %get3A_376 = arith.index_cast %get3A_375 : i32 to index
    %get3A_377 = arith.constant 0 : index
    %get3A_378 = tpu.vector_load %arg8[%get3A_376, %get3A_377] {strides = array<i32>} : memref<8x16xf32, #tpu.memory_space<vmem>>, vector<1x16xf32>,
    %get3A_379 = vector.shape_cast %get3A_378 : vector<1x16xf32> to vector<16xf32>
    %broadcast_in_dim3A_380 = arith.constant 0.000000e+00 : f32
    %broadcast_in_dim3A_381 = vector.broadcast %broadcast_in_dim3A_380 : f32 to vector<16xf32>
    %scan3A_382 = arith.constant 0 : i32
    %scan3A_383 = arith.constant 50 : i32
    %scan3A_384 = arith.addi %scan3A_382, %scan3A_383 : i32
    %scan3A_385 = arith.constant 1 : i32
    %scan3A_386:2 = scf.for %scan3A_472 = %scan3A_382 to %scan3A_384 step %scan3A_385 iter_args(%scan3A_473 = %get3A_369, %scan3A_474 = %broadcast_in_dim3A_381) -> (vector<16xf32>, vector<16xf32>)  : i32 {
      %mul3A_475 = arith.constant 16 : i32
      %mul3A_476 = arith.muli %scan3A_472, %mul3A_475 : i32
      %get3A_477 = arith.constant 3 : i32
      %get3A_478 = arith.index_cast %get3A_477 : i32 to index
      %get3A_479 = arith.index_cast %mul3A_476 : i32 to index
      %get3A_480 = tpu.vector_load %arg7[%get3A_478, %get3A_479] {strides = array<i32>} : memref<8x800xf32, #tpu.memory_space<vmem>>, vector<1x16xf32>,
      %get3A_481 = vector.shape_cast %get3A_480 : vector<1x16xf32> to vector<16xf32>
      %mul3A_482 = arith.mulf %get3A_481, %get3A_379 : vector<16xf32>
      %sub3A_483 = arith.subf %mul3A_482, %get3A_359 : vector<16xf32>
      %exp3A = math.exp %sub3A_483 : vector<16xf32>
      %iota3A_484 = tpu.iota {dimensions = array<i32: 0>} : vector<16xi32>
      %sub3A_485 = arith.constant 1 : i32
      %sub3A_486 = vector.broadcast %sub3A_485 : i32 to vector<16xi32>
      %sub3A_487 = arith.subi %iota3A_484, %sub3A_486 : vector<16xi32>
      %max3A_488 = arith.constant 0 : i32
      %max3A_489 = vector.broadcast %max3A_488 : i32 to vector<16xi32>
      %max3A_490 = arith.maxsi %sub3A_487, %max3A_489 : vector<16xi32>
      %broadcast_in_dim3A_491 = vector.shape_cast %max3A_490 : vector<16xi32> to vector<16x1xi32>
      %gather3A_492 = vector.shape_cast %broadcast_in_dim3A_491 : vector<16x1xi32> to vector<16xi32>
      %gather3A_493 = tpu.dynamic_gather %exp3A[%gather3A_492] in [0] : vector<16xf32>, vector<16xi32> -> vector<16xf32>
      %ge3A_494 = arith.constant 1 : i32
      %ge3A_495 = vector.broadcast %ge3A_494 : i32 to vector<16xi32>
      %ge3A_496 = arith.cmpi sge, %iota3A_484, %ge3A_495 : vector<16xi32>
      %jit3A_497 = arith.constant 0.000000e+00 : f32
      %broadcast_in_dim3A_498 = vector.broadcast %jit3A_497 : f32 to vector<16xf32>
      %select_n3A_499 = arith.select %ge3A_496, %gather3A_493, %broadcast_in_dim3A_498 : vector<16xi1>, vector<16xf32>
      %add3A_500 = arith.addf %exp3A, %select_n3A_499 : vector<16xf32>
      %sub3A_501 = arith.constant 2 : i32
      %sub3A_502 = vector.broadcast %sub3A_501 : i32 to vector<16xi32>
      %sub3A_503 = arith.subi %iota3A_484, %sub3A_502 : vector<16xi32>
      %max3A_504 = arith.constant 0 : i32
      %max3A_505 = vector.broadcast %max3A_504 : i32 to vector<16xi32>
      %max3A_506 = arith.maxsi %sub3A_503, %max3A_505 : vector<16xi32>
      %broadcast_in_dim3A_507 = vector.shape_cast %max3A_506 : vector<16xi32> to vector<16x1xi32>
      %gather3A_508 = vector.shape_cast %broadcast_in_dim3A_507 : vector<16x1xi32> to vector<16xi32>
      %gather3A_509 = tpu.dynamic_gather %add3A_500[%gather3A_508] in [0] : vector<16xf32>, vector<16xi32> -> vector<16xf32>
      %ge3A_510 = arith.constant 2 : i32
      %ge3A_511 = vector.broadcast %ge3A_510 : i32 to vector<16xi32>
      %ge3A_512 = arith.cmpi sge, %iota3A_484, %ge3A_511 : vector<16xi32>
      %jit3A_513 = arith.constant 0.000000e+00 : f32
      %broadcast_in_dim3A_514 = vector.broadcast %jit3A_513 : f32 to vector<16xf32>
      %select_n3A_515 = arith.select %ge3A_512, %gather3A_509, %broadcast_in_dim3A_514 : vector<16xi1>, vector<16xf32>
      %add3A_516 = arith.addf %add3A_500, %select_n3A_515 : vector<16xf32>
      %sub3A_517 = arith.constant 4 : i32
      %sub3A_518 = vector.broadcast %sub3A_517 : i32 to vector<16xi32>
      %sub3A_519 = arith.subi %iota3A_484, %sub3A_518 : vector<16xi32>
      %max3A_520 = arith.constant 0 : i32
      %max3A_521 = vector.broadcast %max3A_520 : i32 to vector<16xi32>
      %max3A_522 = arith.maxsi %sub3A_519, %max3A_521 : vector<16xi32>
      %broadcast_in_dim3A_523 = vector.shape_cast %max3A_522 : vector<16xi32> to vector<16x1xi32>
      %gather3A_524 = vector.shape_cast %broadcast_in_dim3A_523 : vector<16x1xi32> to vector<16xi32>
      %gather3A_525 = tpu.dynamic_gather %add3A_516[%gather3A_524] in [0] : vector<16xf32>, vector<16xi32> -> vector<16xf32>
      %ge3A_526 = arith.constant 4 : i32
      %ge3A_527 = vector.broadcast %ge3A_526 : i32 to vector<16xi32>
      %ge3A_528 = arith.cmpi sge, %iota3A_484, %ge3A_527 : vector<16xi32>
      %jit3A_529 = arith.constant 0.000000e+00 : f32
      %broadcast_in_dim3A_530 = vector.broadcast %jit3A_529 : f32 to vector<16xf32>
      %select_n3A_531 = arith.select %ge3A_528, %gather3A_525, %broadcast_in_dim3A_530 : vector<16xi1>, vector<16xf32>
      %add3A_532 = arith.addf %add3A_516, %select_n3A_531 : vector<16xf32>
      %sub3A_533 = arith.constant 8 : i32
      %sub3A_534 = vector.broadcast %sub3A_533 : i32 to vector<16xi32>
      %sub3A_535 = arith.subi %iota3A_484, %sub3A_534 : vector<16xi32>
      %max3A_536 = arith.constant 0 : i32
      %max3A_537 = vector.broadcast %max3A_536 : i32 to vector<16xi32>
      %max3A_538 = arith.maxsi %sub3A_535, %max3A_537 : vector<16xi32>
      %broadcast_in_dim3A_539 = vector.shape_cast %max3A_538 : vector<16xi32> to vector<16x1xi32>
      %gather3A_540 = vector.shape_cast %broadcast_in_dim3A_539 : vector<16x1xi32> to vector<16xi32>
      %gather3A_541 = tpu.dynamic_gather %add3A_532[%gather3A_540] in [0] : vector<16xf32>, vector<16xi32> -> vector<16xf32>
      %ge3A_542 = arith.constant 8 : i32
      %ge3A_543 = vector.broadcast %ge3A_542 : i32 to vector<16xi32>
      %ge3A_544 = arith.cmpi sge, %iota3A_484, %ge3A_543 : vector<16xi32>
      %jit3A_545 = arith.constant 0.000000e+00 : f32
      %broadcast_in_dim3A_546 = vector.broadcast %jit3A_545 : f32 to vector<16xf32>
      %select_n3A_547 = arith.select %ge3A_544, %gather3A_541, %broadcast_in_dim3A_546 : vector<16xi1>, vector<16xf32>
      %add3A_548 = arith.addf %add3A_532, %select_n3A_547 : vector<16xf32>
      %add3A_549 = arith.addf %scan3A_473, %add3A_548 : vector<16xf32>
      %broadcast_in_dim3A_550 = arith.constant 15 : i32
      %broadcast_in_dim3A_551 = vector.broadcast %broadcast_in_dim3A_550 : i32 to vector<16xi32>
      %broadcast_in_dim3A_552 = vector.shape_cast %broadcast_in_dim3A_551 : vector<16xi32> to vector<16x1xi32>
      %gather3A_553 = vector.shape_cast %broadcast_in_dim3A_552 : vector<16x1xi32> to vector<16xi32>
      %gather3A_554 = tpu.dynamic_gather %add3A_549[%gather3A_553] in [0] : vector<16xf32>, vector<16xi32> -> vector<16xf32>
      %lt3A = arith.cmpf olt, %add3A_549, %get3A_364 : vector<16xf32>
      %jit3A_555 = arith.constant 1.000000e+00 : f32
      %jit3A_556 = arith.constant 0.000000e+00 : f32
      %broadcast_in_dim3A_557 = vector.broadcast %jit3A_555 : f32 to vector<16xf32>
      %broadcast_in_dim3A_558 = vector.broadcast %jit3A_556 : f32 to vector<16xf32>
      %select_n3A_559 = arith.select %lt3A, %broadcast_in_dim3A_557, %broadcast_in_dim3A_558 : vector<16xi1>, vector<16xf32>
      %add3A_560 = arith.addf %scan3A_474, %select_n3A_559 : vector<16xf32>
      scf.yield %gather3A_554, %add3A_560 : vector<16xf32>, vector<16xf32>
    }
    %scan3A_387 = arith.constant 50 : i32
    %sub3A_388 = arith.constant 1 : i32
    %sub3A_389 = vector.broadcast %sub3A_388 : i32 to vector<16xi32>
    %sub3A_390 = arith.subi %iota3A, %sub3A_389 : vector<16xi32>
    %max3A_391 = arith.constant 0 : i32
    %max3A_392 = vector.broadcast %max3A_391 : i32 to vector<16xi32>
    %max3A_393 = arith.maxsi %sub3A_390, %max3A_392 : vector<16xi32>
    %broadcast_in_dim3A_394 = vector.shape_cast %max3A_393 : vector<16xi32> to vector<16x1xi32>
    %gather3A_395 = vector.shape_cast %broadcast_in_dim3A_394 : vector<16x1xi32> to vector<16xi32>
    %gather3A_396 = tpu.dynamic_gather %scan3A_386#1[%gather3A_395] in [0] : vector<16xf32>, vector<16xi32> -> vector<16xf32>
    %ge3A_397 = arith.constant 1 : i32
    %ge3A_398 = vector.broadcast %ge3A_397 : i32 to vector<16xi32>
    %ge3A_399 = arith.cmpi sge, %iota3A, %ge3A_398 : vector<16xi32>
    %jit3A_400 = arith.constant 0.000000e+00 : f32
    %broadcast_in_dim3A_401 = vector.broadcast %jit3A_400 : f32 to vector<16xf32>
    %select_n3A_402 = arith.select %ge3A_399, %gather3A_396, %broadcast_in_dim3A_401 : vector<16xi1>, vector<16xf32>
    %add3A_403 = arith.addf %scan3A_386#1, %select_n3A_402 : vector<16xf32>
    %sub3A_404 = arith.constant 2 : i32
    %sub3A_405 = vector.broadcast %sub3A_404 : i32 to vector<16xi32>
    %sub3A_406 = arith.subi %iota3A, %sub3A_405 : vector<16xi32>
    %max3A_407 = arith.constant 0 : i32
    %max3A_408 = vector.broadcast %max3A_407 : i32 to vector<16xi32>
    %max3A_409 = arith.maxsi %sub3A_406, %max3A_408 : vector<16xi32>
    %broadcast_in_dim3A_410 = vector.shape_cast %max3A_409 : vector<16xi32> to vector<16x1xi32>
    %gather3A_411 = vector.shape_cast %broadcast_in_dim3A_410 : vector<16x1xi32> to vector<16xi32>
    %gather3A_412 = tpu.dynamic_gather %add3A_403[%gather3A_411] in [0] : vector<16xf32>, vector<16xi32> -> vector<16xf32>
    %ge3A_413 = arith.constant 2 : i32
    %ge3A_414 = vector.broadcast %ge3A_413 : i32 to vector<16xi32>
    %ge3A_415 = arith.cmpi sge, %iota3A, %ge3A_414 : vector<16xi32>
    %jit3A_416 = arith.constant 0.000000e+00 : f32
    %broadcast_in_dim3A_417 = vector.broadcast %jit3A_416 : f32 to vector<16xf32>
    %select_n3A_418 = arith.select %ge3A_415, %gather3A_412, %broadcast_in_dim3A_417 : vector<16xi1>, vector<16xf32>
    %add3A_419 = arith.addf %add3A_403, %select_n3A_418 : vector<16xf32>
    %sub3A_420 = arith.constant 4 : i32
    %sub3A_421 = vector.broadcast %sub3A_420 : i32 to vector<16xi32>
    %sub3A_422 = arith.subi %iota3A, %sub3A_421 : vector<16xi32>
    %max3A_423 = arith.constant 0 : i32
    %max3A_424 = vector.broadcast %max3A_423 : i32 to vector<16xi32>
    %max3A_425 = arith.maxsi %sub3A_422, %max3A_424 : vector<16xi32>
    %broadcast_in_dim3A_426 = vector.shape_cast %max3A_425 : vector<16xi32> to vector<16x1xi32>
    %gather3A_427 = vector.shape_cast %broadcast_in_dim3A_426 : vector<16x1xi32> to vector<16xi32>
    %gather3A_428 = tpu.dynamic_gather %add3A_419[%gather3A_427] in [0] : vector<16xf32>, vector<16xi32> -> vector<16xf32>
    %ge3A_429 = arith.constant 4 : i32
    %ge3A_430 = vector.broadcast %ge3A_429 : i32 to vector<16xi32>
    %ge3A_431 = arith.cmpi sge, %iota3A, %ge3A_430 : vector<16xi32>
    %jit3A_432 = arith.constant 0.000000e+00 : f32
    %broadcast_in_dim3A_433 = vector.broadcast %jit3A_432 : f32 to vector<16xf32>
    %select_n3A_434 = arith.select %ge3A_431, %gather3A_428, %broadcast_in_dim3A_433 : vector<16xi1>, vector<16xf32>
    %add3A_435 = arith.addf %add3A_419, %select_n3A_434 : vector<16xf32>
    %sub3A_436 = arith.constant 8 : i32
    %sub3A_437 = vector.broadcast %sub3A_436 : i32 to vector<16xi32>
    %sub3A_438 = arith.subi %iota3A, %sub3A_437 : vector<16xi32>
    %max3A_439 = arith.constant 0 : i32
    %max3A_440 = vector.broadcast %max3A_439 : i32 to vector<16xi32>
    %max3A_441 = arith.maxsi %sub3A_438, %max3A_440 : vector<16xi32>
    %broadcast_in_dim3A_442 = vector.shape_cast %max3A_441 : vector<16xi32> to vector<16x1xi32>
    %gather3A_443 = vector.shape_cast %broadcast_in_dim3A_442 : vector<16x1xi32> to vector<16xi32>
    %gather3A_444 = tpu.dynamic_gather %add3A_435[%gather3A_443] in [0] : vector<16xf32>, vector<16xi32> -> vector<16xf32>
    %ge3A_445 = arith.constant 8 : i32
    %ge3A_446 = vector.broadcast %ge3A_445 : i32 to vector<16xi32>
    %ge3A_447 = arith.cmpi sge, %iota3A, %ge3A_446 : vector<16xi32>
    %jit3A_448 = arith.constant 0.000000e+00 : f32
    %broadcast_in_dim3A_449 = vector.broadcast %jit3A_448 : f32 to vector<16xf32>
    %select_n3A_450 = arith.select %ge3A_447, %gather3A_444, %broadcast_in_dim3A_449 : vector<16xi1>, vector<16xf32>
    %add3A_451 = arith.addf %add3A_435, %select_n3A_450 : vector<16xf32>
    %broadcast_in_dim3A_452 = arith.constant 15 : i32
    %broadcast_in_dim3A_453 = vector.broadcast %broadcast_in_dim3A_452 : i32 to vector<16xi32>
    %broadcast_in_dim3A_454 = vector.shape_cast %broadcast_in_dim3A_453 : vector<16xi32> to vector<16x1xi32>
    %gather3A_455 = vector.shape_cast %broadcast_in_dim3A_454 : vector<16x1xi32> to vector<16xi32>
    %gather3A_456 = tpu.dynamic_gather %add3A_451[%gather3A_455] in [0] : vector<16xf32>, vector<16xi32> -> vector<16xf32>
    %mul3A_457 = arith.constant 8.000000e+02 : f32
    %mul3A_458 = vector.broadcast %mul3A_457 : f32 to vector<16xf32>
    %mul3A_459 = arith.mulf %get3A_374, %mul3A_458 : vector<16xf32>
    %add3A_460 = arith.addf %mul3A_459, %gather3A_456 : vector<16xf32>
    %min3A_461 = arith.constant 9.999900e+04 : f32
    %min3A_462 = vector.broadcast %min3A_461 : f32 to vector<16xf32>
    %min3A_463 = arith.minimumf %add3A_460, %min3A_462 : vector<16xf32>
    %convert_element_type3A_464 = arith.fptosi %min3A_463 : vector<16xf32> to vector<16xi32>
    %eq3A_465 = arith.constant 3 : i32
    %eq3A_466 = vector.broadcast %eq3A_465 : i32 to vector<16xi32>
    %eq3A_467 = arith.cmpi eq, %iota3A, %eq3A_466 : vector<16xi32>
    %select_n3A_468 = arith.select %eq3A_467, %convert_element_type3A_464, %select_n3A_350 : vector<16xi1>, vector<16xi32>
    %swap3A = arith.constant 0 : index
    %swap3A_469 = tpu.vector_load %arg9[%swap3A] {strides = array<i32>} : memref<16xi32, #tpu.memory_space<vmem>>, vector<16xi32>,
    %swap3A_470 = vector.shape_cast %swap3A_469 : vector<16xi32> to vector<16xi32>
    %swap3A_471 = vector.shape_cast %select_n3A_468 : vector<16xi32> to vector<16xi32>
    tpu.vector_store %arg9[%swap3A], %swap3A_471 {strides = array<i32>} : memref<16xi32, #tpu.memory_space<vmem>>, vector<16xi32>,
    "tpu.region"() ({
      %run_scoped3A = tpu.sem_alloc : memref<!tpu.dma_semaphore, #tpu.memory_space<semaphore_mem>>
      %dma_start3A_472 = arith.constant 0 : i32
      %dma_start3A_473 = tpu.memref_slice %arg5[%add3A, %dma_start3A_472] : memref<32x16xi32, #tpu.memory_space<hbm>> -> memref<1x16xi32, #tpu.memory_space<hbm>>
      %dma_start3A_474 = tpu.memref_squeeze %dma_start3A_473 : memref<1x16xi32, #tpu.memory_space<hbm>> -> memref<16xi32, #tpu.memory_space<hbm>>
      %dma_start3A_475 = arith.constant 0 : i32
      %dma_start3A_476 = tpu.memref_slice %arg5[%add3A, %dma_start3A_475] : memref<32x16xi32, #tpu.memory_space<hbm>> -> memref<1x16xi32, #tpu.memory_space<hbm>>
      %dma_start3A_477 = tpu.memref_squeeze %dma_start3A_476 : memref<1x16xi32, #tpu.memory_space<hbm>> -> memref<16xi32, #tpu.memory_space<hbm>>
      tpu.enqueue_dma source(%arg9 : memref<16xi32, #tpu.memory_space<vmem>>) target(%dma_start3A_477 : memref<16xi32, #tpu.memory_space<hbm>>) target_semaphore(%run_scoped3A : memref<!tpu.dma_semaphore, #tpu.memory_space<semaphore_mem>>)
      %dma_wait3A_478 = arith.constant 0 : i32
      %dma_wait3A_479 = tpu.memref_slice %arg5[%add3A, %dma_wait3A_478] : memref<32x16xi32, #tpu.memory_space<hbm>> -> memref<1x16xi32, #tpu.memory_space<hbm>>
      %dma_wait3A_480 = tpu.memref_squeeze %dma_wait3A_479 : memref<1x16xi32, #tpu.memory_space<hbm>> -> memref<16xi32, #tpu.memory_space<hbm>>
      %dma_wait3A_481 = arith.constant 0 : i32
      %dma_wait3A_482 = tpu.memref_slice %arg5[%add3A, %dma_wait3A_481] : memref<32x16xi32, #tpu.memory_space<hbm>> -> memref<1x16xi32, #tpu.memory_space<hbm>>
      %dma_wait3A_483 = tpu.memref_squeeze %dma_wait3A_482 : memref<1x16xi32, #tpu.memory_space<hbm>> -> memref<16xi32, #tpu.memory_space<hbm>>
      tpu.wait_dma2 semaphore(%run_scoped3A : memref<!tpu.dma_semaphore, #tpu.memory_space<semaphore_mem>>) src(%arg9 : memref<16xi32, #tpu.memory_space<vmem>>) dst(%dma_wait3A_483 : memref<16xi32, #tpu.memory_space<hbm>>)
      tpu.yield
    }) : () -> ()
    return
  }
}

module attributes {stable_mosaic.version = 14 : i64} {
  func.func @_stats_kernel(%arg0: i32, %arg1: memref<128x6400xf32, #tpu.memory_space<vmem>>, %arg2: memref<128x1xf32, #tpu.memory_space<vmem>>, %arg3: memref<128x1xf32, #tpu.memory_space<vmem>>, %arg4: memref<128x1xi32, #tpu.memory_space<vmem>>, %arg5: memref<128x8xf32, #tpu.memory_space<vmem>>, %arg6: memref<16x128x8xf32, #tpu.memory_space<vmem>>, %arg7: memref<16x128x8xf32, #tpu.memory_space<vmem>>) attributes {dimension_semantics = [#tpu.dimension_semantics<arbitrary>], iteration_bounds = array<i64: 16>, scalar_prefetch = 0 : i64, scratch_operands = 2 : i64, tpu.core_type = #tpu.core_type<tc>, window_params = [{transform_indices = @transform_0, window_bounds = array<i64: 128, 6400>}, {pipeline_mode = #tpu.pipeline_mode<synchronous>, transform_indices = @transform_1, window_bounds = array<i64: 128, 1>}, {pipeline_mode = #tpu.pipeline_mode<synchronous>, transform_indices = @transform_2, window_bounds = array<i64: 128, 1>}, {pipeline_mode = #tpu.pipeline_mode<synchronous>, transform_indices = @transform_3, window_bounds = array<i64: 128, 1>}, {pipeline_mode = #tpu.pipeline_mode<synchronous>, transform_indices = @transform_4, window_bounds = array<i64: 128, 8>}]} {
    %get3A = arith.constant 0 : index
    %get3A_0 = arith.constant 0 : index
    %get3A_1 = vector.load %arg1[%get3A, %get3A_0] : memref<128x6400xf32, #tpu.memory_space<vmem>>, vector<128x6400xf32>
    %get3A_2 = arith.constant 0 : index
    %get3A_3 = arith.constant 0 : index
    %get3A_4 = vector.load %arg2[%get3A_2, %get3A_3] : memref<128x1xf32, #tpu.memory_space<vmem>>, vector<128x1xf32>
    %lt3A = arith.constant 15 : i32
    %lt3A_5 = arith.cmpi slt, %arg0, %lt3A : i32
    %convert_element_type3A = arith.extui %lt3A_5 : i1 to i32
    %cond3A = arith.constant 0 : i32
    %cond3A_6 = arith.cmpi ne, %convert_element_type3A, %cond3A : i32
    scf.if %cond3A_6 {
      %mul3A = vector.broadcast %get3A_4 : vector<128x1xf32> to vector<128x6400xf32>
      %mul3A_11 = arith.mulf %get3A_1, %mul3A : vector<128x6400xf32>
      %slice3A = vector.extract_strided_slice %mul3A_11 {offsets = [0, 0], sizes = [128, 800], strides = [1, 1]} : vector<128x6400xf32> to vector<128x800xf32>
      %reduce_max3A = arith.constant dense<0xFF800000> : vector<128xf32>
      %reduce_max3A_12 = vector.multi_reduction <maximumf>, %slice3A, %reduce_max3A [1] : vector<128x800xf32> to vector<128xf32>
      %broadcast_in_dim3A = vector.shape_cast %reduce_max3A_12 : vector<128xf32> to vector<128x1xf32>
      %sub3A = vector.broadcast %broadcast_in_dim3A : vector<128x1xf32> to vector<128x800xf32>
      %sub3A_13 = arith.subf %slice3A, %sub3A : vector<128x800xf32>
      %exp3A = math.exp %sub3A_13 : vector<128x800xf32>
      %reduce_sum3A = arith.constant dense<0.000000e+00> : vector<128xf32>
      %reduce_sum3A_14 = vector.multi_reduction <add>, %exp3A, %reduce_sum3A [1] : vector<128x800xf32> to vector<128xf32>
      %broadcast_in_dim3A_15 = vector.shape_cast %reduce_sum3A_14 : vector<128xf32> to vector<128x1xf32>
      %slice3A_16 = vector.extract_strided_slice %mul3A_11 {offsets = [0, 800], sizes = [128, 800], strides = [1, 1]} : vector<128x6400xf32> to vector<128x800xf32>
      %reduce_max3A_17 = arith.constant dense<0xFF800000> : vector<128xf32>
      %reduce_max3A_18 = vector.multi_reduction <maximumf>, %slice3A_16, %reduce_max3A_17 [1] : vector<128x800xf32> to vector<128xf32>
      %broadcast_in_dim3A_19 = vector.shape_cast %reduce_max3A_18 : vector<128xf32> to vector<128x1xf32>
      %sub3A_20 = vector.broadcast %broadcast_in_dim3A_19 : vector<128x1xf32> to vector<128x800xf32>
      %sub3A_21 = arith.subf %slice3A_16, %sub3A_20 : vector<128x800xf32>
      %exp3A_22 = math.exp %sub3A_21 : vector<128x800xf32>
      %reduce_sum3A_23 = arith.constant dense<0.000000e+00> : vector<128xf32>
      %reduce_sum3A_24 = vector.multi_reduction <add>, %exp3A_22, %reduce_sum3A_23 [1] : vector<128x800xf32> to vector<128xf32>
      %broadcast_in_dim3A_25 = vector.shape_cast %reduce_sum3A_24 : vector<128xf32> to vector<128x1xf32>
      %slice3A_26 = vector.extract_strided_slice %mul3A_11 {offsets = [0, 1600], sizes = [128, 800], strides = [1, 1]} : vector<128x6400xf32> to vector<128x800xf32>
      %reduce_max3A_27 = arith.constant dense<0xFF800000> : vector<128xf32>
      %reduce_max3A_28 = vector.multi_reduction <maximumf>, %slice3A_26, %reduce_max3A_27 [1] : vector<128x800xf32> to vector<128xf32>
      %broadcast_in_dim3A_29 = vector.shape_cast %reduce_max3A_28 : vector<128xf32> to vector<128x1xf32>
      %sub3A_30 = vector.broadcast %broadcast_in_dim3A_29 : vector<128x1xf32> to vector<128x800xf32>
      %sub3A_31 = arith.subf %slice3A_26, %sub3A_30 : vector<128x800xf32>
      %exp3A_32 = math.exp %sub3A_31 : vector<128x800xf32>
      %reduce_sum3A_33 = arith.constant dense<0.000000e+00> : vector<128xf32>
      %reduce_sum3A_34 = vector.multi_reduction <add>, %exp3A_32, %reduce_sum3A_33 [1] : vector<128x800xf32> to vector<128xf32>
      %broadcast_in_dim3A_35 = vector.shape_cast %reduce_sum3A_34 : vector<128xf32> to vector<128x1xf32>
      %slice3A_36 = vector.extract_strided_slice %mul3A_11 {offsets = [0, 2400], sizes = [128, 800], strides = [1, 1]} : vector<128x6400xf32> to vector<128x800xf32>
      %reduce_max3A_37 = arith.constant dense<0xFF800000> : vector<128xf32>
      %reduce_max3A_38 = vector.multi_reduction <maximumf>, %slice3A_36, %reduce_max3A_37 [1] : vector<128x800xf32> to vector<128xf32>
      %broadcast_in_dim3A_39 = vector.shape_cast %reduce_max3A_38 : vector<128xf32> to vector<128x1xf32>
      %sub3A_40 = vector.broadcast %broadcast_in_dim3A_39 : vector<128x1xf32> to vector<128x800xf32>
      %sub3A_41 = arith.subf %slice3A_36, %sub3A_40 : vector<128x800xf32>
      %exp3A_42 = math.exp %sub3A_41 : vector<128x800xf32>
      %reduce_sum3A_43 = arith.constant dense<0.000000e+00> : vector<128xf32>
      %reduce_sum3A_44 = vector.multi_reduction <add>, %exp3A_42, %reduce_sum3A_43 [1] : vector<128x800xf32> to vector<128xf32>
      %broadcast_in_dim3A_45 = vector.shape_cast %reduce_sum3A_44 : vector<128xf32> to vector<128x1xf32>
      %slice3A_46 = vector.extract_strided_slice %mul3A_11 {offsets = [0, 3200], sizes = [128, 800], strides = [1, 1]} : vector<128x6400xf32> to vector<128x800xf32>
      %reduce_max3A_47 = arith.constant dense<0xFF800000> : vector<128xf32>
      %reduce_max3A_48 = vector.multi_reduction <maximumf>, %slice3A_46, %reduce_max3A_47 [1] : vector<128x800xf32> to vector<128xf32>
      %broadcast_in_dim3A_49 = vector.shape_cast %reduce_max3A_48 : vector<128xf32> to vector<128x1xf32>
      %sub3A_50 = vector.broadcast %broadcast_in_dim3A_49 : vector<128x1xf32> to vector<128x800xf32>
      %sub3A_51 = arith.subf %slice3A_46, %sub3A_50 : vector<128x800xf32>
      %exp3A_52 = math.exp %sub3A_51 : vector<128x800xf32>
      %reduce_sum3A_53 = arith.constant dense<0.000000e+00> : vector<128xf32>
      %reduce_sum3A_54 = vector.multi_reduction <add>, %exp3A_52, %reduce_sum3A_53 [1] : vector<128x800xf32> to vector<128xf32>
      %broadcast_in_dim3A_55 = vector.shape_cast %reduce_sum3A_54 : vector<128xf32> to vector<128x1xf32>
      %slice3A_56 = vector.extract_strided_slice %mul3A_11 {offsets = [0, 4000], sizes = [128, 800], strides = [1, 1]} : vector<128x6400xf32> to vector<128x800xf32>
      %reduce_max3A_57 = arith.constant dense<0xFF800000> : vector<128xf32>
      %reduce_max3A_58 = vector.multi_reduction <maximumf>, %slice3A_56, %reduce_max3A_57 [1] : vector<128x800xf32> to vector<128xf32>
      %broadcast_in_dim3A_59 = vector.shape_cast %reduce_max3A_58 : vector<128xf32> to vector<128x1xf32>
      %sub3A_60 = vector.broadcast %broadcast_in_dim3A_59 : vector<128x1xf32> to vector<128x800xf32>
      %sub3A_61 = arith.subf %slice3A_56, %sub3A_60 : vector<128x800xf32>
      %exp3A_62 = math.exp %sub3A_61 : vector<128x800xf32>
      %reduce_sum3A_63 = arith.constant dense<0.000000e+00> : vector<128xf32>
      %reduce_sum3A_64 = vector.multi_reduction <add>, %exp3A_62, %reduce_sum3A_63 [1] : vector<128x800xf32> to vector<128xf32>
      %broadcast_in_dim3A_65 = vector.shape_cast %reduce_sum3A_64 : vector<128xf32> to vector<128x1xf32>
      %slice3A_66 = vector.extract_strided_slice %mul3A_11 {offsets = [0, 4800], sizes = [128, 800], strides = [1, 1]} : vector<128x6400xf32> to vector<128x800xf32>
      %reduce_max3A_67 = arith.constant dense<0xFF800000> : vector<128xf32>
      %reduce_max3A_68 = vector.multi_reduction <maximumf>, %slice3A_66, %reduce_max3A_67 [1] : vector<128x800xf32> to vector<128xf32>
      %broadcast_in_dim3A_69 = vector.shape_cast %reduce_max3A_68 : vector<128xf32> to vector<128x1xf32>
      %sub3A_70 = vector.broadcast %broadcast_in_dim3A_69 : vector<128x1xf32> to vector<128x800xf32>
      %sub3A_71 = arith.subf %slice3A_66, %sub3A_70 : vector<128x800xf32>
      %exp3A_72 = math.exp %sub3A_71 : vector<128x800xf32>
      %reduce_sum3A_73 = arith.constant dense<0.000000e+00> : vector<128xf32>
      %reduce_sum3A_74 = vector.multi_reduction <add>, %exp3A_72, %reduce_sum3A_73 [1] : vector<128x800xf32> to vector<128xf32>
      %broadcast_in_dim3A_75 = vector.shape_cast %reduce_sum3A_74 : vector<128xf32> to vector<128x1xf32>
      %slice3A_76 = vector.extract_strided_slice %mul3A_11 {offsets = [0, 5600], sizes = [128, 800], strides = [1, 1]} : vector<128x6400xf32> to vector<128x800xf32>
      %reduce_max3A_77 = arith.constant dense<0xFF800000> : vector<128xf32>
      %reduce_max3A_78 = vector.multi_reduction <maximumf>, %slice3A_76, %reduce_max3A_77 [1] : vector<128x800xf32> to vector<128xf32>
      %broadcast_in_dim3A_79 = vector.shape_cast %reduce_max3A_78 : vector<128xf32> to vector<128x1xf32>
      %sub3A_80 = vector.broadcast %broadcast_in_dim3A_79 : vector<128x1xf32> to vector<128x800xf32>
      %sub3A_81 = arith.subf %slice3A_76, %sub3A_80 : vector<128x800xf32>
      %exp3A_82 = math.exp %sub3A_81 : vector<128x800xf32>
      %reduce_sum3A_83 = arith.constant dense<0.000000e+00> : vector<128xf32>
      %reduce_sum3A_84 = vector.multi_reduction <add>, %exp3A_82, %reduce_sum3A_83 [1] : vector<128x800xf32> to vector<128xf32>
      %broadcast_in_dim3A_85 = vector.shape_cast %reduce_sum3A_84 : vector<128xf32> to vector<128x1xf32>
      %concatenate3A = tpu.concatenate %broadcast_in_dim3A, %broadcast_in_dim3A_19, %broadcast_in_dim3A_29, %broadcast_in_dim3A_39, %broadcast_in_dim3A_49, %broadcast_in_dim3A_59, %broadcast_in_dim3A_69, %broadcast_in_dim3A_79 in 1 : vector<128x1xf32>, vector<128x1xf32>, vector<128x1xf32>, vector<128x1xf32>, vector<128x1xf32>, vector<128x1xf32>, vector<128x1xf32>, vector<128x1xf32> -> vector<128x8xf32>
      %concatenate3A_86 = tpu.concatenate %broadcast_in_dim3A_15, %broadcast_in_dim3A_25, %broadcast_in_dim3A_35, %broadcast_in_dim3A_45, %broadcast_in_dim3A_55, %broadcast_in_dim3A_65, %broadcast_in_dim3A_75, %broadcast_in_dim3A_85 in 1 : vector<128x1xf32>, vector<128x1xf32>, vector<128x1xf32>, vector<128x1xf32>, vector<128x1xf32>, vector<128x1xf32>, vector<128x1xf32>, vector<128x1xf32> -> vector<128x8xf32>
      %reshape3A = vector.shape_cast %concatenate3A : vector<128x8xf32> to vector<1x128x8xf32>
      %swap3A = arith.index_cast %arg0 : i32 to index
      %swap3A_87 = arith.constant 0 : index
      %swap3A_88 = arith.constant 0 : index
      %swap3A_89 = vector.load %arg6[%swap3A, %swap3A_87, %swap3A_88] : memref<16x128x8xf32, #tpu.memory_space<vmem>>, vector<1x128x8xf32>
      tpu.vector_store %arg6[%swap3A, %swap3A_87, %swap3A_88], %reshape3A {strides = array<i32>} : memref<16x128x8xf32, #tpu.memory_space<vmem>>, vector<1x128x8xf32>,
      %reshape3A_90 = vector.shape_cast %concatenate3A_86 : vector<128x8xf32> to vector<1x128x8xf32>
      %swap3A_91 = arith.index_cast %arg0 : i32 to index
      %swap3A_92 = arith.constant 0 : index
      %swap3A_93 = arith.constant 0 : index
      %swap3A_94 = vector.load %arg7[%swap3A_91, %swap3A_92, %swap3A_93] : memref<16x128x8xf32, #tpu.memory_space<vmem>>, vector<1x128x8xf32>
      tpu.vector_store %arg7[%swap3A_91, %swap3A_92, %swap3A_93], %reshape3A_90 {strides = array<i32>} : memref<16x128x8xf32, #tpu.memory_space<vmem>>, vector<1x128x8xf32>,
    } else {
    }
    %eq3A = arith.constant 15 : i32
    %eq3A_7 = arith.cmpi eq, %arg0, %eq3A : i32
    %convert_element_type3A_8 = arith.extui %eq3A_7 : i1 to i32
    %cond3A_9 = arith.constant 0 : i32
    %cond3A_10 = arith.cmpi ne, %convert_element_type3A_8, %cond3A_9 : i32
    scf.if %cond3A_10 {
      %iota3A = tpu.iota {dimensions = array<i32: 1>} : vector<128x6400xi32>
      %lt3A_11 = arith.constant 4000 : i32
      %lt3A_12 = vector.broadcast %lt3A_11 : i32 to vector<128x6400xi32>
      %lt3A_13 = arith.cmpi slt, %iota3A, %lt3A_12 : vector<128x6400xi32>
      %mul3A = vector.broadcast %get3A_4 : vector<128x1xf32> to vector<128x6400xf32>
      %mul3A_14 = arith.mulf %get3A_1, %mul3A : vector<128x6400xf32>
      %jit3A = arith.constant -3.000000e+38 : f32
      %broadcast_in_dim3A = vector.broadcast %jit3A : f32 to vector<128x6400xf32>
      %select_n3A = arith.select %lt3A_13, %mul3A_14, %broadcast_in_dim3A : vector<128x6400xi1>, vector<128x6400xf32>
      %slice3A = vector.extract_strided_slice %select_n3A {offsets = [0, 0], sizes = [128, 800], strides = [1, 1]} : vector<128x6400xf32> to vector<128x800xf32>
      %reduce_max3A = arith.constant dense<0xFF800000> : vector<128xf32>
      %reduce_max3A_15 = vector.multi_reduction <maximumf>, %slice3A, %reduce_max3A [1] : vector<128x800xf32> to vector<128xf32>
      %broadcast_in_dim3A_16 = vector.shape_cast %reduce_max3A_15 : vector<128xf32> to vector<128x1xf32>
      %sub3A = vector.broadcast %broadcast_in_dim3A_16 : vector<128x1xf32> to vector<128x800xf32>
      %sub3A_17 = arith.subf %slice3A, %sub3A : vector<128x800xf32>
      %exp3A = math.exp %sub3A_17 : vector<128x800xf32>
      %iota3A_18 = tpu.iota {dimensions = array<i32: 1>} : vector<128x800xi32>
      %add3A = arith.constant 0 : i32
      %add3A_19 = vector.broadcast %add3A : i32 to vector<128x800xi32>
      %add3A_20 = arith.addi %add3A_19, %iota3A_18 : vector<128x800xi32>
      %lt3A_21 = arith.constant 4000 : i32
      %lt3A_22 = vector.broadcast %lt3A_21 : i32 to vector<128x800xi32>
      %lt3A_23 = arith.cmpi slt, %add3A_20, %lt3A_22 : vector<128x800xi32>
      %jit3A_24 = arith.constant 0.000000e+00 : f32
      %broadcast_in_dim3A_25 = vector.broadcast %jit3A_24 : f32 to vector<128x800xf32>
      %select_n3A_26 = arith.select %lt3A_23, %exp3A, %broadcast_in_dim3A_25 : vector<128x800xi1>, vector<128x800xf32>
      %reduce_sum3A = arith.constant dense<0.000000e+00> : vector<128xf32>
      %reduce_sum3A_27 = vector.multi_reduction <add>, %select_n3A_26, %reduce_sum3A [1] : vector<128x800xf32> to vector<128xf32>
      %broadcast_in_dim3A_28 = vector.shape_cast %reduce_sum3A_27 : vector<128xf32> to vector<128x1xf32>
      %slice3A_29 = vector.extract_strided_slice %select_n3A {offsets = [0, 800], sizes = [128, 800], strides = [1, 1]} : vector<128x6400xf32> to vector<128x800xf32>
      %reduce_max3A_30 = arith.constant dense<0xFF800000> : vector<128xf32>
      %reduce_max3A_31 = vector.multi_reduction <maximumf>, %slice3A_29, %reduce_max3A_30 [1] : vector<128x800xf32> to vector<128xf32>
      %broadcast_in_dim3A_32 = vector.shape_cast %reduce_max3A_31 : vector<128xf32> to vector<128x1xf32>
      %sub3A_33 = vector.broadcast %broadcast_in_dim3A_32 : vector<128x1xf32> to vector<128x800xf32>
      %sub3A_34 = arith.subf %slice3A_29, %sub3A_33 : vector<128x800xf32>
      %exp3A_35 = math.exp %sub3A_34 : vector<128x800xf32>
      %iota3A_36 = tpu.iota {dimensions = array<i32: 1>} : vector<128x800xi32>
      %add3A_37 = arith.constant 800 : i32
      %add3A_38 = vector.broadcast %add3A_37 : i32 to vector<128x800xi32>
      %add3A_39 = arith.addi %add3A_38, %iota3A_36 : vector<128x800xi32>
      %lt3A_40 = arith.constant 4000 : i32
      %lt3A_41 = vector.broadcast %lt3A_40 : i32 to vector<128x800xi32>
      %lt3A_42 = arith.cmpi slt, %add3A_39, %lt3A_41 : vector<128x800xi32>
      %jit3A_43 = arith.constant 0.000000e+00 : f32
      %broadcast_in_dim3A_44 = vector.broadcast %jit3A_43 : f32 to vector<128x800xf32>
      %select_n3A_45 = arith.select %lt3A_42, %exp3A_35, %broadcast_in_dim3A_44 : vector<128x800xi1>, vector<128x800xf32>
      %reduce_sum3A_46 = arith.constant dense<0.000000e+00> : vector<128xf32>
      %reduce_sum3A_47 = vector.multi_reduction <add>, %select_n3A_45, %reduce_sum3A_46 [1] : vector<128x800xf32> to vector<128xf32>
      %broadcast_in_dim3A_48 = vector.shape_cast %reduce_sum3A_47 : vector<128xf32> to vector<128x1xf32>
      %slice3A_49 = vector.extract_strided_slice %select_n3A {offsets = [0, 1600], sizes = [128, 800], strides = [1, 1]} : vector<128x6400xf32> to vector<128x800xf32>
      %reduce_max3A_50 = arith.constant dense<0xFF800000> : vector<128xf32>
      %reduce_max3A_51 = vector.multi_reduction <maximumf>, %slice3A_49, %reduce_max3A_50 [1] : vector<128x800xf32> to vector<128xf32>
      %broadcast_in_dim3A_52 = vector.shape_cast %reduce_max3A_51 : vector<128xf32> to vector<128x1xf32>
      %sub3A_53 = vector.broadcast %broadcast_in_dim3A_52 : vector<128x1xf32> to vector<128x800xf32>
      %sub3A_54 = arith.subf %slice3A_49, %sub3A_53 : vector<128x800xf32>
      %exp3A_55 = math.exp %sub3A_54 : vector<128x800xf32>
      %iota3A_56 = tpu.iota {dimensions = array<i32: 1>} : vector<128x800xi32>
      %add3A_57 = arith.constant 1600 : i32
      %add3A_58 = vector.broadcast %add3A_57 : i32 to vector<128x800xi32>
      %add3A_59 = arith.addi %add3A_58, %iota3A_56 : vector<128x800xi32>
      %lt3A_60 = arith.constant 4000 : i32
      %lt3A_61 = vector.broadcast %lt3A_60 : i32 to vector<128x800xi32>
      %lt3A_62 = arith.cmpi slt, %add3A_59, %lt3A_61 : vector<128x800xi32>
      %jit3A_63 = arith.constant 0.000000e+00 : f32
      %broadcast_in_dim3A_64 = vector.broadcast %jit3A_63 : f32 to vector<128x800xf32>
      %select_n3A_65 = arith.select %lt3A_62, %exp3A_55, %broadcast_in_dim3A_64 : vector<128x800xi1>, vector<128x800xf32>
      %reduce_sum3A_66 = arith.constant dense<0.000000e+00> : vector<128xf32>
      %reduce_sum3A_67 = vector.multi_reduction <add>, %select_n3A_65, %reduce_sum3A_66 [1] : vector<128x800xf32> to vector<128xf32>
      %broadcast_in_dim3A_68 = vector.shape_cast %reduce_sum3A_67 : vector<128xf32> to vector<128x1xf32>
      %slice3A_69 = vector.extract_strided_slice %select_n3A {offsets = [0, 2400], sizes = [128, 800], strides = [1, 1]} : vector<128x6400xf32> to vector<128x800xf32>
      %reduce_max3A_70 = arith.constant dense<0xFF800000> : vector<128xf32>
      %reduce_max3A_71 = vector.multi_reduction <maximumf>, %slice3A_69, %reduce_max3A_70 [1] : vector<128x800xf32> to vector<128xf32>
      %broadcast_in_dim3A_72 = vector.shape_cast %reduce_max3A_71 : vector<128xf32> to vector<128x1xf32>
      %sub3A_73 = vector.broadcast %broadcast_in_dim3A_72 : vector<128x1xf32> to vector<128x800xf32>
      %sub3A_74 = arith.subf %slice3A_69, %sub3A_73 : vector<128x800xf32>
      %exp3A_75 = math.exp %sub3A_74 : vector<128x800xf32>
      %iota3A_76 = tpu.iota {dimensions = array<i32: 1>} : vector<128x800xi32>
      %add3A_77 = arith.constant 2400 : i32
      %add3A_78 = vector.broadcast %add3A_77 : i32 to vector<128x800xi32>
      %add3A_79 = arith.addi %add3A_78, %iota3A_76 : vector<128x800xi32>
      %lt3A_80 = arith.constant 4000 : i32
      %lt3A_81 = vector.broadcast %lt3A_80 : i32 to vector<128x800xi32>
      %lt3A_82 = arith.cmpi slt, %add3A_79, %lt3A_81 : vector<128x800xi32>
      %jit3A_83 = arith.constant 0.000000e+00 : f32
      %broadcast_in_dim3A_84 = vector.broadcast %jit3A_83 : f32 to vector<128x800xf32>
      %select_n3A_85 = arith.select %lt3A_82, %exp3A_75, %broadcast_in_dim3A_84 : vector<128x800xi1>, vector<128x800xf32>
      %reduce_sum3A_86 = arith.constant dense<0.000000e+00> : vector<128xf32>
      %reduce_sum3A_87 = vector.multi_reduction <add>, %select_n3A_85, %reduce_sum3A_86 [1] : vector<128x800xf32> to vector<128xf32>
      %broadcast_in_dim3A_88 = vector.shape_cast %reduce_sum3A_87 : vector<128xf32> to vector<128x1xf32>
      %slice3A_89 = vector.extract_strided_slice %select_n3A {offsets = [0, 3200], sizes = [128, 800], strides = [1, 1]} : vector<128x6400xf32> to vector<128x800xf32>
      %reduce_max3A_90 = arith.constant dense<0xFF800000> : vector<128xf32>
      %reduce_max3A_91 = vector.multi_reduction <maximumf>, %slice3A_89, %reduce_max3A_90 [1] : vector<128x800xf32> to vector<128xf32>
      %broadcast_in_dim3A_92 = vector.shape_cast %reduce_max3A_91 : vector<128xf32> to vector<128x1xf32>
      %sub3A_93 = vector.broadcast %broadcast_in_dim3A_92 : vector<128x1xf32> to vector<128x800xf32>
      %sub3A_94 = arith.subf %slice3A_89, %sub3A_93 : vector<128x800xf32>
      %exp3A_95 = math.exp %sub3A_94 : vector<128x800xf32>
      %iota3A_96 = tpu.iota {dimensions = array<i32: 1>} : vector<128x800xi32>
      %add3A_97 = arith.constant 3200 : i32
      %add3A_98 = vector.broadcast %add3A_97 : i32 to vector<128x800xi32>
      %add3A_99 = arith.addi %add3A_98, %iota3A_96 : vector<128x800xi32>
      %lt3A_100 = arith.constant 4000 : i32
      %lt3A_101 = vector.broadcast %lt3A_100 : i32 to vector<128x800xi32>
      %lt3A_102 = arith.cmpi slt, %add3A_99, %lt3A_101 : vector<128x800xi32>
      %jit3A_103 = arith.constant 0.000000e+00 : f32
      %broadcast_in_dim3A_104 = vector.broadcast %jit3A_103 : f32 to vector<128x800xf32>
      %select_n3A_105 = arith.select %lt3A_102, %exp3A_95, %broadcast_in_dim3A_104 : vector<128x800xi1>, vector<128x800xf32>
      %reduce_sum3A_106 = arith.constant dense<0.000000e+00> : vector<128xf32>
      %reduce_sum3A_107 = vector.multi_reduction <add>, %select_n3A_105, %reduce_sum3A_106 [1] : vector<128x800xf32> to vector<128xf32>
      %broadcast_in_dim3A_108 = vector.shape_cast %reduce_sum3A_107 : vector<128xf32> to vector<128x1xf32>
      %slice3A_109 = vector.extract_strided_slice %select_n3A {offsets = [0, 4000], sizes = [128, 800], strides = [1, 1]} : vector<128x6400xf32> to vector<128x800xf32>
      %reduce_max3A_110 = arith.constant dense<0xFF800000> : vector<128xf32>
      %reduce_max3A_111 = vector.multi_reduction <maximumf>, %slice3A_109, %reduce_max3A_110 [1] : vector<128x800xf32> to vector<128xf32>
      %broadcast_in_dim3A_112 = vector.shape_cast %reduce_max3A_111 : vector<128xf32> to vector<128x1xf32>
      %sub3A_113 = vector.broadcast %broadcast_in_dim3A_112 : vector<128x1xf32> to vector<128x800xf32>
      %sub3A_114 = arith.subf %slice3A_109, %sub3A_113 : vector<128x800xf32>
      %exp3A_115 = math.exp %sub3A_114 : vector<128x800xf32>
      %iota3A_116 = tpu.iota {dimensions = array<i32: 1>} : vector<128x800xi32>
      %add3A_117 = arith.constant 4000 : i32
      %add3A_118 = vector.broadcast %add3A_117 : i32 to vector<128x800xi32>
      %add3A_119 = arith.addi %add3A_118, %iota3A_116 : vector<128x800xi32>
      %lt3A_120 = arith.constant 4000 : i32
      %lt3A_121 = vector.broadcast %lt3A_120 : i32 to vector<128x800xi32>
      %lt3A_122 = arith.cmpi slt, %add3A_119, %lt3A_121 : vector<128x800xi32>
      %jit3A_123 = arith.constant 0.000000e+00 : f32
      %broadcast_in_dim3A_124 = vector.broadcast %jit3A_123 : f32 to vector<128x800xf32>
      %select_n3A_125 = arith.select %lt3A_122, %exp3A_115, %broadcast_in_dim3A_124 : vector<128x800xi1>, vector<128x800xf32>
      %reduce_sum3A_126 = arith.constant dense<0.000000e+00> : vector<128xf32>
      %reduce_sum3A_127 = vector.multi_reduction <add>, %select_n3A_125, %reduce_sum3A_126 [1] : vector<128x800xf32> to vector<128xf32>
      %broadcast_in_dim3A_128 = vector.shape_cast %reduce_sum3A_127 : vector<128xf32> to vector<128x1xf32>
      %slice3A_129 = vector.extract_strided_slice %select_n3A {offsets = [0, 4800], sizes = [128, 800], strides = [1, 1]} : vector<128x6400xf32> to vector<128x800xf32>
      %reduce_max3A_130 = arith.constant dense<0xFF800000> : vector<128xf32>
      %reduce_max3A_131 = vector.multi_reduction <maximumf>, %slice3A_129, %reduce_max3A_130 [1] : vector<128x800xf32> to vector<128xf32>
      %broadcast_in_dim3A_132 = vector.shape_cast %reduce_max3A_131 : vector<128xf32> to vector<128x1xf32>
      %sub3A_133 = vector.broadcast %broadcast_in_dim3A_132 : vector<128x1xf32> to vector<128x800xf32>
      %sub3A_134 = arith.subf %slice3A_129, %sub3A_133 : vector<128x800xf32>
      %exp3A_135 = math.exp %sub3A_134 : vector<128x800xf32>
      %iota3A_136 = tpu.iota {dimensions = array<i32: 1>} : vector<128x800xi32>
      %add3A_137 = arith.constant 4800 : i32
      %add3A_138 = vector.broadcast %add3A_137 : i32 to vector<128x800xi32>
      %add3A_139 = arith.addi %add3A_138, %iota3A_136 : vector<128x800xi32>
      %lt3A_140 = arith.constant 4000 : i32
      %lt3A_141 = vector.broadcast %lt3A_140 : i32 to vector<128x800xi32>
      %lt3A_142 = arith.cmpi slt, %add3A_139, %lt3A_141 : vector<128x800xi32>
      %jit3A_143 = arith.constant 0.000000e+00 : f32
      %broadcast_in_dim3A_144 = vector.broadcast %jit3A_143 : f32 to vector<128x800xf32>
      %select_n3A_145 = arith.select %lt3A_142, %exp3A_135, %broadcast_in_dim3A_144 : vector<128x800xi1>, vector<128x800xf32>
      %reduce_sum3A_146 = arith.constant dense<0.000000e+00> : vector<128xf32>
      %reduce_sum3A_147 = vector.multi_reduction <add>, %select_n3A_145, %reduce_sum3A_146 [1] : vector<128x800xf32> to vector<128xf32>
      %broadcast_in_dim3A_148 = vector.shape_cast %reduce_sum3A_147 : vector<128xf32> to vector<128x1xf32>
      %slice3A_149 = vector.extract_strided_slice %select_n3A {offsets = [0, 5600], sizes = [128, 800], strides = [1, 1]} : vector<128x6400xf32> to vector<128x800xf32>
      %reduce_max3A_150 = arith.constant dense<0xFF800000> : vector<128xf32>
      %reduce_max3A_151 = vector.multi_reduction <maximumf>, %slice3A_149, %reduce_max3A_150 [1] : vector<128x800xf32> to vector<128xf32>
      %broadcast_in_dim3A_152 = vector.shape_cast %reduce_max3A_151 : vector<128xf32> to vector<128x1xf32>
      %sub3A_153 = vector.broadcast %broadcast_in_dim3A_152 : vector<128x1xf32> to vector<128x800xf32>
      %sub3A_154 = arith.subf %slice3A_149, %sub3A_153 : vector<128x800xf32>
      %exp3A_155 = math.exp %sub3A_154 : vector<128x800xf32>
      %iota3A_156 = tpu.iota {dimensions = array<i32: 1>} : vector<128x800xi32>
      %add3A_157 = arith.constant 5600 : i32
      %add3A_158 = vector.broadcast %add3A_157 : i32 to vector<128x800xi32>
      %add3A_159 = arith.addi %add3A_158, %iota3A_156 : vector<128x800xi32>
      %lt3A_160 = arith.constant 4000 : i32
      %lt3A_161 = vector.broadcast %lt3A_160 : i32 to vector<128x800xi32>
      %lt3A_162 = arith.cmpi slt, %add3A_159, %lt3A_161 : vector<128x800xi32>
      %jit3A_163 = arith.constant 0.000000e+00 : f32
      %broadcast_in_dim3A_164 = vector.broadcast %jit3A_163 : f32 to vector<128x800xf32>
      %select_n3A_165 = arith.select %lt3A_162, %exp3A_155, %broadcast_in_dim3A_164 : vector<128x800xi1>, vector<128x800xf32>
      %reduce_sum3A_166 = arith.constant dense<0.000000e+00> : vector<128xf32>
      %reduce_sum3A_167 = vector.multi_reduction <add>, %select_n3A_165, %reduce_sum3A_166 [1] : vector<128x800xf32> to vector<128xf32>
      %broadcast_in_dim3A_168 = vector.shape_cast %reduce_sum3A_167 : vector<128xf32> to vector<128x1xf32>
      %concatenate3A = tpu.concatenate %broadcast_in_dim3A_16, %broadcast_in_dim3A_32, %broadcast_in_dim3A_52, %broadcast_in_dim3A_72, %broadcast_in_dim3A_92, %broadcast_in_dim3A_112, %broadcast_in_dim3A_132, %broadcast_in_dim3A_152 in 1 : vector<128x1xf32>, vector<128x1xf32>, vector<128x1xf32>, vector<128x1xf32>, vector<128x1xf32>, vector<128x1xf32>, vector<128x1xf32>, vector<128x1xf32> -> vector<128x8xf32>
      %concatenate3A_169 = tpu.concatenate %broadcast_in_dim3A_28, %broadcast_in_dim3A_48, %broadcast_in_dim3A_68, %broadcast_in_dim3A_88, %broadcast_in_dim3A_108, %broadcast_in_dim3A_128, %broadcast_in_dim3A_148, %broadcast_in_dim3A_168 in 1 : vector<128x1xf32>, vector<128x1xf32>, vector<128x1xf32>, vector<128x1xf32>, vector<128x1xf32>, vector<128x1xf32>, vector<128x1xf32>, vector<128x1xf32> -> vector<128x8xf32>
      %reshape3A = vector.shape_cast %concatenate3A : vector<128x8xf32> to vector<1x128x8xf32>
      %swap3A = arith.index_cast %arg0 : i32 to index
      %swap3A_170 = arith.constant 0 : index
      %swap3A_171 = arith.constant 0 : index
      %swap3A_172 = vector.load %arg6[%swap3A, %swap3A_170, %swap3A_171] : memref<16x128x8xf32, #tpu.memory_space<vmem>>, vector<1x128x8xf32>
      tpu.vector_store %arg6[%swap3A, %swap3A_170, %swap3A_171], %reshape3A {strides = array<i32>} : memref<16x128x8xf32, #tpu.memory_space<vmem>>, vector<1x128x8xf32>,
      %reshape3A_173 = vector.shape_cast %concatenate3A_169 : vector<128x8xf32> to vector<1x128x8xf32>
      %swap3A_174 = arith.index_cast %arg0 : i32 to index
      %swap3A_175 = arith.constant 0 : index
      %swap3A_176 = arith.constant 0 : index
      %swap3A_177 = vector.load %arg7[%swap3A_174, %swap3A_175, %swap3A_176] : memref<16x128x8xf32, #tpu.memory_space<vmem>>, vector<1x128x8xf32>
      tpu.vector_store %arg7[%swap3A_174, %swap3A_175, %swap3A_176], %reshape3A_173 {strides = array<i32>} : memref<16x128x8xf32, #tpu.memory_space<vmem>>, vector<1x128x8xf32>,
      %broadcast_in_dim3A_178 = arith.constant -3.000000e+38 : f32
      %broadcast_in_dim3A_179 = vector.broadcast %broadcast_in_dim3A_178 : f32 to vector<128x1xf32>
      %get3A_180 = arith.constant 0 : index
      %get3A_181 = arith.constant 0 : index
      %get3A_182 = arith.constant 0 : index
      %get3A_183 = vector.load %arg6[%get3A_180, %get3A_181, %get3A_182] : memref<16x128x8xf32, #tpu.memory_space<vmem>>, vector<1x128x8xf32>
      %get3A_184 = vector.shape_cast %get3A_183 : vector<1x128x8xf32> to vector<128x8xf32>
      %reduce_max3A_185 = arith.constant dense<0xFF800000> : vector<128xf32>
      %reduce_max3A_186 = vector.multi_reduction <maximumf>, %get3A_184, %reduce_max3A_185 [1] : vector<128x8xf32> to vector<128xf32>
      %broadcast_in_dim3A_187 = vector.shape_cast %reduce_max3A_186 : vector<128xf32> to vector<128x1xf32>
      %max3A = arith.maximumf %broadcast_in_dim3A_179, %broadcast_in_dim3A_187 : vector<128x1xf32>
      %get3A_188 = arith.constant 1 : index
      %get3A_189 = arith.constant 0 : index
      %get3A_190 = arith.constant 0 : index
      %get3A_191 = vector.load %arg6[%get3A_188, %get3A_189, %get3A_190] : memref<16x128x8xf32, #tpu.memory_space<vmem>>, vector<1x128x8xf32>
      %get3A_192 = vector.shape_cast %get3A_191 : vector<1x128x8xf32> to vector<128x8xf32>
      %reduce_max3A_193 = arith.constant dense<0xFF800000> : vector<128xf32>
      %reduce_max3A_194 = vector.multi_reduction <maximumf>, %get3A_192, %reduce_max3A_193 [1] : vector<128x8xf32> to vector<128xf32>
      %broadcast_in_dim3A_195 = vector.shape_cast %reduce_max3A_194 : vector<128xf32> to vector<128x1xf32>
      %max3A_196 = arith.maximumf %max3A, %broadcast_in_dim3A_195 : vector<128x1xf32>
      %get3A_197 = arith.constant 2 : index
      %get3A_198 = arith.constant 0 : index
      %get3A_199 = arith.constant 0 : index
      %get3A_200 = vector.load %arg6[%get3A_197, %get3A_198, %get3A_199] : memref<16x128x8xf32, #tpu.memory_space<vmem>>, vector<1x128x8xf32>
      %get3A_201 = vector.shape_cast %get3A_200 : vector<1x128x8xf32> to vector<128x8xf32>
      %reduce_max3A_202 = arith.constant dense<0xFF800000> : vector<128xf32>
      %reduce_max3A_203 = vector.multi_reduction <maximumf>, %get3A_201, %reduce_max3A_202 [1] : vector<128x8xf32> to vector<128xf32>
      %broadcast_in_dim3A_204 = vector.shape_cast %reduce_max3A_203 : vector<128xf32> to vector<128x1xf32>
      %max3A_205 = arith.maximumf %max3A_196, %broadcast_in_dim3A_204 : vector<128x1xf32>
      %get3A_206 = arith.constant 3 : index
      %get3A_207 = arith.constant 0 : index
      %get3A_208 = arith.constant 0 : index
      %get3A_209 = vector.load %arg6[%get3A_206, %get3A_207, %get3A_208] : memref<16x128x8xf32, #tpu.memory_space<vmem>>, vector<1x128x8xf32>
      %get3A_210 = vector.shape_cast %get3A_209 : vector<1x128x8xf32> to vector<128x8xf32>
      %reduce_max3A_211 = arith.constant dense<0xFF800000> : vector<128xf32>
      %reduce_max3A_212 = vector.multi_reduction <maximumf>, %get3A_210, %reduce_max3A_211 [1] : vector<128x8xf32> to vector<128xf32>
      %broadcast_in_dim3A_213 = vector.shape_cast %reduce_max3A_212 : vector<128xf32> to vector<128x1xf32>
      %max3A_214 = arith.maximumf %max3A_205, %broadcast_in_dim3A_213 : vector<128x1xf32>
      %get3A_215 = arith.constant 4 : index
      %get3A_216 = arith.constant 0 : index
      %get3A_217 = arith.constant 0 : index
      %get3A_218 = vector.load %arg6[%get3A_215, %get3A_216, %get3A_217] : memref<16x128x8xf32, #tpu.memory_space<vmem>>, vector<1x128x8xf32>
      %get3A_219 = vector.shape_cast %get3A_218 : vector<1x128x8xf32> to vector<128x8xf32>
      %reduce_max3A_220 = arith.constant dense<0xFF800000> : vector<128xf32>
      %reduce_max3A_221 = vector.multi_reduction <maximumf>, %get3A_219, %reduce_max3A_220 [1] : vector<128x8xf32> to vector<128xf32>
      %broadcast_in_dim3A_222 = vector.shape_cast %reduce_max3A_221 : vector<128xf32> to vector<128x1xf32>
      %max3A_223 = arith.maximumf %max3A_214, %broadcast_in_dim3A_222 : vector<128x1xf32>
      %get3A_224 = arith.constant 5 : index
      %get3A_225 = arith.constant 0 : index
      %get3A_226 = arith.constant 0 : index
      %get3A_227 = vector.load %arg6[%get3A_224, %get3A_225, %get3A_226] : memref<16x128x8xf32, #tpu.memory_space<vmem>>, vector<1x128x8xf32>
      %get3A_228 = vector.shape_cast %get3A_227 : vector<1x128x8xf32> to vector<128x8xf32>
      %reduce_max3A_229 = arith.constant dense<0xFF800000> : vector<128xf32>
      %reduce_max3A_230 = vector.multi_reduction <maximumf>, %get3A_228, %reduce_max3A_229 [1] : vector<128x8xf32> to vector<128xf32>
      %broadcast_in_dim3A_231 = vector.shape_cast %reduce_max3A_230 : vector<128xf32> to vector<128x1xf32>
      %max3A_232 = arith.maximumf %max3A_223, %broadcast_in_dim3A_231 : vector<128x1xf32>
      %get3A_233 = arith.constant 6 : index
      %get3A_234 = arith.constant 0 : index
      %get3A_235 = arith.constant 0 : index
      %get3A_236 = vector.load %arg6[%get3A_233, %get3A_234, %get3A_235] : memref<16x128x8xf32, #tpu.memory_space<vmem>>, vector<1x128x8xf32>
      %get3A_237 = vector.shape_cast %get3A_236 : vector<1x128x8xf32> to vector<128x8xf32>
      %reduce_max3A_238 = arith.constant dense<0xFF800000> : vector<128xf32>
      %reduce_max3A_239 = vector.multi_reduction <maximumf>, %get3A_237, %reduce_max3A_238 [1] : vector<128x8xf32> to vector<128xf32>
      %broadcast_in_dim3A_240 = vector.shape_cast %reduce_max3A_239 : vector<128xf32> to vector<128x1xf32>
      %max3A_241 = arith.maximumf %max3A_232, %broadcast_in_dim3A_240 : vector<128x1xf32>
      %get3A_242 = arith.constant 7 : index
      %get3A_243 = arith.constant 0 : index
      %get3A_244 = arith.constant 0 : index
      %get3A_245 = vector.load %arg6[%get3A_242, %get3A_243, %get3A_244] : memref<16x128x8xf32, #tpu.memory_space<vmem>>, vector<1x128x8xf32>
      %get3A_246 = vector.shape_cast %get3A_245 : vector<1x128x8xf32> to vector<128x8xf32>
      %reduce_max3A_247 = arith.constant dense<0xFF800000> : vector<128xf32>
      %reduce_max3A_248 = vector.multi_reduction <maximumf>, %get3A_246, %reduce_max3A_247 [1] : vector<128x8xf32> to vector<128xf32>
      %broadcast_in_dim3A_249 = vector.shape_cast %reduce_max3A_248 : vector<128xf32> to vector<128x1xf32>
      %max3A_250 = arith.maximumf %max3A_241, %broadcast_in_dim3A_249 : vector<128x1xf32>
      %get3A_251 = arith.constant 8 : index
      %get3A_252 = arith.constant 0 : index
      %get3A_253 = arith.constant 0 : index
      %get3A_254 = vector.load %arg6[%get3A_251, %get3A_252, %get3A_253] : memref<16x128x8xf32, #tpu.memory_space<vmem>>, vector<1x128x8xf32>
      %get3A_255 = vector.shape_cast %get3A_254 : vector<1x128x8xf32> to vector<128x8xf32>
      %reduce_max3A_256 = arith.constant dense<0xFF800000> : vector<128xf32>
      %reduce_max3A_257 = vector.multi_reduction <maximumf>, %get3A_255, %reduce_max3A_256 [1] : vector<128x8xf32> to vector<128xf32>
      %broadcast_in_dim3A_258 = vector.shape_cast %reduce_max3A_257 : vector<128xf32> to vector<128x1xf32>
      %max3A_259 = arith.maximumf %max3A_250, %broadcast_in_dim3A_258 : vector<128x1xf32>
      %get3A_260 = arith.constant 9 : index
      %get3A_261 = arith.constant 0 : index
      %get3A_262 = arith.constant 0 : index
      %get3A_263 = vector.load %arg6[%get3A_260, %get3A_261, %get3A_262] : memref<16x128x8xf32, #tpu.memory_space<vmem>>, vector<1x128x8xf32>
      %get3A_264 = vector.shape_cast %get3A_263 : vector<1x128x8xf32> to vector<128x8xf32>
      %reduce_max3A_265 = arith.constant dense<0xFF800000> : vector<128xf32>
      %reduce_max3A_266 = vector.multi_reduction <maximumf>, %get3A_264, %reduce_max3A_265 [1] : vector<128x8xf32> to vector<128xf32>
      %broadcast_in_dim3A_267 = vector.shape_cast %reduce_max3A_266 : vector<128xf32> to vector<128x1xf32>
      %max3A_268 = arith.maximumf %max3A_259, %broadcast_in_dim3A_267 : vector<128x1xf32>
      %get3A_269 = arith.constant 10 : index
      %get3A_270 = arith.constant 0 : index
      %get3A_271 = arith.constant 0 : index
      %get3A_272 = vector.load %arg6[%get3A_269, %get3A_270, %get3A_271] : memref<16x128x8xf32, #tpu.memory_space<vmem>>, vector<1x128x8xf32>
      %get3A_273 = vector.shape_cast %get3A_272 : vector<1x128x8xf32> to vector<128x8xf32>
      %reduce_max3A_274 = arith.constant dense<0xFF800000> : vector<128xf32>
      %reduce_max3A_275 = vector.multi_reduction <maximumf>, %get3A_273, %reduce_max3A_274 [1] : vector<128x8xf32> to vector<128xf32>
      %broadcast_in_dim3A_276 = vector.shape_cast %reduce_max3A_275 : vector<128xf32> to vector<128x1xf32>
      %max3A_277 = arith.maximumf %max3A_268, %broadcast_in_dim3A_276 : vector<128x1xf32>
      %get3A_278 = arith.constant 11 : index
      %get3A_279 = arith.constant 0 : index
      %get3A_280 = arith.constant 0 : index
      %get3A_281 = vector.load %arg6[%get3A_278, %get3A_279, %get3A_280] : memref<16x128x8xf32, #tpu.memory_space<vmem>>, vector<1x128x8xf32>
      %get3A_282 = vector.shape_cast %get3A_281 : vector<1x128x8xf32> to vector<128x8xf32>
      %reduce_max3A_283 = arith.constant dense<0xFF800000> : vector<128xf32>
      %reduce_max3A_284 = vector.multi_reduction <maximumf>, %get3A_282, %reduce_max3A_283 [1] : vector<128x8xf32> to vector<128xf32>
      %broadcast_in_dim3A_285 = vector.shape_cast %reduce_max3A_284 : vector<128xf32> to vector<128x1xf32>
      %max3A_286 = arith.maximumf %max3A_277, %broadcast_in_dim3A_285 : vector<128x1xf32>
      %get3A_287 = arith.constant 12 : index
      %get3A_288 = arith.constant 0 : index
      %get3A_289 = arith.constant 0 : index
      %get3A_290 = vector.load %arg6[%get3A_287, %get3A_288, %get3A_289] : memref<16x128x8xf32, #tpu.memory_space<vmem>>, vector<1x128x8xf32>
      %get3A_291 = vector.shape_cast %get3A_290 : vector<1x128x8xf32> to vector<128x8xf32>
      %reduce_max3A_292 = arith.constant dense<0xFF800000> : vector<128xf32>
      %reduce_max3A_293 = vector.multi_reduction <maximumf>, %get3A_291, %reduce_max3A_292 [1] : vector<128x8xf32> to vector<128xf32>
      %broadcast_in_dim3A_294 = vector.shape_cast %reduce_max3A_293 : vector<128xf32> to vector<128x1xf32>
      %max3A_295 = arith.maximumf %max3A_286, %broadcast_in_dim3A_294 : vector<128x1xf32>
      %get3A_296 = arith.constant 13 : index
      %get3A_297 = arith.constant 0 : index
      %get3A_298 = arith.constant 0 : index
      %get3A_299 = vector.load %arg6[%get3A_296, %get3A_297, %get3A_298] : memref<16x128x8xf32, #tpu.memory_space<vmem>>, vector<1x128x8xf32>
      %get3A_300 = vector.shape_cast %get3A_299 : vector<1x128x8xf32> to vector<128x8xf32>
      %reduce_max3A_301 = arith.constant dense<0xFF800000> : vector<128xf32>
      %reduce_max3A_302 = vector.multi_reduction <maximumf>, %get3A_300, %reduce_max3A_301 [1] : vector<128x8xf32> to vector<128xf32>
      %broadcast_in_dim3A_303 = vector.shape_cast %reduce_max3A_302 : vector<128xf32> to vector<128x1xf32>
      %max3A_304 = arith.maximumf %max3A_295, %broadcast_in_dim3A_303 : vector<128x1xf32>
      %get3A_305 = arith.constant 14 : index
      %get3A_306 = arith.constant 0 : index
      %get3A_307 = arith.constant 0 : index
      %get3A_308 = vector.load %arg6[%get3A_305, %get3A_306, %get3A_307] : memref<16x128x8xf32, #tpu.memory_space<vmem>>, vector<1x128x8xf32>
      %get3A_309 = vector.shape_cast %get3A_308 : vector<1x128x8xf32> to vector<128x8xf32>
      %reduce_max3A_310 = arith.constant dense<0xFF800000> : vector<128xf32>
      %reduce_max3A_311 = vector.multi_reduction <maximumf>, %get3A_309, %reduce_max3A_310 [1] : vector<128x8xf32> to vector<128xf32>
      %broadcast_in_dim3A_312 = vector.shape_cast %reduce_max3A_311 : vector<128xf32> to vector<128x1xf32>
      %max3A_313 = arith.maximumf %max3A_304, %broadcast_in_dim3A_312 : vector<128x1xf32>
      %get3A_314 = arith.constant 15 : index
      %get3A_315 = arith.constant 0 : index
      %get3A_316 = arith.constant 0 : index
      %get3A_317 = vector.load %arg6[%get3A_314, %get3A_315, %get3A_316] : memref<16x128x8xf32, #tpu.memory_space<vmem>>, vector<1x128x8xf32>
      %get3A_318 = vector.shape_cast %get3A_317 : vector<1x128x8xf32> to vector<128x8xf32>
      %reduce_max3A_319 = arith.constant dense<0xFF800000> : vector<128xf32>
      %reduce_max3A_320 = vector.multi_reduction <maximumf>, %get3A_318, %reduce_max3A_319 [1] : vector<128x8xf32> to vector<128xf32>
      %broadcast_in_dim3A_321 = vector.shape_cast %reduce_max3A_320 : vector<128xf32> to vector<128x1xf32>
      %max3A_322 = arith.maximumf %max3A_313, %broadcast_in_dim3A_321 : vector<128x1xf32>
      %broadcast_in_dim3A_323 = arith.constant 0.000000e+00 : f32
      %broadcast_in_dim3A_324 = vector.broadcast %broadcast_in_dim3A_323 : f32 to vector<128x1xf32>
      %get3A_325 = arith.constant 0 : index
      %get3A_326 = arith.constant 0 : index
      %get3A_327 = arith.constant 0 : index
      %get3A_328 = vector.load %arg7[%get3A_325, %get3A_326, %get3A_327] : memref<16x128x8xf32, #tpu.memory_space<vmem>>, vector<1x128x8xf32>
      %get3A_329 = vector.shape_cast %get3A_328 : vector<1x128x8xf32> to vector<128x8xf32>
      %get3A_330 = arith.constant 0 : index
      %get3A_331 = arith.constant 0 : index
      %get3A_332 = arith.constant 0 : index
      %get3A_333 = vector.load %arg6[%get3A_330, %get3A_331, %get3A_332] : memref<16x128x8xf32, #tpu.memory_space<vmem>>, vector<1x128x8xf32>
      %get3A_334 = vector.shape_cast %get3A_333 : vector<1x128x8xf32> to vector<128x8xf32>
      %sub3A_335 = vector.broadcast %max3A_322 : vector<128x1xf32> to vector<128x8xf32>
      %sub3A_336 = arith.subf %get3A_334, %sub3A_335 : vector<128x8xf32>
      %exp3A_337 = math.exp %sub3A_336 : vector<128x8xf32>
      %mul3A_338 = arith.mulf %get3A_329, %exp3A_337 : vector<128x8xf32>
      %reduce_sum3A_339 = arith.constant dense<0.000000e+00> : vector<128xf32>
      %reduce_sum3A_340 = vector.multi_reduction <add>, %mul3A_338, %reduce_sum3A_339 [1] : vector<128x8xf32> to vector<128xf32>
      %broadcast_in_dim3A_341 = vector.shape_cast %reduce_sum3A_340 : vector<128xf32> to vector<128x1xf32>
      %add3A_342 = arith.addf %broadcast_in_dim3A_324, %broadcast_in_dim3A_341 : vector<128x1xf32>
      %get3A_343 = arith.constant 1 : index
      %get3A_344 = arith.constant 0 : index
      %get3A_345 = arith.constant 0 : index
      %get3A_346 = vector.load %arg7[%get3A_343, %get3A_344, %get3A_345] : memref<16x128x8xf32, #tpu.memory_space<vmem>>, vector<1x128x8xf32>
      %get3A_347 = vector.shape_cast %get3A_346 : vector<1x128x8xf32> to vector<128x8xf32>
      %get3A_348 = arith.constant 1 : index
      %get3A_349 = arith.constant 0 : index
      %get3A_350 = arith.constant 0 : index
      %get3A_351 = vector.load %arg6[%get3A_348, %get3A_349, %get3A_350] : memref<16x128x8xf32, #tpu.memory_space<vmem>>, vector<1x128x8xf32>
      %get3A_352 = vector.shape_cast %get3A_351 : vector<1x128x8xf32> to vector<128x8xf32>
      %sub3A_353 = vector.broadcast %max3A_322 : vector<128x1xf32> to vector<128x8xf32>
      %sub3A_354 = arith.subf %get3A_352, %sub3A_353 : vector<128x8xf32>
      %exp3A_355 = math.exp %sub3A_354 : vector<128x8xf32>
      %mul3A_356 = arith.mulf %get3A_347, %exp3A_355 : vector<128x8xf32>
      %reduce_sum3A_357 = arith.constant dense<0.000000e+00> : vector<128xf32>
      %reduce_sum3A_358 = vector.multi_reduction <add>, %mul3A_356, %reduce_sum3A_357 [1] : vector<128x8xf32> to vector<128xf32>
      %broadcast_in_dim3A_359 = vector.shape_cast %reduce_sum3A_358 : vector<128xf32> to vector<128x1xf32>
      %add3A_360 = arith.addf %add3A_342, %broadcast_in_dim3A_359 : vector<128x1xf32>
      %get3A_361 = arith.constant 2 : index
      %get3A_362 = arith.constant 0 : index
      %get3A_363 = arith.constant 0 : index
      %get3A_364 = vector.load %arg7[%get3A_361, %get3A_362, %get3A_363] : memref<16x128x8xf32, #tpu.memory_space<vmem>>, vector<1x128x8xf32>
      %get3A_365 = vector.shape_cast %get3A_364 : vector<1x128x8xf32> to vector<128x8xf32>
      %get3A_366 = arith.constant 2 : index
      %get3A_367 = arith.constant 0 : index
      %get3A_368 = arith.constant 0 : index
      %get3A_369 = vector.load %arg6[%get3A_366, %get3A_367, %get3A_368] : memref<16x128x8xf32, #tpu.memory_space<vmem>>, vector<1x128x8xf32>
      %get3A_370 = vector.shape_cast %get3A_369 : vector<1x128x8xf32> to vector<128x8xf32>
      %sub3A_371 = vector.broadcast %max3A_322 : vector<128x1xf32> to vector<128x8xf32>
      %sub3A_372 = arith.subf %get3A_370, %sub3A_371 : vector<128x8xf32>
      %exp3A_373 = math.exp %sub3A_372 : vector<128x8xf32>
      %mul3A_374 = arith.mulf %get3A_365, %exp3A_373 : vector<128x8xf32>
      %reduce_sum3A_375 = arith.constant dense<0.000000e+00> : vector<128xf32>
      %reduce_sum3A_376 = vector.multi_reduction <add>, %mul3A_374, %reduce_sum3A_375 [1] : vector<128x8xf32> to vector<128xf32>
      %broadcast_in_dim3A_377 = vector.shape_cast %reduce_sum3A_376 : vector<128xf32> to vector<128x1xf32>
      %add3A_378 = arith.addf %add3A_360, %broadcast_in_dim3A_377 : vector<128x1xf32>
      %get3A_379 = arith.constant 3 : index
      %get3A_380 = arith.constant 0 : index
      %get3A_381 = arith.constant 0 : index
      %get3A_382 = vector.load %arg7[%get3A_379, %get3A_380, %get3A_381] : memref<16x128x8xf32, #tpu.memory_space<vmem>>, vector<1x128x8xf32>
      %get3A_383 = vector.shape_cast %get3A_382 : vector<1x128x8xf32> to vector<128x8xf32>
      %get3A_384 = arith.constant 3 : index
      %get3A_385 = arith.constant 0 : index
      %get3A_386 = arith.constant 0 : index
      %get3A_387 = vector.load %arg6[%get3A_384, %get3A_385, %get3A_386] : memref<16x128x8xf32, #tpu.memory_space<vmem>>, vector<1x128x8xf32>
      %get3A_388 = vector.shape_cast %get3A_387 : vector<1x128x8xf32> to vector<128x8xf32>
      %sub3A_389 = vector.broadcast %max3A_322 : vector<128x1xf32> to vector<128x8xf32>
      %sub3A_390 = arith.subf %get3A_388, %sub3A_389 : vector<128x8xf32>
      %exp3A_391 = math.exp %sub3A_390 : vector<128x8xf32>
      %mul3A_392 = arith.mulf %get3A_383, %exp3A_391 : vector<128x8xf32>
      %reduce_sum3A_393 = arith.constant dense<0.000000e+00> : vector<128xf32>
      %reduce_sum3A_394 = vector.multi_reduction <add>, %mul3A_392, %reduce_sum3A_393 [1] : vector<128x8xf32> to vector<128xf32>
      %broadcast_in_dim3A_395 = vector.shape_cast %reduce_sum3A_394 : vector<128xf32> to vector<128x1xf32>
      %add3A_396 = arith.addf %add3A_378, %broadcast_in_dim3A_395 : vector<128x1xf32>
      %get3A_397 = arith.constant 4 : index
      %get3A_398 = arith.constant 0 : index
      %get3A_399 = arith.constant 0 : index
      %get3A_400 = vector.load %arg7[%get3A_397, %get3A_398, %get3A_399] : memref<16x128x8xf32, #tpu.memory_space<vmem>>, vector<1x128x8xf32>
      %get3A_401 = vector.shape_cast %get3A_400 : vector<1x128x8xf32> to vector<128x8xf32>
      %get3A_402 = arith.constant 4 : index
      %get3A_403 = arith.constant 0 : index
      %get3A_404 = arith.constant 0 : index
      %get3A_405 = vector.load %arg6[%get3A_402, %get3A_403, %get3A_404] : memref<16x128x8xf32, #tpu.memory_space<vmem>>, vector<1x128x8xf32>
      %get3A_406 = vector.shape_cast %get3A_405 : vector<1x128x8xf32> to vector<128x8xf32>
      %sub3A_407 = vector.broadcast %max3A_322 : vector<128x1xf32> to vector<128x8xf32>
      %sub3A_408 = arith.subf %get3A_406, %sub3A_407 : vector<128x8xf32>
      %exp3A_409 = math.exp %sub3A_408 : vector<128x8xf32>
      %mul3A_410 = arith.mulf %get3A_401, %exp3A_409 : vector<128x8xf32>
      %reduce_sum3A_411 = arith.constant dense<0.000000e+00> : vector<128xf32>
      %reduce_sum3A_412 = vector.multi_reduction <add>, %mul3A_410, %reduce_sum3A_411 [1] : vector<128x8xf32> to vector<128xf32>
      %broadcast_in_dim3A_413 = vector.shape_cast %reduce_sum3A_412 : vector<128xf32> to vector<128x1xf32>
      %add3A_414 = arith.addf %add3A_396, %broadcast_in_dim3A_413 : vector<128x1xf32>
      %get3A_415 = arith.constant 5 : index
      %get3A_416 = arith.constant 0 : index
      %get3A_417 = arith.constant 0 : index
      %get3A_418 = vector.load %arg7[%get3A_415, %get3A_416, %get3A_417] : memref<16x128x8xf32, #tpu.memory_space<vmem>>, vector<1x128x8xf32>
      %get3A_419 = vector.shape_cast %get3A_418 : vector<1x128x8xf32> to vector<128x8xf32>
      %get3A_420 = arith.constant 5 : index
      %get3A_421 = arith.constant 0 : index
      %get3A_422 = arith.constant 0 : index
      %get3A_423 = vector.load %arg6[%get3A_420, %get3A_421, %get3A_422] : memref<16x128x8xf32, #tpu.memory_space<vmem>>, vector<1x128x8xf32>
      %get3A_424 = vector.shape_cast %get3A_423 : vector<1x128x8xf32> to vector<128x8xf32>
      %sub3A_425 = vector.broadcast %max3A_322 : vector<128x1xf32> to vector<128x8xf32>
      %sub3A_426 = arith.subf %get3A_424, %sub3A_425 : vector<128x8xf32>
      %exp3A_427 = math.exp %sub3A_426 : vector<128x8xf32>
      %mul3A_428 = arith.mulf %get3A_419, %exp3A_427 : vector<128x8xf32>
      %reduce_sum3A_429 = arith.constant dense<0.000000e+00> : vector<128xf32>
      %reduce_sum3A_430 = vector.multi_reduction <add>, %mul3A_428, %reduce_sum3A_429 [1] : vector<128x8xf32> to vector<128xf32>
      %broadcast_in_dim3A_431 = vector.shape_cast %reduce_sum3A_430 : vector<128xf32> to vector<128x1xf32>
      %add3A_432 = arith.addf %add3A_414, %broadcast_in_dim3A_431 : vector<128x1xf32>
      %get3A_433 = arith.constant 6 : index
      %get3A_434 = arith.constant 0 : index
      %get3A_435 = arith.constant 0 : index
      %get3A_436 = vector.load %arg7[%get3A_433, %get3A_434, %get3A_435] : memref<16x128x8xf32, #tpu.memory_space<vmem>>, vector<1x128x8xf32>
      %get3A_437 = vector.shape_cast %get3A_436 : vector<1x128x8xf32> to vector<128x8xf32>
      %get3A_438 = arith.constant 6 : index
      %get3A_439 = arith.constant 0 : index
      %get3A_440 = arith.constant 0 : index
      %get3A_441 = vector.load %arg6[%get3A_438, %get3A_439, %get3A_440] : memref<16x128x8xf32, #tpu.memory_space<vmem>>, vector<1x128x8xf32>
      %get3A_442 = vector.shape_cast %get3A_441 : vector<1x128x8xf32> to vector<128x8xf32>
      %sub3A_443 = vector.broadcast %max3A_322 : vector<128x1xf32> to vector<128x8xf32>
      %sub3A_444 = arith.subf %get3A_442, %sub3A_443 : vector<128x8xf32>
      %exp3A_445 = math.exp %sub3A_444 : vector<128x8xf32>
      %mul3A_446 = arith.mulf %get3A_437, %exp3A_445 : vector<128x8xf32>
      %reduce_sum3A_447 = arith.constant dense<0.000000e+00> : vector<128xf32>
      %reduce_sum3A_448 = vector.multi_reduction <add>, %mul3A_446, %reduce_sum3A_447 [1] : vector<128x8xf32> to vector<128xf32>
      %broadcast_in_dim3A_449 = vector.shape_cast %reduce_sum3A_448 : vector<128xf32> to vector<128x1xf32>
      %add3A_450 = arith.addf %add3A_432, %broadcast_in_dim3A_449 : vector<128x1xf32>
      %get3A_451 = arith.constant 7 : index
      %get3A_452 = arith.constant 0 : index
      %get3A_453 = arith.constant 0 : index
      %get3A_454 = vector.load %arg7[%get3A_451, %get3A_452, %get3A_453] : memref<16x128x8xf32, #tpu.memory_space<vmem>>, vector<1x128x8xf32>
      %get3A_455 = vector.shape_cast %get3A_454 : vector<1x128x8xf32> to vector<128x8xf32>
      %get3A_456 = arith.constant 7 : index
      %get3A_457 = arith.constant 0 : index
      %get3A_458 = arith.constant 0 : index
      %get3A_459 = vector.load %arg6[%get3A_456, %get3A_457, %get3A_458] : memref<16x128x8xf32, #tpu.memory_space<vmem>>, vector<1x128x8xf32>
      %get3A_460 = vector.shape_cast %get3A_459 : vector<1x128x8xf32> to vector<128x8xf32>
      %sub3A_461 = vector.broadcast %max3A_322 : vector<128x1xf32> to vector<128x8xf32>
      %sub3A_462 = arith.subf %get3A_460, %sub3A_461 : vector<128x8xf32>
      %exp3A_463 = math.exp %sub3A_462 : vector<128x8xf32>
      %mul3A_464 = arith.mulf %get3A_455, %exp3A_463 : vector<128x8xf32>
      %reduce_sum3A_465 = arith.constant dense<0.000000e+00> : vector<128xf32>
      %reduce_sum3A_466 = vector.multi_reduction <add>, %mul3A_464, %reduce_sum3A_465 [1] : vector<128x8xf32> to vector<128xf32>
      %broadcast_in_dim3A_467 = vector.shape_cast %reduce_sum3A_466 : vector<128xf32> to vector<128x1xf32>
      %add3A_468 = arith.addf %add3A_450, %broadcast_in_dim3A_467 : vector<128x1xf32>
      %get3A_469 = arith.constant 8 : index
      %get3A_470 = arith.constant 0 : index
      %get3A_471 = arith.constant 0 : index
      %get3A_472 = vector.load %arg7[%get3A_469, %get3A_470, %get3A_471] : memref<16x128x8xf32, #tpu.memory_space<vmem>>, vector<1x128x8xf32>
      %get3A_473 = vector.shape_cast %get3A_472 : vector<1x128x8xf32> to vector<128x8xf32>
      %get3A_474 = arith.constant 8 : index
      %get3A_475 = arith.constant 0 : index
      %get3A_476 = arith.constant 0 : index
      %get3A_477 = vector.load %arg6[%get3A_474, %get3A_475, %get3A_476] : memref<16x128x8xf32, #tpu.memory_space<vmem>>, vector<1x128x8xf32>
      %get3A_478 = vector.shape_cast %get3A_477 : vector<1x128x8xf32> to vector<128x8xf32>
      %sub3A_479 = vector.broadcast %max3A_322 : vector<128x1xf32> to vector<128x8xf32>
      %sub3A_480 = arith.subf %get3A_478, %sub3A_479 : vector<128x8xf32>
      %exp3A_481 = math.exp %sub3A_480 : vector<128x8xf32>
      %mul3A_482 = arith.mulf %get3A_473, %exp3A_481 : vector<128x8xf32>
      %reduce_sum3A_483 = arith.constant dense<0.000000e+00> : vector<128xf32>
      %reduce_sum3A_484 = vector.multi_reduction <add>, %mul3A_482, %reduce_sum3A_483 [1] : vector<128x8xf32> to vector<128xf32>
      %broadcast_in_dim3A_485 = vector.shape_cast %reduce_sum3A_484 : vector<128xf32> to vector<128x1xf32>
      %add3A_486 = arith.addf %add3A_468, %broadcast_in_dim3A_485 : vector<128x1xf32>
      %get3A_487 = arith.constant 9 : index
      %get3A_488 = arith.constant 0 : index
      %get3A_489 = arith.constant 0 : index
      %get3A_490 = vector.load %arg7[%get3A_487, %get3A_488, %get3A_489] : memref<16x128x8xf32, #tpu.memory_space<vmem>>, vector<1x128x8xf32>
      %get3A_491 = vector.shape_cast %get3A_490 : vector<1x128x8xf32> to vector<128x8xf32>
      %get3A_492 = arith.constant 9 : index
      %get3A_493 = arith.constant 0 : index
      %get3A_494 = arith.constant 0 : index
      %get3A_495 = vector.load %arg6[%get3A_492, %get3A_493, %get3A_494] : memref<16x128x8xf32, #tpu.memory_space<vmem>>, vector<1x128x8xf32>
      %get3A_496 = vector.shape_cast %get3A_495 : vector<1x128x8xf32> to vector<128x8xf32>
      %sub3A_497 = vector.broadcast %max3A_322 : vector<128x1xf32> to vector<128x8xf32>
      %sub3A_498 = arith.subf %get3A_496, %sub3A_497 : vector<128x8xf32>
      %exp3A_499 = math.exp %sub3A_498 : vector<128x8xf32>
      %mul3A_500 = arith.mulf %get3A_491, %exp3A_499 : vector<128x8xf32>
      %reduce_sum3A_501 = arith.constant dense<0.000000e+00> : vector<128xf32>
      %reduce_sum3A_502 = vector.multi_reduction <add>, %mul3A_500, %reduce_sum3A_501 [1] : vector<128x8xf32> to vector<128xf32>
      %broadcast_in_dim3A_503 = vector.shape_cast %reduce_sum3A_502 : vector<128xf32> to vector<128x1xf32>
      %add3A_504 = arith.addf %add3A_486, %broadcast_in_dim3A_503 : vector<128x1xf32>
      %get3A_505 = arith.constant 10 : index
      %get3A_506 = arith.constant 0 : index
      %get3A_507 = arith.constant 0 : index
      %get3A_508 = vector.load %arg7[%get3A_505, %get3A_506, %get3A_507] : memref<16x128x8xf32, #tpu.memory_space<vmem>>, vector<1x128x8xf32>
      %get3A_509 = vector.shape_cast %get3A_508 : vector<1x128x8xf32> to vector<128x8xf32>
      %get3A_510 = arith.constant 10 : index
      %get3A_511 = arith.constant 0 : index
      %get3A_512 = arith.constant 0 : index
      %get3A_513 = vector.load %arg6[%get3A_510, %get3A_511, %get3A_512] : memref<16x128x8xf32, #tpu.memory_space<vmem>>, vector<1x128x8xf32>
      %get3A_514 = vector.shape_cast %get3A_513 : vector<1x128x8xf32> to vector<128x8xf32>
      %sub3A_515 = vector.broadcast %max3A_322 : vector<128x1xf32> to vector<128x8xf32>
      %sub3A_516 = arith.subf %get3A_514, %sub3A_515 : vector<128x8xf32>
      %exp3A_517 = math.exp %sub3A_516 : vector<128x8xf32>
      %mul3A_518 = arith.mulf %get3A_509, %exp3A_517 : vector<128x8xf32>
      %reduce_sum3A_519 = arith.constant dense<0.000000e+00> : vector<128xf32>
      %reduce_sum3A_520 = vector.multi_reduction <add>, %mul3A_518, %reduce_sum3A_519 [1] : vector<128x8xf32> to vector<128xf32>
      %broadcast_in_dim3A_521 = vector.shape_cast %reduce_sum3A_520 : vector<128xf32> to vector<128x1xf32>
      %add3A_522 = arith.addf %add3A_504, %broadcast_in_dim3A_521 : vector<128x1xf32>
      %get3A_523 = arith.constant 11 : index
      %get3A_524 = arith.constant 0 : index
      %get3A_525 = arith.constant 0 : index
      %get3A_526 = vector.load %arg7[%get3A_523, %get3A_524, %get3A_525] : memref<16x128x8xf32, #tpu.memory_space<vmem>>, vector<1x128x8xf32>
      %get3A_527 = vector.shape_cast %get3A_526 : vector<1x128x8xf32> to vector<128x8xf32>
      %get3A_528 = arith.constant 11 : index
      %get3A_529 = arith.constant 0 : index
      %get3A_530 = arith.constant 0 : index
      %get3A_531 = vector.load %arg6[%get3A_528, %get3A_529, %get3A_530] : memref<16x128x8xf32, #tpu.memory_space<vmem>>, vector<1x128x8xf32>
      %get3A_532 = vector.shape_cast %get3A_531 : vector<1x128x8xf32> to vector<128x8xf32>
      %sub3A_533 = vector.broadcast %max3A_322 : vector<128x1xf32> to vector<128x8xf32>
      %sub3A_534 = arith.subf %get3A_532, %sub3A_533 : vector<128x8xf32>
      %exp3A_535 = math.exp %sub3A_534 : vector<128x8xf32>
      %mul3A_536 = arith.mulf %get3A_527, %exp3A_535 : vector<128x8xf32>
      %reduce_sum3A_537 = arith.constant dense<0.000000e+00> : vector<128xf32>
      %reduce_sum3A_538 = vector.multi_reduction <add>, %mul3A_536, %reduce_sum3A_537 [1] : vector<128x8xf32> to vector<128xf32>
      %broadcast_in_dim3A_539 = vector.shape_cast %reduce_sum3A_538 : vector<128xf32> to vector<128x1xf32>
      %add3A_540 = arith.addf %add3A_522, %broadcast_in_dim3A_539 : vector<128x1xf32>
      %get3A_541 = arith.constant 12 : index
      %get3A_542 = arith.constant 0 : index
      %get3A_543 = arith.constant 0 : index
      %get3A_544 = vector.load %arg7[%get3A_541, %get3A_542, %get3A_543] : memref<16x128x8xf32, #tpu.memory_space<vmem>>, vector<1x128x8xf32>
      %get3A_545 = vector.shape_cast %get3A_544 : vector<1x128x8xf32> to vector<128x8xf32>
      %get3A_546 = arith.constant 12 : index
      %get3A_547 = arith.constant 0 : index
      %get3A_548 = arith.constant 0 : index
      %get3A_549 = vector.load %arg6[%get3A_546, %get3A_547, %get3A_548] : memref<16x128x8xf32, #tpu.memory_space<vmem>>, vector<1x128x8xf32>
      %get3A_550 = vector.shape_cast %get3A_549 : vector<1x128x8xf32> to vector<128x8xf32>
      %sub3A_551 = vector.broadcast %max3A_322 : vector<128x1xf32> to vector<128x8xf32>
      %sub3A_552 = arith.subf %get3A_550, %sub3A_551 : vector<128x8xf32>
      %exp3A_553 = math.exp %sub3A_552 : vector<128x8xf32>
      %mul3A_554 = arith.mulf %get3A_545, %exp3A_553 : vector<128x8xf32>
      %reduce_sum3A_555 = arith.constant dense<0.000000e+00> : vector<128xf32>
      %reduce_sum3A_556 = vector.multi_reduction <add>, %mul3A_554, %reduce_sum3A_555 [1] : vector<128x8xf32> to vector<128xf32>
      %broadcast_in_dim3A_557 = vector.shape_cast %reduce_sum3A_556 : vector<128xf32> to vector<128x1xf32>
      %add3A_558 = arith.addf %add3A_540, %broadcast_in_dim3A_557 : vector<128x1xf32>
      %get3A_559 = arith.constant 13 : index
      %get3A_560 = arith.constant 0 : index
      %get3A_561 = arith.constant 0 : index
      %get3A_562 = vector.load %arg7[%get3A_559, %get3A_560, %get3A_561] : memref<16x128x8xf32, #tpu.memory_space<vmem>>, vector<1x128x8xf32>
      %get3A_563 = vector.shape_cast %get3A_562 : vector<1x128x8xf32> to vector<128x8xf32>
      %get3A_564 = arith.constant 13 : index
      %get3A_565 = arith.constant 0 : index
      %get3A_566 = arith.constant 0 : index
      %get3A_567 = vector.load %arg6[%get3A_564, %get3A_565, %get3A_566] : memref<16x128x8xf32, #tpu.memory_space<vmem>>, vector<1x128x8xf32>
      %get3A_568 = vector.shape_cast %get3A_567 : vector<1x128x8xf32> to vector<128x8xf32>
      %sub3A_569 = vector.broadcast %max3A_322 : vector<128x1xf32> to vector<128x8xf32>
      %sub3A_570 = arith.subf %get3A_568, %sub3A_569 : vector<128x8xf32>
      %exp3A_571 = math.exp %sub3A_570 : vector<128x8xf32>
      %mul3A_572 = arith.mulf %get3A_563, %exp3A_571 : vector<128x8xf32>
      %reduce_sum3A_573 = arith.constant dense<0.000000e+00> : vector<128xf32>
      %reduce_sum3A_574 = vector.multi_reduction <add>, %mul3A_572, %reduce_sum3A_573 [1] : vector<128x8xf32> to vector<128xf32>
      %broadcast_in_dim3A_575 = vector.shape_cast %reduce_sum3A_574 : vector<128xf32> to vector<128x1xf32>
      %add3A_576 = arith.addf %add3A_558, %broadcast_in_dim3A_575 : vector<128x1xf32>
      %get3A_577 = arith.constant 14 : index
      %get3A_578 = arith.constant 0 : index
      %get3A_579 = arith.constant 0 : index
      %get3A_580 = vector.load %arg7[%get3A_577, %get3A_578, %get3A_579] : memref<16x128x8xf32, #tpu.memory_space<vmem>>, vector<1x128x8xf32>
      %get3A_581 = vector.shape_cast %get3A_580 : vector<1x128x8xf32> to vector<128x8xf32>
      %get3A_582 = arith.constant 14 : index
      %get3A_583 = arith.constant 0 : index
      %get3A_584 = arith.constant 0 : index
      %get3A_585 = vector.load %arg6[%get3A_582, %get3A_583, %get3A_584] : memref<16x128x8xf32, #tpu.memory_space<vmem>>, vector<1x128x8xf32>
      %get3A_586 = vector.shape_cast %get3A_585 : vector<1x128x8xf32> to vector<128x8xf32>
      %sub3A_587 = vector.broadcast %max3A_322 : vector<128x1xf32> to vector<128x8xf32>
      %sub3A_588 = arith.subf %get3A_586, %sub3A_587 : vector<128x8xf32>
      %exp3A_589 = math.exp %sub3A_588 : vector<128x8xf32>
      %mul3A_590 = arith.mulf %get3A_581, %exp3A_589 : vector<128x8xf32>
      %reduce_sum3A_591 = arith.constant dense<0.000000e+00> : vector<128xf32>
      %reduce_sum3A_592 = vector.multi_reduction <add>, %mul3A_590, %reduce_sum3A_591 [1] : vector<128x8xf32> to vector<128xf32>
      %broadcast_in_dim3A_593 = vector.shape_cast %reduce_sum3A_592 : vector<128xf32> to vector<128x1xf32>
      %add3A_594 = arith.addf %add3A_576, %broadcast_in_dim3A_593 : vector<128x1xf32>
      %get3A_595 = arith.constant 15 : index
      %get3A_596 = arith.constant 0 : index
      %get3A_597 = arith.constant 0 : index
      %get3A_598 = vector.load %arg7[%get3A_595, %get3A_596, %get3A_597] : memref<16x128x8xf32, #tpu.memory_space<vmem>>, vector<1x128x8xf32>
      %get3A_599 = vector.shape_cast %get3A_598 : vector<1x128x8xf32> to vector<128x8xf32>
      %get3A_600 = arith.constant 15 : index
      %get3A_601 = arith.constant 0 : index
      %get3A_602 = arith.constant 0 : index
      %get3A_603 = vector.load %arg6[%get3A_600, %get3A_601, %get3A_602] : memref<16x128x8xf32, #tpu.memory_space<vmem>>, vector<1x128x8xf32>
      %get3A_604 = vector.shape_cast %get3A_603 : vector<1x128x8xf32> to vector<128x8xf32>
      %sub3A_605 = vector.broadcast %max3A_322 : vector<128x1xf32> to vector<128x8xf32>
      %sub3A_606 = arith.subf %get3A_604, %sub3A_605 : vector<128x8xf32>
      %exp3A_607 = math.exp %sub3A_606 : vector<128x8xf32>
      %mul3A_608 = arith.mulf %get3A_599, %exp3A_607 : vector<128x8xf32>
      %reduce_sum3A_609 = arith.constant dense<0.000000e+00> : vector<128xf32>
      %reduce_sum3A_610 = vector.multi_reduction <add>, %mul3A_608, %reduce_sum3A_609 [1] : vector<128x8xf32> to vector<128xf32>
      %broadcast_in_dim3A_611 = vector.shape_cast %reduce_sum3A_610 : vector<128xf32> to vector<128x1xf32>
      %add3A_612 = arith.addf %add3A_594, %broadcast_in_dim3A_611 : vector<128x1xf32>
      %get3A_613 = arith.constant 0 : index
      %get3A_614 = arith.constant 0 : index
      %get3A_615 = vector.load %arg3[%get3A_613, %get3A_614] : memref<128x1xf32, #tpu.memory_space<vmem>>, vector<128x1xf32>
      %mul3A_616 = arith.mulf %get3A_615, %add3A_612 : vector<128x1xf32>
      %broadcast_in_dim3A_617 = arith.constant 0.000000e+00 : f32
      %broadcast_in_dim3A_618 = vector.broadcast %broadcast_in_dim3A_617 : f32 to vector<128x1xf32>
      %broadcast_in_dim3A_619 = arith.constant 0.000000e+00 : f32
      %broadcast_in_dim3A_620 = vector.broadcast %broadcast_in_dim3A_619 : f32 to vector<128x1xf32>
      %broadcast_in_dim3A_621 = arith.constant 0.000000e+00 : f32
      %broadcast_in_dim3A_622 = vector.broadcast %broadcast_in_dim3A_621 : f32 to vector<128x1xf32>
      %get3A_623 = arith.constant 0 : index
      %get3A_624 = arith.constant 0 : index
      %get3A_625 = arith.constant 0 : index
      %get3A_626 = vector.load %arg7[%get3A_623, %get3A_624, %get3A_625] : memref<16x128x8xf32, #tpu.memory_space<vmem>>, vector<1x128x8xf32>
      %get3A_627 = vector.shape_cast %get3A_626 : vector<1x128x8xf32> to vector<128x8xf32>
      %get3A_628 = arith.constant 0 : index
      %get3A_629 = arith.constant 0 : index
      %get3A_630 = arith.constant 0 : index
      %get3A_631 = vector.load %arg6[%get3A_628, %get3A_629, %get3A_630] : memref<16x128x8xf32, #tpu.memory_space<vmem>>, vector<1x128x8xf32>
      %get3A_632 = vector.shape_cast %get3A_631 : vector<1x128x8xf32> to vector<128x8xf32>
      %sub3A_633 = vector.broadcast %max3A_322 : vector<128x1xf32> to vector<128x8xf32>
      %sub3A_634 = arith.subf %get3A_632, %sub3A_633 : vector<128x8xf32>
      %exp3A_635 = math.exp %sub3A_634 : vector<128x8xf32>
      %mul3A_636 = arith.mulf %get3A_627, %exp3A_635 : vector<128x8xf32>
      %broadcast_in_dim3A_637 = arith.constant 0.000000e+00 : f32
      %broadcast_in_dim3A_638 = vector.broadcast %broadcast_in_dim3A_637 : f32 to vector<128x1xf32>
      %slice3A_639 = vector.extract_strided_slice %mul3A_636 {offsets = [0, 0], sizes = [128, 7], strides = [1, 1]} : vector<128x8xf32> to vector<128x7xf32>
      %concatenate3A_640 = tpu.concatenate %broadcast_in_dim3A_638, %slice3A_639 in 1 : vector<128x1xf32>, vector<128x7xf32> -> vector<128x8xf32>
      %add3A_641 = arith.addf %mul3A_636, %concatenate3A_640 : vector<128x8xf32>
      %broadcast_in_dim3A_642 = arith.constant 0.000000e+00 : f32
      %broadcast_in_dim3A_643 = vector.broadcast %broadcast_in_dim3A_642 : f32 to vector<128x2xf32>
      %slice3A_644 = vector.extract_strided_slice %add3A_641 {offsets = [0, 0], sizes = [128, 6], strides = [1, 1]} : vector<128x8xf32> to vector<128x6xf32>
      %concatenate3A_645 = tpu.concatenate %broadcast_in_dim3A_643, %slice3A_644 in 1 : vector<128x2xf32>, vector<128x6xf32> -> vector<128x8xf32>
      %add3A_646 = arith.addf %add3A_641, %concatenate3A_645 : vector<128x8xf32>
      %broadcast_in_dim3A_647 = arith.constant 0.000000e+00 : f32
      %broadcast_in_dim3A_648 = vector.broadcast %broadcast_in_dim3A_647 : f32 to vector<128x4xf32>
      %slice3A_649 = vector.extract_strided_slice %add3A_646 {offsets = [0, 0], sizes = [128, 4], strides = [1, 1]} : vector<128x8xf32> to vector<128x4xf32>
      %concatenate3A_650 = tpu.concatenate %broadcast_in_dim3A_648, %slice3A_649 in 1 : vector<128x4xf32>, vector<128x4xf32> -> vector<128x8xf32>
      %add3A_651 = arith.addf %add3A_646, %concatenate3A_650 : vector<128x8xf32>
      %add3A_652 = vector.broadcast %broadcast_in_dim3A_618 : vector<128x1xf32> to vector<128x8xf32>
      %add3A_653 = arith.addf %add3A_652, %add3A_651 : vector<128x8xf32>
      %lt3A_654 = vector.broadcast %mul3A_616 : vector<128x1xf32> to vector<128x8xf32>
      %lt3A_655 = arith.cmpf olt, %add3A_653, %lt3A_654 : vector<128x8xf32>
      %jit3A_656 = arith.constant 1.000000e+00 : f32
      %jit3A_657 = arith.constant 0.000000e+00 : f32
      %broadcast_in_dim3A_658 = vector.broadcast %jit3A_656 : f32 to vector<128x8xf32>
      %broadcast_in_dim3A_659 = vector.broadcast %jit3A_657 : f32 to vector<128x8xf32>
      %select_n3A_660 = arith.select %lt3A_655, %broadcast_in_dim3A_658, %broadcast_in_dim3A_659 : vector<128x8xi1>, vector<128x8xf32>
      %reduce_sum3A_661 = arith.constant dense<0.000000e+00> : vector<128xf32>
      %reduce_sum3A_662 = vector.multi_reduction <add>, %select_n3A_660, %reduce_sum3A_661 [1] : vector<128x8xf32> to vector<128xf32>
      %broadcast_in_dim3A_663 = vector.shape_cast %reduce_sum3A_662 : vector<128xf32> to vector<128x1xf32>
      %add3A_664 = arith.addf %broadcast_in_dim3A_620, %broadcast_in_dim3A_663 : vector<128x1xf32>
      %jit3A_665 = arith.constant 0.000000e+00 : f32
      %broadcast_in_dim3A_666 = vector.broadcast %jit3A_665 : f32 to vector<128x8xf32>
      %select_n3A_667 = arith.select %lt3A_655, %mul3A_636, %broadcast_in_dim3A_666 : vector<128x8xi1>, vector<128x8xf32>
      %reduce_sum3A_668 = arith.constant dense<0.000000e+00> : vector<128xf32>
      %reduce_sum3A_669 = vector.multi_reduction <add>, %select_n3A_667, %reduce_sum3A_668 [1] : vector<128x8xf32> to vector<128xf32>
      %broadcast_in_dim3A_670 = vector.shape_cast %reduce_sum3A_669 : vector<128xf32> to vector<128x1xf32>
      %add3A_671 = arith.addf %broadcast_in_dim3A_622, %broadcast_in_dim3A_670 : vector<128x1xf32>
      %reduce_sum3A_672 = arith.constant dense<0.000000e+00> : vector<128xf32>
      %reduce_sum3A_673 = vector.multi_reduction <add>, %mul3A_636, %reduce_sum3A_672 [1] : vector<128x8xf32> to vector<128xf32>
      %broadcast_in_dim3A_674 = vector.shape_cast %reduce_sum3A_673 : vector<128xf32> to vector<128x1xf32>
      %add3A_675 = arith.addf %broadcast_in_dim3A_618, %broadcast_in_dim3A_674 : vector<128x1xf32>
      %get3A_676 = arith.constant 1 : index
      %get3A_677 = arith.constant 0 : index
      %get3A_678 = arith.constant 0 : index
      %get3A_679 = vector.load %arg7[%get3A_676, %get3A_677, %get3A_678] : memref<16x128x8xf32, #tpu.memory_space<vmem>>, vector<1x128x8xf32>
      %get3A_680 = vector.shape_cast %get3A_679 : vector<1x128x8xf32> to vector<128x8xf32>
      %get3A_681 = arith.constant 1 : index
      %get3A_682 = arith.constant 0 : index
      %get3A_683 = arith.constant 0 : index
      %get3A_684 = vector.load %arg6[%get3A_681, %get3A_682, %get3A_683] : memref<16x128x8xf32, #tpu.memory_space<vmem>>, vector<1x128x8xf32>
      %get3A_685 = vector.shape_cast %get3A_684 : vector<1x128x8xf32> to vector<128x8xf32>
      %sub3A_686 = vector.broadcast %max3A_322 : vector<128x1xf32> to vector<128x8xf32>
      %sub3A_687 = arith.subf %get3A_685, %sub3A_686 : vector<128x8xf32>
      %exp3A_688 = math.exp %sub3A_687 : vector<128x8xf32>
      %mul3A_689 = arith.mulf %get3A_680, %exp3A_688 : vector<128x8xf32>
      %broadcast_in_dim3A_690 = arith.constant 0.000000e+00 : f32
      %broadcast_in_dim3A_691 = vector.broadcast %broadcast_in_dim3A_690 : f32 to vector<128x1xf32>
      %slice3A_692 = vector.extract_strided_slice %mul3A_689 {offsets = [0, 0], sizes = [128, 7], strides = [1, 1]} : vector<128x8xf32> to vector<128x7xf32>
      %concatenate3A_693 = tpu.concatenate %broadcast_in_dim3A_691, %slice3A_692 in 1 : vector<128x1xf32>, vector<128x7xf32> -> vector<128x8xf32>
      %add3A_694 = arith.addf %mul3A_689, %concatenate3A_693 : vector<128x8xf32>
      %broadcast_in_dim3A_695 = arith.constant 0.000000e+00 : f32
      %broadcast_in_dim3A_696 = vector.broadcast %broadcast_in_dim3A_695 : f32 to vector<128x2xf32>
      %slice3A_697 = vector.extract_strided_slice %add3A_694 {offsets = [0, 0], sizes = [128, 6], strides = [1, 1]} : vector<128x8xf32> to vector<128x6xf32>
      %concatenate3A_698 = tpu.concatenate %broadcast_in_dim3A_696, %slice3A_697 in 1 : vector<128x2xf32>, vector<128x6xf32> -> vector<128x8xf32>
      %add3A_699 = arith.addf %add3A_694, %concatenate3A_698 : vector<128x8xf32>
      %broadcast_in_dim3A_700 = arith.constant 0.000000e+00 : f32
      %broadcast_in_dim3A_701 = vector.broadcast %broadcast_in_dim3A_700 : f32 to vector<128x4xf32>
      %slice3A_702 = vector.extract_strided_slice %add3A_699 {offsets = [0, 0], sizes = [128, 4], strides = [1, 1]} : vector<128x8xf32> to vector<128x4xf32>
      %concatenate3A_703 = tpu.concatenate %broadcast_in_dim3A_701, %slice3A_702 in 1 : vector<128x4xf32>, vector<128x4xf32> -> vector<128x8xf32>
      %add3A_704 = arith.addf %add3A_699, %concatenate3A_703 : vector<128x8xf32>
      %add3A_705 = vector.broadcast %add3A_675 : vector<128x1xf32> to vector<128x8xf32>
      %add3A_706 = arith.addf %add3A_705, %add3A_704 : vector<128x8xf32>
      %lt3A_707 = vector.broadcast %mul3A_616 : vector<128x1xf32> to vector<128x8xf32>
      %lt3A_708 = arith.cmpf olt, %add3A_706, %lt3A_707 : vector<128x8xf32>
      %jit3A_709 = arith.constant 1.000000e+00 : f32
      %jit3A_710 = arith.constant 0.000000e+00 : f32
      %broadcast_in_dim3A_711 = vector.broadcast %jit3A_709 : f32 to vector<128x8xf32>
      %broadcast_in_dim3A_712 = vector.broadcast %jit3A_710 : f32 to vector<128x8xf32>
      %select_n3A_713 = arith.select %lt3A_708, %broadcast_in_dim3A_711, %broadcast_in_dim3A_712 : vector<128x8xi1>, vector<128x8xf32>
      %reduce_sum3A_714 = arith.constant dense<0.000000e+00> : vector<128xf32>
      %reduce_sum3A_715 = vector.multi_reduction <add>, %select_n3A_713, %reduce_sum3A_714 [1] : vector<128x8xf32> to vector<128xf32>
      %broadcast_in_dim3A_716 = vector.shape_cast %reduce_sum3A_715 : vector<128xf32> to vector<128x1xf32>
      %add3A_717 = arith.addf %add3A_664, %broadcast_in_dim3A_716 : vector<128x1xf32>
      %jit3A_718 = arith.constant 0.000000e+00 : f32
      %broadcast_in_dim3A_719 = vector.broadcast %jit3A_718 : f32 to vector<128x8xf32>
      %select_n3A_720 = arith.select %lt3A_708, %mul3A_689, %broadcast_in_dim3A_719 : vector<128x8xi1>, vector<128x8xf32>
      %reduce_sum3A_721 = arith.constant dense<0.000000e+00> : vector<128xf32>
      %reduce_sum3A_722 = vector.multi_reduction <add>, %select_n3A_720, %reduce_sum3A_721 [1] : vector<128x8xf32> to vector<128xf32>
      %broadcast_in_dim3A_723 = vector.shape_cast %reduce_sum3A_722 : vector<128xf32> to vector<128x1xf32>
      %add3A_724 = arith.addf %add3A_671, %broadcast_in_dim3A_723 : vector<128x1xf32>
      %reduce_sum3A_725 = arith.constant dense<0.000000e+00> : vector<128xf32>
      %reduce_sum3A_726 = vector.multi_reduction <add>, %mul3A_689, %reduce_sum3A_725 [1] : vector<128x8xf32> to vector<128xf32>
      %broadcast_in_dim3A_727 = vector.shape_cast %reduce_sum3A_726 : vector<128xf32> to vector<128x1xf32>
      %add3A_728 = arith.addf %add3A_675, %broadcast_in_dim3A_727 : vector<128x1xf32>
      %get3A_729 = arith.constant 2 : index
      %get3A_730 = arith.constant 0 : index
      %get3A_731 = arith.constant 0 : index
      %get3A_732 = vector.load %arg7[%get3A_729, %get3A_730, %get3A_731] : memref<16x128x8xf32, #tpu.memory_space<vmem>>, vector<1x128x8xf32>
      %get3A_733 = vector.shape_cast %get3A_732 : vector<1x128x8xf32> to vector<128x8xf32>
      %get3A_734 = arith.constant 2 : index
      %get3A_735 = arith.constant 0 : index
      %get3A_736 = arith.constant 0 : index
      %get3A_737 = vector.load %arg6[%get3A_734, %get3A_735, %get3A_736] : memref<16x128x8xf32, #tpu.memory_space<vmem>>, vector<1x128x8xf32>
      %get3A_738 = vector.shape_cast %get3A_737 : vector<1x128x8xf32> to vector<128x8xf32>
      %sub3A_739 = vector.broadcast %max3A_322 : vector<128x1xf32> to vector<128x8xf32>
      %sub3A_740 = arith.subf %get3A_738, %sub3A_739 : vector<128x8xf32>
      %exp3A_741 = math.exp %sub3A_740 : vector<128x8xf32>
      %mul3A_742 = arith.mulf %get3A_733, %exp3A_741 : vector<128x8xf32>
      %broadcast_in_dim3A_743 = arith.constant 0.000000e+00 : f32
      %broadcast_in_dim3A_744 = vector.broadcast %broadcast_in_dim3A_743 : f32 to vector<128x1xf32>
      %slice3A_745 = vector.extract_strided_slice %mul3A_742 {offsets = [0, 0], sizes = [128, 7], strides = [1, 1]} : vector<128x8xf32> to vector<128x7xf32>
      %concatenate3A_746 = tpu.concatenate %broadcast_in_dim3A_744, %slice3A_745 in 1 : vector<128x1xf32>, vector<128x7xf32> -> vector<128x8xf32>
      %add3A_747 = arith.addf %mul3A_742, %concatenate3A_746 : vector<128x8xf32>
      %broadcast_in_dim3A_748 = arith.constant 0.000000e+00 : f32
      %broadcast_in_dim3A_749 = vector.broadcast %broadcast_in_dim3A_748 : f32 to vector<128x2xf32>
      %slice3A_750 = vector.extract_strided_slice %add3A_747 {offsets = [0, 0], sizes = [128, 6], strides = [1, 1]} : vector<128x8xf32> to vector<128x6xf32>
      %concatenate3A_751 = tpu.concatenate %broadcast_in_dim3A_749, %slice3A_750 in 1 : vector<128x2xf32>, vector<128x6xf32> -> vector<128x8xf32>
      %add3A_752 = arith.addf %add3A_747, %concatenate3A_751 : vector<128x8xf32>
      %broadcast_in_dim3A_753 = arith.constant 0.000000e+00 : f32
      %broadcast_in_dim3A_754 = vector.broadcast %broadcast_in_dim3A_753 : f32 to vector<128x4xf32>
      %slice3A_755 = vector.extract_strided_slice %add3A_752 {offsets = [0, 0], sizes = [128, 4], strides = [1, 1]} : vector<128x8xf32> to vector<128x4xf32>
      %concatenate3A_756 = tpu.concatenate %broadcast_in_dim3A_754, %slice3A_755 in 1 : vector<128x4xf32>, vector<128x4xf32> -> vector<128x8xf32>
      %add3A_757 = arith.addf %add3A_752, %concatenate3A_756 : vector<128x8xf32>
      %add3A_758 = vector.broadcast %add3A_728 : vector<128x1xf32> to vector<128x8xf32>
      %add3A_759 = arith.addf %add3A_758, %add3A_757 : vector<128x8xf32>
      %lt3A_760 = vector.broadcast %mul3A_616 : vector<128x1xf32> to vector<128x8xf32>
      %lt3A_761 = arith.cmpf olt, %add3A_759, %lt3A_760 : vector<128x8xf32>
      %jit3A_762 = arith.constant 1.000000e+00 : f32
      %jit3A_763 = arith.constant 0.000000e+00 : f32
      %broadcast_in_dim3A_764 = vector.broadcast %jit3A_762 : f32 to vector<128x8xf32>
      %broadcast_in_dim3A_765 = vector.broadcast %jit3A_763 : f32 to vector<128x8xf32>
      %select_n3A_766 = arith.select %lt3A_761, %broadcast_in_dim3A_764, %broadcast_in_dim3A_765 : vector<128x8xi1>, vector<128x8xf32>
      %reduce_sum3A_767 = arith.constant dense<0.000000e+00> : vector<128xf32>
      %reduce_sum3A_768 = vector.multi_reduction <add>, %select_n3A_766, %reduce_sum3A_767 [1] : vector<128x8xf32> to vector<128xf32>
      %broadcast_in_dim3A_769 = vector.shape_cast %reduce_sum3A_768 : vector<128xf32> to vector<128x1xf32>
      %add3A_770 = arith.addf %add3A_717, %broadcast_in_dim3A_769 : vector<128x1xf32>
      %jit3A_771 = arith.constant 0.000000e+00 : f32
      %broadcast_in_dim3A_772 = vector.broadcast %jit3A_771 : f32 to vector<128x8xf32>
      %select_n3A_773 = arith.select %lt3A_761, %mul3A_742, %broadcast_in_dim3A_772 : vector<128x8xi1>, vector<128x8xf32>
      %reduce_sum3A_774 = arith.constant dense<0.000000e+00> : vector<128xf32>
      %reduce_sum3A_775 = vector.multi_reduction <add>, %select_n3A_773, %reduce_sum3A_774 [1] : vector<128x8xf32> to vector<128xf32>
      %broadcast_in_dim3A_776 = vector.shape_cast %reduce_sum3A_775 : vector<128xf32> to vector<128x1xf32>
      %add3A_777 = arith.addf %add3A_724, %broadcast_in_dim3A_776 : vector<128x1xf32>
      %reduce_sum3A_778 = arith.constant dense<0.000000e+00> : vector<128xf32>
      %reduce_sum3A_779 = vector.multi_reduction <add>, %mul3A_742, %reduce_sum3A_778 [1] : vector<128x8xf32> to vector<128xf32>
      %broadcast_in_dim3A_780 = vector.shape_cast %reduce_sum3A_779 : vector<128xf32> to vector<128x1xf32>
      %add3A_781 = arith.addf %add3A_728, %broadcast_in_dim3A_780 : vector<128x1xf32>
      %get3A_782 = arith.constant 3 : index
      %get3A_783 = arith.constant 0 : index
      %get3A_784 = arith.constant 0 : index
      %get3A_785 = vector.load %arg7[%get3A_782, %get3A_783, %get3A_784] : memref<16x128x8xf32, #tpu.memory_space<vmem>>, vector<1x128x8xf32>
      %get3A_786 = vector.shape_cast %get3A_785 : vector<1x128x8xf32> to vector<128x8xf32>
      %get3A_787 = arith.constant 3 : index
      %get3A_788 = arith.constant 0 : index
      %get3A_789 = arith.constant 0 : index
      %get3A_790 = vector.load %arg6[%get3A_787, %get3A_788, %get3A_789] : memref<16x128x8xf32, #tpu.memory_space<vmem>>, vector<1x128x8xf32>
      %get3A_791 = vector.shape_cast %get3A_790 : vector<1x128x8xf32> to vector<128x8xf32>
      %sub3A_792 = vector.broadcast %max3A_322 : vector<128x1xf32> to vector<128x8xf32>
      %sub3A_793 = arith.subf %get3A_791, %sub3A_792 : vector<128x8xf32>
      %exp3A_794 = math.exp %sub3A_793 : vector<128x8xf32>
      %mul3A_795 = arith.mulf %get3A_786, %exp3A_794 : vector<128x8xf32>
      %broadcast_in_dim3A_796 = arith.constant 0.000000e+00 : f32
      %broadcast_in_dim3A_797 = vector.broadcast %broadcast_in_dim3A_796 : f32 to vector<128x1xf32>
      %slice3A_798 = vector.extract_strided_slice %mul3A_795 {offsets = [0, 0], sizes = [128, 7], strides = [1, 1]} : vector<128x8xf32> to vector<128x7xf32>
      %concatenate3A_799 = tpu.concatenate %broadcast_in_dim3A_797, %slice3A_798 in 1 : vector<128x1xf32>, vector<128x7xf32> -> vector<128x8xf32>
      %add3A_800 = arith.addf %mul3A_795, %concatenate3A_799 : vector<128x8xf32>
      %broadcast_in_dim3A_801 = arith.constant 0.000000e+00 : f32
      %broadcast_in_dim3A_802 = vector.broadcast %broadcast_in_dim3A_801 : f32 to vector<128x2xf32>
      %slice3A_803 = vector.extract_strided_slice %add3A_800 {offsets = [0, 0], sizes = [128, 6], strides = [1, 1]} : vector<128x8xf32> to vector<128x6xf32>
      %concatenate3A_804 = tpu.concatenate %broadcast_in_dim3A_802, %slice3A_803 in 1 : vector<128x2xf32>, vector<128x6xf32> -> vector<128x8xf32>
      %add3A_805 = arith.addf %add3A_800, %concatenate3A_804 : vector<128x8xf32>
      %broadcast_in_dim3A_806 = arith.constant 0.000000e+00 : f32
      %broadcast_in_dim3A_807 = vector.broadcast %broadcast_in_dim3A_806 : f32 to vector<128x4xf32>
      %slice3A_808 = vector.extract_strided_slice %add3A_805 {offsets = [0, 0], sizes = [128, 4], strides = [1, 1]} : vector<128x8xf32> to vector<128x4xf32>
      %concatenate3A_809 = tpu.concatenate %broadcast_in_dim3A_807, %slice3A_808 in 1 : vector<128x4xf32>, vector<128x4xf32> -> vector<128x8xf32>
      %add3A_810 = arith.addf %add3A_805, %concatenate3A_809 : vector<128x8xf32>
      %add3A_811 = vector.broadcast %add3A_781 : vector<128x1xf32> to vector<128x8xf32>
      %add3A_812 = arith.addf %add3A_811, %add3A_810 : vector<128x8xf32>
      %lt3A_813 = vector.broadcast %mul3A_616 : vector<128x1xf32> to vector<128x8xf32>
      %lt3A_814 = arith.cmpf olt, %add3A_812, %lt3A_813 : vector<128x8xf32>
      %jit3A_815 = arith.constant 1.000000e+00 : f32
      %jit3A_816 = arith.constant 0.000000e+00 : f32
      %broadcast_in_dim3A_817 = vector.broadcast %jit3A_815 : f32 to vector<128x8xf32>
      %broadcast_in_dim3A_818 = vector.broadcast %jit3A_816 : f32 to vector<128x8xf32>
      %select_n3A_819 = arith.select %lt3A_814, %broadcast_in_dim3A_817, %broadcast_in_dim3A_818 : vector<128x8xi1>, vector<128x8xf32>
      %reduce_sum3A_820 = arith.constant dense<0.000000e+00> : vector<128xf32>
      %reduce_sum3A_821 = vector.multi_reduction <add>, %select_n3A_819, %reduce_sum3A_820 [1] : vector<128x8xf32> to vector<128xf32>
      %broadcast_in_dim3A_822 = vector.shape_cast %reduce_sum3A_821 : vector<128xf32> to vector<128x1xf32>
      %add3A_823 = arith.addf %add3A_770, %broadcast_in_dim3A_822 : vector<128x1xf32>
      %jit3A_824 = arith.constant 0.000000e+00 : f32
      %broadcast_in_dim3A_825 = vector.broadcast %jit3A_824 : f32 to vector<128x8xf32>
      %select_n3A_826 = arith.select %lt3A_814, %mul3A_795, %broadcast_in_dim3A_825 : vector<128x8xi1>, vector<128x8xf32>
      %reduce_sum3A_827 = arith.constant dense<0.000000e+00> : vector<128xf32>
      %reduce_sum3A_828 = vector.multi_reduction <add>, %select_n3A_826, %reduce_sum3A_827 [1] : vector<128x8xf32> to vector<128xf32>
      %broadcast_in_dim3A_829 = vector.shape_cast %reduce_sum3A_828 : vector<128xf32> to vector<128x1xf32>
      %add3A_830 = arith.addf %add3A_777, %broadcast_in_dim3A_829 : vector<128x1xf32>
      %reduce_sum3A_831 = arith.constant dense<0.000000e+00> : vector<128xf32>
      %reduce_sum3A_832 = vector.multi_reduction <add>, %mul3A_795, %reduce_sum3A_831 [1] : vector<128x8xf32> to vector<128xf32>
      %broadcast_in_dim3A_833 = vector.shape_cast %reduce_sum3A_832 : vector<128xf32> to vector<128x1xf32>
      %add3A_834 = arith.addf %add3A_781, %broadcast_in_dim3A_833 : vector<128x1xf32>
      %get3A_835 = arith.constant 4 : index
      %get3A_836 = arith.constant 0 : index
      %get3A_837 = arith.constant 0 : index
      %get3A_838 = vector.load %arg7[%get3A_835, %get3A_836, %get3A_837] : memref<16x128x8xf32, #tpu.memory_space<vmem>>, vector<1x128x8xf32>
      %get3A_839 = vector.shape_cast %get3A_838 : vector<1x128x8xf32> to vector<128x8xf32>
      %get3A_840 = arith.constant 4 : index
      %get3A_841 = arith.constant 0 : index
      %get3A_842 = arith.constant 0 : index
      %get3A_843 = vector.load %arg6[%get3A_840, %get3A_841, %get3A_842] : memref<16x128x8xf32, #tpu.memory_space<vmem>>, vector<1x128x8xf32>
      %get3A_844 = vector.shape_cast %get3A_843 : vector<1x128x8xf32> to vector<128x8xf32>
      %sub3A_845 = vector.broadcast %max3A_322 : vector<128x1xf32> to vector<128x8xf32>
      %sub3A_846 = arith.subf %get3A_844, %sub3A_845 : vector<128x8xf32>
      %exp3A_847 = math.exp %sub3A_846 : vector<128x8xf32>
      %mul3A_848 = arith.mulf %get3A_839, %exp3A_847 : vector<128x8xf32>
      %broadcast_in_dim3A_849 = arith.constant 0.000000e+00 : f32
      %broadcast_in_dim3A_850 = vector.broadcast %broadcast_in_dim3A_849 : f32 to vector<128x1xf32>
      %slice3A_851 = vector.extract_strided_slice %mul3A_848 {offsets = [0, 0], sizes = [128, 7], strides = [1, 1]} : vector<128x8xf32> to vector<128x7xf32>
      %concatenate3A_852 = tpu.concatenate %broadcast_in_dim3A_850, %slice3A_851 in 1 : vector<128x1xf32>, vector<128x7xf32> -> vector<128x8xf32>
      %add3A_853 = arith.addf %mul3A_848, %concatenate3A_852 : vector<128x8xf32>
      %broadcast_in_dim3A_854 = arith.constant 0.000000e+00 : f32
      %broadcast_in_dim3A_855 = vector.broadcast %broadcast_in_dim3A_854 : f32 to vector<128x2xf32>
      %slice3A_856 = vector.extract_strided_slice %add3A_853 {offsets = [0, 0], sizes = [128, 6], strides = [1, 1]} : vector<128x8xf32> to vector<128x6xf32>
      %concatenate3A_857 = tpu.concatenate %broadcast_in_dim3A_855, %slice3A_856 in 1 : vector<128x2xf32>, vector<128x6xf32> -> vector<128x8xf32>
      %add3A_858 = arith.addf %add3A_853, %concatenate3A_857 : vector<128x8xf32>
      %broadcast_in_dim3A_859 = arith.constant 0.000000e+00 : f32
      %broadcast_in_dim3A_860 = vector.broadcast %broadcast_in_dim3A_859 : f32 to vector<128x4xf32>
      %slice3A_861 = vector.extract_strided_slice %add3A_858 {offsets = [0, 0], sizes = [128, 4], strides = [1, 1]} : vector<128x8xf32> to vector<128x4xf32>
      %concatenate3A_862 = tpu.concatenate %broadcast_in_dim3A_860, %slice3A_861 in 1 : vector<128x4xf32>, vector<128x4xf32> -> vector<128x8xf32>
      %add3A_863 = arith.addf %add3A_858, %concatenate3A_862 : vector<128x8xf32>
      %add3A_864 = vector.broadcast %add3A_834 : vector<128x1xf32> to vector<128x8xf32>
      %add3A_865 = arith.addf %add3A_864, %add3A_863 : vector<128x8xf32>
      %lt3A_866 = vector.broadcast %mul3A_616 : vector<128x1xf32> to vector<128x8xf32>
      %lt3A_867 = arith.cmpf olt, %add3A_865, %lt3A_866 : vector<128x8xf32>
      %jit3A_868 = arith.constant 1.000000e+00 : f32
      %jit3A_869 = arith.constant 0.000000e+00 : f32
      %broadcast_in_dim3A_870 = vector.broadcast %jit3A_868 : f32 to vector<128x8xf32>
      %broadcast_in_dim3A_871 = vector.broadcast %jit3A_869 : f32 to vector<128x8xf32>
      %select_n3A_872 = arith.select %lt3A_867, %broadcast_in_dim3A_870, %broadcast_in_dim3A_871 : vector<128x8xi1>, vector<128x8xf32>
      %reduce_sum3A_873 = arith.constant dense<0.000000e+00> : vector<128xf32>
      %reduce_sum3A_874 = vector.multi_reduction <add>, %select_n3A_872, %reduce_sum3A_873 [1] : vector<128x8xf32> to vector<128xf32>
      %broadcast_in_dim3A_875 = vector.shape_cast %reduce_sum3A_874 : vector<128xf32> to vector<128x1xf32>
      %add3A_876 = arith.addf %add3A_823, %broadcast_in_dim3A_875 : vector<128x1xf32>
      %jit3A_877 = arith.constant 0.000000e+00 : f32
      %broadcast_in_dim3A_878 = vector.broadcast %jit3A_877 : f32 to vector<128x8xf32>
      %select_n3A_879 = arith.select %lt3A_867, %mul3A_848, %broadcast_in_dim3A_878 : vector<128x8xi1>, vector<128x8xf32>
      %reduce_sum3A_880 = arith.constant dense<0.000000e+00> : vector<128xf32>
      %reduce_sum3A_881 = vector.multi_reduction <add>, %select_n3A_879, %reduce_sum3A_880 [1] : vector<128x8xf32> to vector<128xf32>
      %broadcast_in_dim3A_882 = vector.shape_cast %reduce_sum3A_881 : vector<128xf32> to vector<128x1xf32>
      %add3A_883 = arith.addf %add3A_830, %broadcast_in_dim3A_882 : vector<128x1xf32>
      %reduce_sum3A_884 = arith.constant dense<0.000000e+00> : vector<128xf32>
      %reduce_sum3A_885 = vector.multi_reduction <add>, %mul3A_848, %reduce_sum3A_884 [1] : vector<128x8xf32> to vector<128xf32>
      %broadcast_in_dim3A_886 = vector.shape_cast %reduce_sum3A_885 : vector<128xf32> to vector<128x1xf32>
      %add3A_887 = arith.addf %add3A_834, %broadcast_in_dim3A_886 : vector<128x1xf32>
      %get3A_888 = arith.constant 5 : index
      %get3A_889 = arith.constant 0 : index
      %get3A_890 = arith.constant 0 : index
      %get3A_891 = vector.load %arg7[%get3A_888, %get3A_889, %get3A_890] : memref<16x128x8xf32, #tpu.memory_space<vmem>>, vector<1x128x8xf32>
      %get3A_892 = vector.shape_cast %get3A_891 : vector<1x128x8xf32> to vector<128x8xf32>
      %get3A_893 = arith.constant 5 : index
      %get3A_894 = arith.constant 0 : index
      %get3A_895 = arith.constant 0 : index
      %get3A_896 = vector.load %arg6[%get3A_893, %get3A_894, %get3A_895] : memref<16x128x8xf32, #tpu.memory_space<vmem>>, vector<1x128x8xf32>
      %get3A_897 = vector.shape_cast %get3A_896 : vector<1x128x8xf32> to vector<128x8xf32>
      %sub3A_898 = vector.broadcast %max3A_322 : vector<128x1xf32> to vector<128x8xf32>
      %sub3A_899 = arith.subf %get3A_897, %sub3A_898 : vector<128x8xf32>
      %exp3A_900 = math.exp %sub3A_899 : vector<128x8xf32>
      %mul3A_901 = arith.mulf %get3A_892, %exp3A_900 : vector<128x8xf32>
      %broadcast_in_dim3A_902 = arith.constant 0.000000e+00 : f32
      %broadcast_in_dim3A_903 = vector.broadcast %broadcast_in_dim3A_902 : f32 to vector<128x1xf32>
      %slice3A_904 = vector.extract_strided_slice %mul3A_901 {offsets = [0, 0], sizes = [128, 7], strides = [1, 1]} : vector<128x8xf32> to vector<128x7xf32>
      %concatenate3A_905 = tpu.concatenate %broadcast_in_dim3A_903, %slice3A_904 in 1 : vector<128x1xf32>, vector<128x7xf32> -> vector<128x8xf32>
      %add3A_906 = arith.addf %mul3A_901, %concatenate3A_905 : vector<128x8xf32>
      %broadcast_in_dim3A_907 = arith.constant 0.000000e+00 : f32
      %broadcast_in_dim3A_908 = vector.broadcast %broadcast_in_dim3A_907 : f32 to vector<128x2xf32>
      %slice3A_909 = vector.extract_strided_slice %add3A_906 {offsets = [0, 0], sizes = [128, 6], strides = [1, 1]} : vector<128x8xf32> to vector<128x6xf32>
      %concatenate3A_910 = tpu.concatenate %broadcast_in_dim3A_908, %slice3A_909 in 1 : vector<128x2xf32>, vector<128x6xf32> -> vector<128x8xf32>
      %add3A_911 = arith.addf %add3A_906, %concatenate3A_910 : vector<128x8xf32>
      %broadcast_in_dim3A_912 = arith.constant 0.000000e+00 : f32
      %broadcast_in_dim3A_913 = vector.broadcast %broadcast_in_dim3A_912 : f32 to vector<128x4xf32>
      %slice3A_914 = vector.extract_strided_slice %add3A_911 {offsets = [0, 0], sizes = [128, 4], strides = [1, 1]} : vector<128x8xf32> to vector<128x4xf32>
      %concatenate3A_915 = tpu.concatenate %broadcast_in_dim3A_913, %slice3A_914 in 1 : vector<128x4xf32>, vector<128x4xf32> -> vector<128x8xf32>
      %add3A_916 = arith.addf %add3A_911, %concatenate3A_915 : vector<128x8xf32>
      %add3A_917 = vector.broadcast %add3A_887 : vector<128x1xf32> to vector<128x8xf32>
      %add3A_918 = arith.addf %add3A_917, %add3A_916 : vector<128x8xf32>
      %lt3A_919 = vector.broadcast %mul3A_616 : vector<128x1xf32> to vector<128x8xf32>
      %lt3A_920 = arith.cmpf olt, %add3A_918, %lt3A_919 : vector<128x8xf32>
      %jit3A_921 = arith.constant 1.000000e+00 : f32
      %jit3A_922 = arith.constant 0.000000e+00 : f32
      %broadcast_in_dim3A_923 = vector.broadcast %jit3A_921 : f32 to vector<128x8xf32>
      %broadcast_in_dim3A_924 = vector.broadcast %jit3A_922 : f32 to vector<128x8xf32>
      %select_n3A_925 = arith.select %lt3A_920, %broadcast_in_dim3A_923, %broadcast_in_dim3A_924 : vector<128x8xi1>, vector<128x8xf32>
      %reduce_sum3A_926 = arith.constant dense<0.000000e+00> : vector<128xf32>
      %reduce_sum3A_927 = vector.multi_reduction <add>, %select_n3A_925, %reduce_sum3A_926 [1] : vector<128x8xf32> to vector<128xf32>
      %broadcast_in_dim3A_928 = vector.shape_cast %reduce_sum3A_927 : vector<128xf32> to vector<128x1xf32>
      %add3A_929 = arith.addf %add3A_876, %broadcast_in_dim3A_928 : vector<128x1xf32>
      %jit3A_930 = arith.constant 0.000000e+00 : f32
      %broadcast_in_dim3A_931 = vector.broadcast %jit3A_930 : f32 to vector<128x8xf32>
      %select_n3A_932 = arith.select %lt3A_920, %mul3A_901, %broadcast_in_dim3A_931 : vector<128x8xi1>, vector<128x8xf32>
      %reduce_sum3A_933 = arith.constant dense<0.000000e+00> : vector<128xf32>
      %reduce_sum3A_934 = vector.multi_reduction <add>, %select_n3A_932, %reduce_sum3A_933 [1] : vector<128x8xf32> to vector<128xf32>
      %broadcast_in_dim3A_935 = vector.shape_cast %reduce_sum3A_934 : vector<128xf32> to vector<128x1xf32>
      %add3A_936 = arith.addf %add3A_883, %broadcast_in_dim3A_935 : vector<128x1xf32>
      %reduce_sum3A_937 = arith.constant dense<0.000000e+00> : vector<128xf32>
      %reduce_sum3A_938 = vector.multi_reduction <add>, %mul3A_901, %reduce_sum3A_937 [1] : vector<128x8xf32> to vector<128xf32>
      %broadcast_in_dim3A_939 = vector.shape_cast %reduce_sum3A_938 : vector<128xf32> to vector<128x1xf32>
      %add3A_940 = arith.addf %add3A_887, %broadcast_in_dim3A_939 : vector<128x1xf32>
      %get3A_941 = arith.constant 6 : index
      %get3A_942 = arith.constant 0 : index
      %get3A_943 = arith.constant 0 : index
      %get3A_944 = vector.load %arg7[%get3A_941, %get3A_942, %get3A_943] : memref<16x128x8xf32, #tpu.memory_space<vmem>>, vector<1x128x8xf32>
      %get3A_945 = vector.shape_cast %get3A_944 : vector<1x128x8xf32> to vector<128x8xf32>
      %get3A_946 = arith.constant 6 : index
      %get3A_947 = arith.constant 0 : index
      %get3A_948 = arith.constant 0 : index
      %get3A_949 = vector.load %arg6[%get3A_946, %get3A_947, %get3A_948] : memref<16x128x8xf32, #tpu.memory_space<vmem>>, vector<1x128x8xf32>
      %get3A_950 = vector.shape_cast %get3A_949 : vector<1x128x8xf32> to vector<128x8xf32>
      %sub3A_951 = vector.broadcast %max3A_322 : vector<128x1xf32> to vector<128x8xf32>
      %sub3A_952 = arith.subf %get3A_950, %sub3A_951 : vector<128x8xf32>
      %exp3A_953 = math.exp %sub3A_952 : vector<128x8xf32>
      %mul3A_954 = arith.mulf %get3A_945, %exp3A_953 : vector<128x8xf32>
      %broadcast_in_dim3A_955 = arith.constant 0.000000e+00 : f32
      %broadcast_in_dim3A_956 = vector.broadcast %broadcast_in_dim3A_955 : f32 to vector<128x1xf32>
      %slice3A_957 = vector.extract_strided_slice %mul3A_954 {offsets = [0, 0], sizes = [128, 7], strides = [1, 1]} : vector<128x8xf32> to vector<128x7xf32>
      %concatenate3A_958 = tpu.concatenate %broadcast_in_dim3A_956, %slice3A_957 in 1 : vector<128x1xf32>, vector<128x7xf32> -> vector<128x8xf32>
      %add3A_959 = arith.addf %mul3A_954, %concatenate3A_958 : vector<128x8xf32>
      %broadcast_in_dim3A_960 = arith.constant 0.000000e+00 : f32
      %broadcast_in_dim3A_961 = vector.broadcast %broadcast_in_dim3A_960 : f32 to vector<128x2xf32>
      %slice3A_962 = vector.extract_strided_slice %add3A_959 {offsets = [0, 0], sizes = [128, 6], strides = [1, 1]} : vector<128x8xf32> to vector<128x6xf32>
      %concatenate3A_963 = tpu.concatenate %broadcast_in_dim3A_961, %slice3A_962 in 1 : vector<128x2xf32>, vector<128x6xf32> -> vector<128x8xf32>
      %add3A_964 = arith.addf %add3A_959, %concatenate3A_963 : vector<128x8xf32>
      %broadcast_in_dim3A_965 = arith.constant 0.000000e+00 : f32
      %broadcast_in_dim3A_966 = vector.broadcast %broadcast_in_dim3A_965 : f32 to vector<128x4xf32>
      %slice3A_967 = vector.extract_strided_slice %add3A_964 {offsets = [0, 0], sizes = [128, 4], strides = [1, 1]} : vector<128x8xf32> to vector<128x4xf32>
      %concatenate3A_968 = tpu.concatenate %broadcast_in_dim3A_966, %slice3A_967 in 1 : vector<128x4xf32>, vector<128x4xf32> -> vector<128x8xf32>
      %add3A_969 = arith.addf %add3A_964, %concatenate3A_968 : vector<128x8xf32>
      %add3A_970 = vector.broadcast %add3A_940 : vector<128x1xf32> to vector<128x8xf32>
      %add3A_971 = arith.addf %add3A_970, %add3A_969 : vector<128x8xf32>
      %lt3A_972 = vector.broadcast %mul3A_616 : vector<128x1xf32> to vector<128x8xf32>
      %lt3A_973 = arith.cmpf olt, %add3A_971, %lt3A_972 : vector<128x8xf32>
      %jit3A_974 = arith.constant 1.000000e+00 : f32
      %jit3A_975 = arith.constant 0.000000e+00 : f32
      %broadcast_in_dim3A_976 = vector.broadcast %jit3A_974 : f32 to vector<128x8xf32>
      %broadcast_in_dim3A_977 = vector.broadcast %jit3A_975 : f32 to vector<128x8xf32>
      %select_n3A_978 = arith.select %lt3A_973, %broadcast_in_dim3A_976, %broadcast_in_dim3A_977 : vector<128x8xi1>, vector<128x8xf32>
      %reduce_sum3A_979 = arith.constant dense<0.000000e+00> : vector<128xf32>
      %reduce_sum3A_980 = vector.multi_reduction <add>, %select_n3A_978, %reduce_sum3A_979 [1] : vector<128x8xf32> to vector<128xf32>
      %broadcast_in_dim3A_981 = vector.shape_cast %reduce_sum3A_980 : vector<128xf32> to vector<128x1xf32>
      %add3A_982 = arith.addf %add3A_929, %broadcast_in_dim3A_981 : vector<128x1xf32>
      %jit3A_983 = arith.constant 0.000000e+00 : f32
      %broadcast_in_dim3A_984 = vector.broadcast %jit3A_983 : f32 to vector<128x8xf32>
      %select_n3A_985 = arith.select %lt3A_973, %mul3A_954, %broadcast_in_dim3A_984 : vector<128x8xi1>, vector<128x8xf32>
      %reduce_sum3A_986 = arith.constant dense<0.000000e+00> : vector<128xf32>
      %reduce_sum3A_987 = vector.multi_reduction <add>, %select_n3A_985, %reduce_sum3A_986 [1] : vector<128x8xf32> to vector<128xf32>
      %broadcast_in_dim3A_988 = vector.shape_cast %reduce_sum3A_987 : vector<128xf32> to vector<128x1xf32>
      %add3A_989 = arith.addf %add3A_936, %broadcast_in_dim3A_988 : vector<128x1xf32>
      %reduce_sum3A_990 = arith.constant dense<0.000000e+00> : vector<128xf32>
      %reduce_sum3A_991 = vector.multi_reduction <add>, %mul3A_954, %reduce_sum3A_990 [1] : vector<128x8xf32> to vector<128xf32>
      %broadcast_in_dim3A_992 = vector.shape_cast %reduce_sum3A_991 : vector<128xf32> to vector<128x1xf32>
      %add3A_993 = arith.addf %add3A_940, %broadcast_in_dim3A_992 : vector<128x1xf32>
      %get3A_994 = arith.constant 7 : index
      %get3A_995 = arith.constant 0 : index
      %get3A_996 = arith.constant 0 : index
      %get3A_997 = vector.load %arg7[%get3A_994, %get3A_995, %get3A_996] : memref<16x128x8xf32, #tpu.memory_space<vmem>>, vector<1x128x8xf32>
      %get3A_998 = vector.shape_cast %get3A_997 : vector<1x128x8xf32> to vector<128x8xf32>
      %get3A_999 = arith.constant 7 : index
      %get3A_1000 = arith.constant 0 : index
      %get3A_1001 = arith.constant 0 : index
      %get3A_1002 = vector.load %arg6[%get3A_999, %get3A_1000, %get3A_1001] : memref<16x128x8xf32, #tpu.memory_space<vmem>>, vector<1x128x8xf32>
      %get3A_1003 = vector.shape_cast %get3A_1002 : vector<1x128x8xf32> to vector<128x8xf32>
      %sub3A_1004 = vector.broadcast %max3A_322 : vector<128x1xf32> to vector<128x8xf32>
      %sub3A_1005 = arith.subf %get3A_1003, %sub3A_1004 : vector<128x8xf32>
      %exp3A_1006 = math.exp %sub3A_1005 : vector<128x8xf32>
      %mul3A_1007 = arith.mulf %get3A_998, %exp3A_1006 : vector<128x8xf32>
      %broadcast_in_dim3A_1008 = arith.constant 0.000000e+00 : f32
      %broadcast_in_dim3A_1009 = vector.broadcast %broadcast_in_dim3A_1008 : f32 to vector<128x1xf32>
      %slice3A_1010 = vector.extract_strided_slice %mul3A_1007 {offsets = [0, 0], sizes = [128, 7], strides = [1, 1]} : vector<128x8xf32> to vector<128x7xf32>
      %concatenate3A_1011 = tpu.concatenate %broadcast_in_dim3A_1009, %slice3A_1010 in 1 : vector<128x1xf32>, vector<128x7xf32> -> vector<128x8xf32>
      %add3A_1012 = arith.addf %mul3A_1007, %concatenate3A_1011 : vector<128x8xf32>
      %broadcast_in_dim3A_1013 = arith.constant 0.000000e+00 : f32
      %broadcast_in_dim3A_1014 = vector.broadcast %broadcast_in_dim3A_1013 : f32 to vector<128x2xf32>
      %slice3A_1015 = vector.extract_strided_slice %add3A_1012 {offsets = [0, 0], sizes = [128, 6], strides = [1, 1]} : vector<128x8xf32> to vector<128x6xf32>
      %concatenate3A_1016 = tpu.concatenate %broadcast_in_dim3A_1014, %slice3A_1015 in 1 : vector<128x2xf32>, vector<128x6xf32> -> vector<128x8xf32>
      %add3A_1017 = arith.addf %add3A_1012, %concatenate3A_1016 : vector<128x8xf32>
      %broadcast_in_dim3A_1018 = arith.constant 0.000000e+00 : f32
      %broadcast_in_dim3A_1019 = vector.broadcast %broadcast_in_dim3A_1018 : f32 to vector<128x4xf32>
      %slice3A_1020 = vector.extract_strided_slice %add3A_1017 {offsets = [0, 0], sizes = [128, 4], strides = [1, 1]} : vector<128x8xf32> to vector<128x4xf32>
      %concatenate3A_1021 = tpu.concatenate %broadcast_in_dim3A_1019, %slice3A_1020 in 1 : vector<128x4xf32>, vector<128x4xf32> -> vector<128x8xf32>
      %add3A_1022 = arith.addf %add3A_1017, %concatenate3A_1021 : vector<128x8xf32>
      %add3A_1023 = vector.broadcast %add3A_993 : vector<128x1xf32> to vector<128x8xf32>
      %add3A_1024 = arith.addf %add3A_1023, %add3A_1022 : vector<128x8xf32>
      %lt3A_1025 = vector.broadcast %mul3A_616 : vector<128x1xf32> to vector<128x8xf32>
      %lt3A_1026 = arith.cmpf olt, %add3A_1024, %lt3A_1025 : vector<128x8xf32>
      %jit3A_1027 = arith.constant 1.000000e+00 : f32
      %jit3A_1028 = arith.constant 0.000000e+00 : f32
      %broadcast_in_dim3A_1029 = vector.broadcast %jit3A_1027 : f32 to vector<128x8xf32>
      %broadcast_in_dim3A_1030 = vector.broadcast %jit3A_1028 : f32 to vector<128x8xf32>
      %select_n3A_1031 = arith.select %lt3A_1026, %broadcast_in_dim3A_1029, %broadcast_in_dim3A_1030 : vector<128x8xi1>, vector<128x8xf32>
      %reduce_sum3A_1032 = arith.constant dense<0.000000e+00> : vector<128xf32>
      %reduce_sum3A_1033 = vector.multi_reduction <add>, %select_n3A_1031, %reduce_sum3A_1032 [1] : vector<128x8xf32> to vector<128xf32>
      %broadcast_in_dim3A_1034 = vector.shape_cast %reduce_sum3A_1033 : vector<128xf32> to vector<128x1xf32>
      %add3A_1035 = arith.addf %add3A_982, %broadcast_in_dim3A_1034 : vector<128x1xf32>
      %jit3A_1036 = arith.constant 0.000000e+00 : f32
      %broadcast_in_dim3A_1037 = vector.broadcast %jit3A_1036 : f32 to vector<128x8xf32>
      %select_n3A_1038 = arith.select %lt3A_1026, %mul3A_1007, %broadcast_in_dim3A_1037 : vector<128x8xi1>, vector<128x8xf32>
      %reduce_sum3A_1039 = arith.constant dense<0.000000e+00> : vector<128xf32>
      %reduce_sum3A_1040 = vector.multi_reduction <add>, %select_n3A_1038, %reduce_sum3A_1039 [1] : vector<128x8xf32> to vector<128xf32>
      %broadcast_in_dim3A_1041 = vector.shape_cast %reduce_sum3A_1040 : vector<128xf32> to vector<128x1xf32>
      %add3A_1042 = arith.addf %add3A_989, %broadcast_in_dim3A_1041 : vector<128x1xf32>
      %reduce_sum3A_1043 = arith.constant dense<0.000000e+00> : vector<128xf32>
      %reduce_sum3A_1044 = vector.multi_reduction <add>, %mul3A_1007, %reduce_sum3A_1043 [1] : vector<128x8xf32> to vector<128xf32>
      %broadcast_in_dim3A_1045 = vector.shape_cast %reduce_sum3A_1044 : vector<128xf32> to vector<128x1xf32>
      %add3A_1046 = arith.addf %add3A_993, %broadcast_in_dim3A_1045 : vector<128x1xf32>
      %get3A_1047 = arith.constant 8 : index
      %get3A_1048 = arith.constant 0 : index
      %get3A_1049 = arith.constant 0 : index
      %get3A_1050 = vector.load %arg7[%get3A_1047, %get3A_1048, %get3A_1049] : memref<16x128x8xf32, #tpu.memory_space<vmem>>, vector<1x128x8xf32>
      %get3A_1051 = vector.shape_cast %get3A_1050 : vector<1x128x8xf32> to vector<128x8xf32>
      %get3A_1052 = arith.constant 8 : index
      %get3A_1053 = arith.constant 0 : index
      %get3A_1054 = arith.constant 0 : index
      %get3A_1055 = vector.load %arg6[%get3A_1052, %get3A_1053, %get3A_1054] : memref<16x128x8xf32, #tpu.memory_space<vmem>>, vector<1x128x8xf32>
      %get3A_1056 = vector.shape_cast %get3A_1055 : vector<1x128x8xf32> to vector<128x8xf32>
      %sub3A_1057 = vector.broadcast %max3A_322 : vector<128x1xf32> to vector<128x8xf32>
      %sub3A_1058 = arith.subf %get3A_1056, %sub3A_1057 : vector<128x8xf32>
      %exp3A_1059 = math.exp %sub3A_1058 : vector<128x8xf32>
      %mul3A_1060 = arith.mulf %get3A_1051, %exp3A_1059 : vector<128x8xf32>
      %broadcast_in_dim3A_1061 = arith.constant 0.000000e+00 : f32
      %broadcast_in_dim3A_1062 = vector.broadcast %broadcast_in_dim3A_1061 : f32 to vector<128x1xf32>
      %slice3A_1063 = vector.extract_strided_slice %mul3A_1060 {offsets = [0, 0], sizes = [128, 7], strides = [1, 1]} : vector<128x8xf32> to vector<128x7xf32>
      %concatenate3A_1064 = tpu.concatenate %broadcast_in_dim3A_1062, %slice3A_1063 in 1 : vector<128x1xf32>, vector<128x7xf32> -> vector<128x8xf32>
      %add3A_1065 = arith.addf %mul3A_1060, %concatenate3A_1064 : vector<128x8xf32>
      %broadcast_in_dim3A_1066 = arith.constant 0.000000e+00 : f32
      %broadcast_in_dim3A_1067 = vector.broadcast %broadcast_in_dim3A_1066 : f32 to vector<128x2xf32>
      %slice3A_1068 = vector.extract_strided_slice %add3A_1065 {offsets = [0, 0], sizes = [128, 6], strides = [1, 1]} : vector<128x8xf32> to vector<128x6xf32>
      %concatenate3A_1069 = tpu.concatenate %broadcast_in_dim3A_1067, %slice3A_1068 in 1 : vector<128x2xf32>, vector<128x6xf32> -> vector<128x8xf32>
      %add3A_1070 = arith.addf %add3A_1065, %concatenate3A_1069 : vector<128x8xf32>
      %broadcast_in_dim3A_1071 = arith.constant 0.000000e+00 : f32
      %broadcast_in_dim3A_1072 = vector.broadcast %broadcast_in_dim3A_1071 : f32 to vector<128x4xf32>
      %slice3A_1073 = vector.extract_strided_slice %add3A_1070 {offsets = [0, 0], sizes = [128, 4], strides = [1, 1]} : vector<128x8xf32> to vector<128x4xf32>
      %concatenate3A_1074 = tpu.concatenate %broadcast_in_dim3A_1072, %slice3A_1073 in 1 : vector<128x4xf32>, vector<128x4xf32> -> vector<128x8xf32>
      %add3A_1075 = arith.addf %add3A_1070, %concatenate3A_1074 : vector<128x8xf32>
      %add3A_1076 = vector.broadcast %add3A_1046 : vector<128x1xf32> to vector<128x8xf32>
      %add3A_1077 = arith.addf %add3A_1076, %add3A_1075 : vector<128x8xf32>
      %lt3A_1078 = vector.broadcast %mul3A_616 : vector<128x1xf32> to vector<128x8xf32>
      %lt3A_1079 = arith.cmpf olt, %add3A_1077, %lt3A_1078 : vector<128x8xf32>
      %jit3A_1080 = arith.constant 1.000000e+00 : f32
      %jit3A_1081 = arith.constant 0.000000e+00 : f32
      %broadcast_in_dim3A_1082 = vector.broadcast %jit3A_1080 : f32 to vector<128x8xf32>
      %broadcast_in_dim3A_1083 = vector.broadcast %jit3A_1081 : f32 to vector<128x8xf32>
      %select_n3A_1084 = arith.select %lt3A_1079, %broadcast_in_dim3A_1082, %broadcast_in_dim3A_1083 : vector<128x8xi1>, vector<128x8xf32>
      %reduce_sum3A_1085 = arith.constant dense<0.000000e+00> : vector<128xf32>
      %reduce_sum3A_1086 = vector.multi_reduction <add>, %select_n3A_1084, %reduce_sum3A_1085 [1] : vector<128x8xf32> to vector<128xf32>
      %broadcast_in_dim3A_1087 = vector.shape_cast %reduce_sum3A_1086 : vector<128xf32> to vector<128x1xf32>
      %add3A_1088 = arith.addf %add3A_1035, %broadcast_in_dim3A_1087 : vector<128x1xf32>
      %jit3A_1089 = arith.constant 0.000000e+00 : f32
      %broadcast_in_dim3A_1090 = vector.broadcast %jit3A_1089 : f32 to vector<128x8xf32>
      %select_n3A_1091 = arith.select %lt3A_1079, %mul3A_1060, %broadcast_in_dim3A_1090 : vector<128x8xi1>, vector<128x8xf32>
      %reduce_sum3A_1092 = arith.constant dense<0.000000e+00> : vector<128xf32>
      %reduce_sum3A_1093 = vector.multi_reduction <add>, %select_n3A_1091, %reduce_sum3A_1092 [1] : vector<128x8xf32> to vector<128xf32>
      %broadcast_in_dim3A_1094 = vector.shape_cast %reduce_sum3A_1093 : vector<128xf32> to vector<128x1xf32>
      %add3A_1095 = arith.addf %add3A_1042, %broadcast_in_dim3A_1094 : vector<128x1xf32>
      %reduce_sum3A_1096 = arith.constant dense<0.000000e+00> : vector<128xf32>
      %reduce_sum3A_1097 = vector.multi_reduction <add>, %mul3A_1060, %reduce_sum3A_1096 [1] : vector<128x8xf32> to vector<128xf32>
      %broadcast_in_dim3A_1098 = vector.shape_cast %reduce_sum3A_1097 : vector<128xf32> to vector<128x1xf32>
      %add3A_1099 = arith.addf %add3A_1046, %broadcast_in_dim3A_1098 : vector<128x1xf32>
      %get3A_1100 = arith.constant 9 : index
      %get3A_1101 = arith.constant 0 : index
      %get3A_1102 = arith.constant 0 : index
      %get3A_1103 = vector.load %arg7[%get3A_1100, %get3A_1101, %get3A_1102] : memref<16x128x8xf32, #tpu.memory_space<vmem>>, vector<1x128x8xf32>
      %get3A_1104 = vector.shape_cast %get3A_1103 : vector<1x128x8xf32> to vector<128x8xf32>
      %get3A_1105 = arith.constant 9 : index
      %get3A_1106 = arith.constant 0 : index
      %get3A_1107 = arith.constant 0 : index
      %get3A_1108 = vector.load %arg6[%get3A_1105, %get3A_1106, %get3A_1107] : memref<16x128x8xf32, #tpu.memory_space<vmem>>, vector<1x128x8xf32>
      %get3A_1109 = vector.shape_cast %get3A_1108 : vector<1x128x8xf32> to vector<128x8xf32>
      %sub3A_1110 = vector.broadcast %max3A_322 : vector<128x1xf32> to vector<128x8xf32>
      %sub3A_1111 = arith.subf %get3A_1109, %sub3A_1110 : vector<128x8xf32>
      %exp3A_1112 = math.exp %sub3A_1111 : vector<128x8xf32>
      %mul3A_1113 = arith.mulf %get3A_1104, %exp3A_1112 : vector<128x8xf32>
      %broadcast_in_dim3A_1114 = arith.constant 0.000000e+00 : f32
      %broadcast_in_dim3A_1115 = vector.broadcast %broadcast_in_dim3A_1114 : f32 to vector<128x1xf32>
      %slice3A_1116 = vector.extract_strided_slice %mul3A_1113 {offsets = [0, 0], sizes = [128, 7], strides = [1, 1]} : vector<128x8xf32> to vector<128x7xf32>
      %concatenate3A_1117 = tpu.concatenate %broadcast_in_dim3A_1115, %slice3A_1116 in 1 : vector<128x1xf32>, vector<128x7xf32> -> vector<128x8xf32>
      %add3A_1118 = arith.addf %mul3A_1113, %concatenate3A_1117 : vector<128x8xf32>
      %broadcast_in_dim3A_1119 = arith.constant 0.000000e+00 : f32
      %broadcast_in_dim3A_1120 = vector.broadcast %broadcast_in_dim3A_1119 : f32 to vector<128x2xf32>
      %slice3A_1121 = vector.extract_strided_slice %add3A_1118 {offsets = [0, 0], sizes = [128, 6], strides = [1, 1]} : vector<128x8xf32> to vector<128x6xf32>
      %concatenate3A_1122 = tpu.concatenate %broadcast_in_dim3A_1120, %slice3A_1121 in 1 : vector<128x2xf32>, vector<128x6xf32> -> vector<128x8xf32>
      %add3A_1123 = arith.addf %add3A_1118, %concatenate3A_1122 : vector<128x8xf32>
      %broadcast_in_dim3A_1124 = arith.constant 0.000000e+00 : f32
      %broadcast_in_dim3A_1125 = vector.broadcast %broadcast_in_dim3A_1124 : f32 to vector<128x4xf32>
      %slice3A_1126 = vector.extract_strided_slice %add3A_1123 {offsets = [0, 0], sizes = [128, 4], strides = [1, 1]} : vector<128x8xf32> to vector<128x4xf32>
      %concatenate3A_1127 = tpu.concatenate %broadcast_in_dim3A_1125, %slice3A_1126 in 1 : vector<128x4xf32>, vector<128x4xf32> -> vector<128x8xf32>
      %add3A_1128 = arith.addf %add3A_1123, %concatenate3A_1127 : vector<128x8xf32>
      %add3A_1129 = vector.broadcast %add3A_1099 : vector<128x1xf32> to vector<128x8xf32>
      %add3A_1130 = arith.addf %add3A_1129, %add3A_1128 : vector<128x8xf32>
      %lt3A_1131 = vector.broadcast %mul3A_616 : vector<128x1xf32> to vector<128x8xf32>
      %lt3A_1132 = arith.cmpf olt, %add3A_1130, %lt3A_1131 : vector<128x8xf32>
      %jit3A_1133 = arith.constant 1.000000e+00 : f32
      %jit3A_1134 = arith.constant 0.000000e+00 : f32
      %broadcast_in_dim3A_1135 = vector.broadcast %jit3A_1133 : f32 to vector<128x8xf32>
      %broadcast_in_dim3A_1136 = vector.broadcast %jit3A_1134 : f32 to vector<128x8xf32>
      %select_n3A_1137 = arith.select %lt3A_1132, %broadcast_in_dim3A_1135, %broadcast_in_dim3A_1136 : vector<128x8xi1>, vector<128x8xf32>
      %reduce_sum3A_1138 = arith.constant dense<0.000000e+00> : vector<128xf32>
      %reduce_sum3A_1139 = vector.multi_reduction <add>, %select_n3A_1137, %reduce_sum3A_1138 [1] : vector<128x8xf32> to vector<128xf32>
      %broadcast_in_dim3A_1140 = vector.shape_cast %reduce_sum3A_1139 : vector<128xf32> to vector<128x1xf32>
      %add3A_1141 = arith.addf %add3A_1088, %broadcast_in_dim3A_1140 : vector<128x1xf32>
      %jit3A_1142 = arith.constant 0.000000e+00 : f32
      %broadcast_in_dim3A_1143 = vector.broadcast %jit3A_1142 : f32 to vector<128x8xf32>
      %select_n3A_1144 = arith.select %lt3A_1132, %mul3A_1113, %broadcast_in_dim3A_1143 : vector<128x8xi1>, vector<128x8xf32>
      %reduce_sum3A_1145 = arith.constant dense<0.000000e+00> : vector<128xf32>
      %reduce_sum3A_1146 = vector.multi_reduction <add>, %select_n3A_1144, %reduce_sum3A_1145 [1] : vector<128x8xf32> to vector<128xf32>
      %broadcast_in_dim3A_1147 = vector.shape_cast %reduce_sum3A_1146 : vector<128xf32> to vector<128x1xf32>
      %add3A_1148 = arith.addf %add3A_1095, %broadcast_in_dim3A_1147 : vector<128x1xf32>
      %reduce_sum3A_1149 = arith.constant dense<0.000000e+00> : vector<128xf32>
      %reduce_sum3A_1150 = vector.multi_reduction <add>, %mul3A_1113, %reduce_sum3A_1149 [1] : vector<128x8xf32> to vector<128xf32>
      %broadcast_in_dim3A_1151 = vector.shape_cast %reduce_sum3A_1150 : vector<128xf32> to vector<128x1xf32>
      %add3A_1152 = arith.addf %add3A_1099, %broadcast_in_dim3A_1151 : vector<128x1xf32>
      %get3A_1153 = arith.constant 10 : index
      %get3A_1154 = arith.constant 0 : index
      %get3A_1155 = arith.constant 0 : index
      %get3A_1156 = vector.load %arg7[%get3A_1153, %get3A_1154, %get3A_1155] : memref<16x128x8xf32, #tpu.memory_space<vmem>>, vector<1x128x8xf32>
      %get3A_1157 = vector.shape_cast %get3A_1156 : vector<1x128x8xf32> to vector<128x8xf32>
      %get3A_1158 = arith.constant 10 : index
      %get3A_1159 = arith.constant 0 : index
      %get3A_1160 = arith.constant 0 : index
      %get3A_1161 = vector.load %arg6[%get3A_1158, %get3A_1159, %get3A_1160] : memref<16x128x8xf32, #tpu.memory_space<vmem>>, vector<1x128x8xf32>
      %get3A_1162 = vector.shape_cast %get3A_1161 : vector<1x128x8xf32> to vector<128x8xf32>
      %sub3A_1163 = vector.broadcast %max3A_322 : vector<128x1xf32> to vector<128x8xf32>
      %sub3A_1164 = arith.subf %get3A_1162, %sub3A_1163 : vector<128x8xf32>
      %exp3A_1165 = math.exp %sub3A_1164 : vector<128x8xf32>
      %mul3A_1166 = arith.mulf %get3A_1157, %exp3A_1165 : vector<128x8xf32>
      %broadcast_in_dim3A_1167 = arith.constant 0.000000e+00 : f32
      %broadcast_in_dim3A_1168 = vector.broadcast %broadcast_in_dim3A_1167 : f32 to vector<128x1xf32>
      %slice3A_1169 = vector.extract_strided_slice %mul3A_1166 {offsets = [0, 0], sizes = [128, 7], strides = [1, 1]} : vector<128x8xf32> to vector<128x7xf32>
      %concatenate3A_1170 = tpu.concatenate %broadcast_in_dim3A_1168, %slice3A_1169 in 1 : vector<128x1xf32>, vector<128x7xf32> -> vector<128x8xf32>
      %add3A_1171 = arith.addf %mul3A_1166, %concatenate3A_1170 : vector<128x8xf32>
      %broadcast_in_dim3A_1172 = arith.constant 0.000000e+00 : f32
      %broadcast_in_dim3A_1173 = vector.broadcast %broadcast_in_dim3A_1172 : f32 to vector<128x2xf32>
      %slice3A_1174 = vector.extract_strided_slice %add3A_1171 {offsets = [0, 0], sizes = [128, 6], strides = [1, 1]} : vector<128x8xf32> to vector<128x6xf32>
      %concatenate3A_1175 = tpu.concatenate %broadcast_in_dim3A_1173, %slice3A_1174 in 1 : vector<128x2xf32>, vector<128x6xf32> -> vector<128x8xf32>
      %add3A_1176 = arith.addf %add3A_1171, %concatenate3A_1175 : vector<128x8xf32>
      %broadcast_in_dim3A_1177 = arith.constant 0.000000e+00 : f32
      %broadcast_in_dim3A_1178 = vector.broadcast %broadcast_in_dim3A_1177 : f32 to vector<128x4xf32>
      %slice3A_1179 = vector.extract_strided_slice %add3A_1176 {offsets = [0, 0], sizes = [128, 4], strides = [1, 1]} : vector<128x8xf32> to vector<128x4xf32>
      %concatenate3A_1180 = tpu.concatenate %broadcast_in_dim3A_1178, %slice3A_1179 in 1 : vector<128x4xf32>, vector<128x4xf32> -> vector<128x8xf32>
      %add3A_1181 = arith.addf %add3A_1176, %concatenate3A_1180 : vector<128x8xf32>
      %add3A_1182 = vector.broadcast %add3A_1152 : vector<128x1xf32> to vector<128x8xf32>
      %add3A_1183 = arith.addf %add3A_1182, %add3A_1181 : vector<128x8xf32>
      %lt3A_1184 = vector.broadcast %mul3A_616 : vector<128x1xf32> to vector<128x8xf32>
      %lt3A_1185 = arith.cmpf olt, %add3A_1183, %lt3A_1184 : vector<128x8xf32>
      %jit3A_1186 = arith.constant 1.000000e+00 : f32
      %jit3A_1187 = arith.constant 0.000000e+00 : f32
      %broadcast_in_dim3A_1188 = vector.broadcast %jit3A_1186 : f32 to vector<128x8xf32>
      %broadcast_in_dim3A_1189 = vector.broadcast %jit3A_1187 : f32 to vector<128x8xf32>
      %select_n3A_1190 = arith.select %lt3A_1185, %broadcast_in_dim3A_1188, %broadcast_in_dim3A_1189 : vector<128x8xi1>, vector<128x8xf32>
      %reduce_sum3A_1191 = arith.constant dense<0.000000e+00> : vector<128xf32>
      %reduce_sum3A_1192 = vector.multi_reduction <add>, %select_n3A_1190, %reduce_sum3A_1191 [1] : vector<128x8xf32> to vector<128xf32>
      %broadcast_in_dim3A_1193 = vector.shape_cast %reduce_sum3A_1192 : vector<128xf32> to vector<128x1xf32>
      %add3A_1194 = arith.addf %add3A_1141, %broadcast_in_dim3A_1193 : vector<128x1xf32>
      %jit3A_1195 = arith.constant 0.000000e+00 : f32
      %broadcast_in_dim3A_1196 = vector.broadcast %jit3A_1195 : f32 to vector<128x8xf32>
      %select_n3A_1197 = arith.select %lt3A_1185, %mul3A_1166, %broadcast_in_dim3A_1196 : vector<128x8xi1>, vector<128x8xf32>
      %reduce_sum3A_1198 = arith.constant dense<0.000000e+00> : vector<128xf32>
      %reduce_sum3A_1199 = vector.multi_reduction <add>, %select_n3A_1197, %reduce_sum3A_1198 [1] : vector<128x8xf32> to vector<128xf32>
      %broadcast_in_dim3A_1200 = vector.shape_cast %reduce_sum3A_1199 : vector<128xf32> to vector<128x1xf32>
      %add3A_1201 = arith.addf %add3A_1148, %broadcast_in_dim3A_1200 : vector<128x1xf32>
      %reduce_sum3A_1202 = arith.constant dense<0.000000e+00> : vector<128xf32>
      %reduce_sum3A_1203 = vector.multi_reduction <add>, %mul3A_1166, %reduce_sum3A_1202 [1] : vector<128x8xf32> to vector<128xf32>
      %broadcast_in_dim3A_1204 = vector.shape_cast %reduce_sum3A_1203 : vector<128xf32> to vector<128x1xf32>
      %add3A_1205 = arith.addf %add3A_1152, %broadcast_in_dim3A_1204 : vector<128x1xf32>
      %get3A_1206 = arith.constant 11 : index
      %get3A_1207 = arith.constant 0 : index
      %get3A_1208 = arith.constant 0 : index
      %get3A_1209 = vector.load %arg7[%get3A_1206, %get3A_1207, %get3A_1208] : memref<16x128x8xf32, #tpu.memory_space<vmem>>, vector<1x128x8xf32>
      %get3A_1210 = vector.shape_cast %get3A_1209 : vector<1x128x8xf32> to vector<128x8xf32>
      %get3A_1211 = arith.constant 11 : index
      %get3A_1212 = arith.constant 0 : index
      %get3A_1213 = arith.constant 0 : index
      %get3A_1214 = vector.load %arg6[%get3A_1211, %get3A_1212, %get3A_1213] : memref<16x128x8xf32, #tpu.memory_space<vmem>>, vector<1x128x8xf32>
      %get3A_1215 = vector.shape_cast %get3A_1214 : vector<1x128x8xf32> to vector<128x8xf32>
      %sub3A_1216 = vector.broadcast %max3A_322 : vector<128x1xf32> to vector<128x8xf32>
      %sub3A_1217 = arith.subf %get3A_1215, %sub3A_1216 : vector<128x8xf32>
      %exp3A_1218 = math.exp %sub3A_1217 : vector<128x8xf32>
      %mul3A_1219 = arith.mulf %get3A_1210, %exp3A_1218 : vector<128x8xf32>
      %broadcast_in_dim3A_1220 = arith.constant 0.000000e+00 : f32
      %broadcast_in_dim3A_1221 = vector.broadcast %broadcast_in_dim3A_1220 : f32 to vector<128x1xf32>
      %slice3A_1222 = vector.extract_strided_slice %mul3A_1219 {offsets = [0, 0], sizes = [128, 7], strides = [1, 1]} : vector<128x8xf32> to vector<128x7xf32>
      %concatenate3A_1223 = tpu.concatenate %broadcast_in_dim3A_1221, %slice3A_1222 in 1 : vector<128x1xf32>, vector<128x7xf32> -> vector<128x8xf32>
      %add3A_1224 = arith.addf %mul3A_1219, %concatenate3A_1223 : vector<128x8xf32>
      %broadcast_in_dim3A_1225 = arith.constant 0.000000e+00 : f32
      %broadcast_in_dim3A_1226 = vector.broadcast %broadcast_in_dim3A_1225 : f32 to vector<128x2xf32>
      %slice3A_1227 = vector.extract_strided_slice %add3A_1224 {offsets = [0, 0], sizes = [128, 6], strides = [1, 1]} : vector<128x8xf32> to vector<128x6xf32>
      %concatenate3A_1228 = tpu.concatenate %broadcast_in_dim3A_1226, %slice3A_1227 in 1 : vector<128x2xf32>, vector<128x6xf32> -> vector<128x8xf32>
      %add3A_1229 = arith.addf %add3A_1224, %concatenate3A_1228 : vector<128x8xf32>
      %broadcast_in_dim3A_1230 = arith.constant 0.000000e+00 : f32
      %broadcast_in_dim3A_1231 = vector.broadcast %broadcast_in_dim3A_1230 : f32 to vector<128x4xf32>
      %slice3A_1232 = vector.extract_strided_slice %add3A_1229 {offsets = [0, 0], sizes = [128, 4], strides = [1, 1]} : vector<128x8xf32> to vector<128x4xf32>
      %concatenate3A_1233 = tpu.concatenate %broadcast_in_dim3A_1231, %slice3A_1232 in 1 : vector<128x4xf32>, vector<128x4xf32> -> vector<128x8xf32>
      %add3A_1234 = arith.addf %add3A_1229, %concatenate3A_1233 : vector<128x8xf32>
      %add3A_1235 = vector.broadcast %add3A_1205 : vector<128x1xf32> to vector<128x8xf32>
      %add3A_1236 = arith.addf %add3A_1235, %add3A_1234 : vector<128x8xf32>
      %lt3A_1237 = vector.broadcast %mul3A_616 : vector<128x1xf32> to vector<128x8xf32>
      %lt3A_1238 = arith.cmpf olt, %add3A_1236, %lt3A_1237 : vector<128x8xf32>
      %jit3A_1239 = arith.constant 1.000000e+00 : f32
      %jit3A_1240 = arith.constant 0.000000e+00 : f32
      %broadcast_in_dim3A_1241 = vector.broadcast %jit3A_1239 : f32 to vector<128x8xf32>
      %broadcast_in_dim3A_1242 = vector.broadcast %jit3A_1240 : f32 to vector<128x8xf32>
      %select_n3A_1243 = arith.select %lt3A_1238, %broadcast_in_dim3A_1241, %broadcast_in_dim3A_1242 : vector<128x8xi1>, vector<128x8xf32>
      %reduce_sum3A_1244 = arith.constant dense<0.000000e+00> : vector<128xf32>
      %reduce_sum3A_1245 = vector.multi_reduction <add>, %select_n3A_1243, %reduce_sum3A_1244 [1] : vector<128x8xf32> to vector<128xf32>
      %broadcast_in_dim3A_1246 = vector.shape_cast %reduce_sum3A_1245 : vector<128xf32> to vector<128x1xf32>
      %add3A_1247 = arith.addf %add3A_1194, %broadcast_in_dim3A_1246 : vector<128x1xf32>
      %jit3A_1248 = arith.constant 0.000000e+00 : f32
      %broadcast_in_dim3A_1249 = vector.broadcast %jit3A_1248 : f32 to vector<128x8xf32>
      %select_n3A_1250 = arith.select %lt3A_1238, %mul3A_1219, %broadcast_in_dim3A_1249 : vector<128x8xi1>, vector<128x8xf32>
      %reduce_sum3A_1251 = arith.constant dense<0.000000e+00> : vector<128xf32>
      %reduce_sum3A_1252 = vector.multi_reduction <add>, %select_n3A_1250, %reduce_sum3A_1251 [1] : vector<128x8xf32> to vector<128xf32>
      %broadcast_in_dim3A_1253 = vector.shape_cast %reduce_sum3A_1252 : vector<128xf32> to vector<128x1xf32>
      %add3A_1254 = arith.addf %add3A_1201, %broadcast_in_dim3A_1253 : vector<128x1xf32>
      %reduce_sum3A_1255 = arith.constant dense<0.000000e+00> : vector<128xf32>
      %reduce_sum3A_1256 = vector.multi_reduction <add>, %mul3A_1219, %reduce_sum3A_1255 [1] : vector<128x8xf32> to vector<128xf32>
      %broadcast_in_dim3A_1257 = vector.shape_cast %reduce_sum3A_1256 : vector<128xf32> to vector<128x1xf32>
      %add3A_1258 = arith.addf %add3A_1205, %broadcast_in_dim3A_1257 : vector<128x1xf32>
      %get3A_1259 = arith.constant 12 : index
      %get3A_1260 = arith.constant 0 : index
      %get3A_1261 = arith.constant 0 : index
      %get3A_1262 = vector.load %arg7[%get3A_1259, %get3A_1260, %get3A_1261] : memref<16x128x8xf32, #tpu.memory_space<vmem>>, vector<1x128x8xf32>
      %get3A_1263 = vector.shape_cast %get3A_1262 : vector<1x128x8xf32> to vector<128x8xf32>
      %get3A_1264 = arith.constant 12 : index
      %get3A_1265 = arith.constant 0 : index
      %get3A_1266 = arith.constant 0 : index
      %get3A_1267 = vector.load %arg6[%get3A_1264, %get3A_1265, %get3A_1266] : memref<16x128x8xf32, #tpu.memory_space<vmem>>, vector<1x128x8xf32>
      %get3A_1268 = vector.shape_cast %get3A_1267 : vector<1x128x8xf32> to vector<128x8xf32>
      %sub3A_1269 = vector.broadcast %max3A_322 : vector<128x1xf32> to vector<128x8xf32>
      %sub3A_1270 = arith.subf %get3A_1268, %sub3A_1269 : vector<128x8xf32>
      %exp3A_1271 = math.exp %sub3A_1270 : vector<128x8xf32>
      %mul3A_1272 = arith.mulf %get3A_1263, %exp3A_1271 : vector<128x8xf32>
      %broadcast_in_dim3A_1273 = arith.constant 0.000000e+00 : f32
      %broadcast_in_dim3A_1274 = vector.broadcast %broadcast_in_dim3A_1273 : f32 to vector<128x1xf32>
      %slice3A_1275 = vector.extract_strided_slice %mul3A_1272 {offsets = [0, 0], sizes = [128, 7], strides = [1, 1]} : vector<128x8xf32> to vector<128x7xf32>
      %concatenate3A_1276 = tpu.concatenate %broadcast_in_dim3A_1274, %slice3A_1275 in 1 : vector<128x1xf32>, vector<128x7xf32> -> vector<128x8xf32>
      %add3A_1277 = arith.addf %mul3A_1272, %concatenate3A_1276 : vector<128x8xf32>
      %broadcast_in_dim3A_1278 = arith.constant 0.000000e+00 : f32
      %broadcast_in_dim3A_1279 = vector.broadcast %broadcast_in_dim3A_1278 : f32 to vector<128x2xf32>
      %slice3A_1280 = vector.extract_strided_slice %add3A_1277 {offsets = [0, 0], sizes = [128, 6], strides = [1, 1]} : vector<128x8xf32> to vector<128x6xf32>
      %concatenate3A_1281 = tpu.concatenate %broadcast_in_dim3A_1279, %slice3A_1280 in 1 : vector<128x2xf32>, vector<128x6xf32> -> vector<128x8xf32>
      %add3A_1282 = arith.addf %add3A_1277, %concatenate3A_1281 : vector<128x8xf32>
      %broadcast_in_dim3A_1283 = arith.constant 0.000000e+00 : f32
      %broadcast_in_dim3A_1284 = vector.broadcast %broadcast_in_dim3A_1283 : f32 to vector<128x4xf32>
      %slice3A_1285 = vector.extract_strided_slice %add3A_1282 {offsets = [0, 0], sizes = [128, 4], strides = [1, 1]} : vector<128x8xf32> to vector<128x4xf32>
      %concatenate3A_1286 = tpu.concatenate %broadcast_in_dim3A_1284, %slice3A_1285 in 1 : vector<128x4xf32>, vector<128x4xf32> -> vector<128x8xf32>
      %add3A_1287 = arith.addf %add3A_1282, %concatenate3A_1286 : vector<128x8xf32>
      %add3A_1288 = vector.broadcast %add3A_1258 : vector<128x1xf32> to vector<128x8xf32>
      %add3A_1289 = arith.addf %add3A_1288, %add3A_1287 : vector<128x8xf32>
      %lt3A_1290 = vector.broadcast %mul3A_616 : vector<128x1xf32> to vector<128x8xf32>
      %lt3A_1291 = arith.cmpf olt, %add3A_1289, %lt3A_1290 : vector<128x8xf32>
      %jit3A_1292 = arith.constant 1.000000e+00 : f32
      %jit3A_1293 = arith.constant 0.000000e+00 : f32
      %broadcast_in_dim3A_1294 = vector.broadcast %jit3A_1292 : f32 to vector<128x8xf32>
      %broadcast_in_dim3A_1295 = vector.broadcast %jit3A_1293 : f32 to vector<128x8xf32>
      %select_n3A_1296 = arith.select %lt3A_1291, %broadcast_in_dim3A_1294, %broadcast_in_dim3A_1295 : vector<128x8xi1>, vector<128x8xf32>
      %reduce_sum3A_1297 = arith.constant dense<0.000000e+00> : vector<128xf32>
      %reduce_sum3A_1298 = vector.multi_reduction <add>, %select_n3A_1296, %reduce_sum3A_1297 [1] : vector<128x8xf32> to vector<128xf32>
      %broadcast_in_dim3A_1299 = vector.shape_cast %reduce_sum3A_1298 : vector<128xf32> to vector<128x1xf32>
      %add3A_1300 = arith.addf %add3A_1247, %broadcast_in_dim3A_1299 : vector<128x1xf32>
      %jit3A_1301 = arith.constant 0.000000e+00 : f32
      %broadcast_in_dim3A_1302 = vector.broadcast %jit3A_1301 : f32 to vector<128x8xf32>
      %select_n3A_1303 = arith.select %lt3A_1291, %mul3A_1272, %broadcast_in_dim3A_1302 : vector<128x8xi1>, vector<128x8xf32>
      %reduce_sum3A_1304 = arith.constant dense<0.000000e+00> : vector<128xf32>
      %reduce_sum3A_1305 = vector.multi_reduction <add>, %select_n3A_1303, %reduce_sum3A_1304 [1] : vector<128x8xf32> to vector<128xf32>
      %broadcast_in_dim3A_1306 = vector.shape_cast %reduce_sum3A_1305 : vector<128xf32> to vector<128x1xf32>
      %add3A_1307 = arith.addf %add3A_1254, %broadcast_in_dim3A_1306 : vector<128x1xf32>
      %reduce_sum3A_1308 = arith.constant dense<0.000000e+00> : vector<128xf32>
      %reduce_sum3A_1309 = vector.multi_reduction <add>, %mul3A_1272, %reduce_sum3A_1308 [1] : vector<128x8xf32> to vector<128xf32>
      %broadcast_in_dim3A_1310 = vector.shape_cast %reduce_sum3A_1309 : vector<128xf32> to vector<128x1xf32>
      %add3A_1311 = arith.addf %add3A_1258, %broadcast_in_dim3A_1310 : vector<128x1xf32>
      %get3A_1312 = arith.constant 13 : index
      %get3A_1313 = arith.constant 0 : index
      %get3A_1314 = arith.constant 0 : index
      %get3A_1315 = vector.load %arg7[%get3A_1312, %get3A_1313, %get3A_1314] : memref<16x128x8xf32, #tpu.memory_space<vmem>>, vector<1x128x8xf32>
      %get3A_1316 = vector.shape_cast %get3A_1315 : vector<1x128x8xf32> to vector<128x8xf32>
      %get3A_1317 = arith.constant 13 : index
      %get3A_1318 = arith.constant 0 : index
      %get3A_1319 = arith.constant 0 : index
      %get3A_1320 = vector.load %arg6[%get3A_1317, %get3A_1318, %get3A_1319] : memref<16x128x8xf32, #tpu.memory_space<vmem>>, vector<1x128x8xf32>
      %get3A_1321 = vector.shape_cast %get3A_1320 : vector<1x128x8xf32> to vector<128x8xf32>
      %sub3A_1322 = vector.broadcast %max3A_322 : vector<128x1xf32> to vector<128x8xf32>
      %sub3A_1323 = arith.subf %get3A_1321, %sub3A_1322 : vector<128x8xf32>
      %exp3A_1324 = math.exp %sub3A_1323 : vector<128x8xf32>
      %mul3A_1325 = arith.mulf %get3A_1316, %exp3A_1324 : vector<128x8xf32>
      %broadcast_in_dim3A_1326 = arith.constant 0.000000e+00 : f32
      %broadcast_in_dim3A_1327 = vector.broadcast %broadcast_in_dim3A_1326 : f32 to vector<128x1xf32>
      %slice3A_1328 = vector.extract_strided_slice %mul3A_1325 {offsets = [0, 0], sizes = [128, 7], strides = [1, 1]} : vector<128x8xf32> to vector<128x7xf32>
      %concatenate3A_1329 = tpu.concatenate %broadcast_in_dim3A_1327, %slice3A_1328 in 1 : vector<128x1xf32>, vector<128x7xf32> -> vector<128x8xf32>
      %add3A_1330 = arith.addf %mul3A_1325, %concatenate3A_1329 : vector<128x8xf32>
      %broadcast_in_dim3A_1331 = arith.constant 0.000000e+00 : f32
      %broadcast_in_dim3A_1332 = vector.broadcast %broadcast_in_dim3A_1331 : f32 to vector<128x2xf32>
      %slice3A_1333 = vector.extract_strided_slice %add3A_1330 {offsets = [0, 0], sizes = [128, 6], strides = [1, 1]} : vector<128x8xf32> to vector<128x6xf32>
      %concatenate3A_1334 = tpu.concatenate %broadcast_in_dim3A_1332, %slice3A_1333 in 1 : vector<128x2xf32>, vector<128x6xf32> -> vector<128x8xf32>
      %add3A_1335 = arith.addf %add3A_1330, %concatenate3A_1334 : vector<128x8xf32>
      %broadcast_in_dim3A_1336 = arith.constant 0.000000e+00 : f32
      %broadcast_in_dim3A_1337 = vector.broadcast %broadcast_in_dim3A_1336 : f32 to vector<128x4xf32>
      %slice3A_1338 = vector.extract_strided_slice %add3A_1335 {offsets = [0, 0], sizes = [128, 4], strides = [1, 1]} : vector<128x8xf32> to vector<128x4xf32>
      %concatenate3A_1339 = tpu.concatenate %broadcast_in_dim3A_1337, %slice3A_1338 in 1 : vector<128x4xf32>, vector<128x4xf32> -> vector<128x8xf32>
      %add3A_1340 = arith.addf %add3A_1335, %concatenate3A_1339 : vector<128x8xf32>
      %add3A_1341 = vector.broadcast %add3A_1311 : vector<128x1xf32> to vector<128x8xf32>
      %add3A_1342 = arith.addf %add3A_1341, %add3A_1340 : vector<128x8xf32>
      %lt3A_1343 = vector.broadcast %mul3A_616 : vector<128x1xf32> to vector<128x8xf32>
      %lt3A_1344 = arith.cmpf olt, %add3A_1342, %lt3A_1343 : vector<128x8xf32>
      %jit3A_1345 = arith.constant 1.000000e+00 : f32
      %jit3A_1346 = arith.constant 0.000000e+00 : f32
      %broadcast_in_dim3A_1347 = vector.broadcast %jit3A_1345 : f32 to vector<128x8xf32>
      %broadcast_in_dim3A_1348 = vector.broadcast %jit3A_1346 : f32 to vector<128x8xf32>
      %select_n3A_1349 = arith.select %lt3A_1344, %broadcast_in_dim3A_1347, %broadcast_in_dim3A_1348 : vector<128x8xi1>, vector<128x8xf32>
      %reduce_sum3A_1350 = arith.constant dense<0.000000e+00> : vector<128xf32>
      %reduce_sum3A_1351 = vector.multi_reduction <add>, %select_n3A_1349, %reduce_sum3A_1350 [1] : vector<128x8xf32> to vector<128xf32>
      %broadcast_in_dim3A_1352 = vector.shape_cast %reduce_sum3A_1351 : vector<128xf32> to vector<128x1xf32>
      %add3A_1353 = arith.addf %add3A_1300, %broadcast_in_dim3A_1352 : vector<128x1xf32>
      %jit3A_1354 = arith.constant 0.000000e+00 : f32
      %broadcast_in_dim3A_1355 = vector.broadcast %jit3A_1354 : f32 to vector<128x8xf32>
      %select_n3A_1356 = arith.select %lt3A_1344, %mul3A_1325, %broadcast_in_dim3A_1355 : vector<128x8xi1>, vector<128x8xf32>
      %reduce_sum3A_1357 = arith.constant dense<0.000000e+00> : vector<128xf32>
      %reduce_sum3A_1358 = vector.multi_reduction <add>, %select_n3A_1356, %reduce_sum3A_1357 [1] : vector<128x8xf32> to vector<128xf32>
      %broadcast_in_dim3A_1359 = vector.shape_cast %reduce_sum3A_1358 : vector<128xf32> to vector<128x1xf32>
      %add3A_1360 = arith.addf %add3A_1307, %broadcast_in_dim3A_1359 : vector<128x1xf32>
      %reduce_sum3A_1361 = arith.constant dense<0.000000e+00> : vector<128xf32>
      %reduce_sum3A_1362 = vector.multi_reduction <add>, %mul3A_1325, %reduce_sum3A_1361 [1] : vector<128x8xf32> to vector<128xf32>
      %broadcast_in_dim3A_1363 = vector.shape_cast %reduce_sum3A_1362 : vector<128xf32> to vector<128x1xf32>
      %add3A_1364 = arith.addf %add3A_1311, %broadcast_in_dim3A_1363 : vector<128x1xf32>
      %get3A_1365 = arith.constant 14 : index
      %get3A_1366 = arith.constant 0 : index
      %get3A_1367 = arith.constant 0 : index
      %get3A_1368 = vector.load %arg7[%get3A_1365, %get3A_1366, %get3A_1367] : memref<16x128x8xf32, #tpu.memory_space<vmem>>, vector<1x128x8xf32>
      %get3A_1369 = vector.shape_cast %get3A_1368 : vector<1x128x8xf32> to vector<128x8xf32>
      %get3A_1370 = arith.constant 14 : index
      %get3A_1371 = arith.constant 0 : index
      %get3A_1372 = arith.constant 0 : index
      %get3A_1373 = vector.load %arg6[%get3A_1370, %get3A_1371, %get3A_1372] : memref<16x128x8xf32, #tpu.memory_space<vmem>>, vector<1x128x8xf32>
      %get3A_1374 = vector.shape_cast %get3A_1373 : vector<1x128x8xf32> to vector<128x8xf32>
      %sub3A_1375 = vector.broadcast %max3A_322 : vector<128x1xf32> to vector<128x8xf32>
      %sub3A_1376 = arith.subf %get3A_1374, %sub3A_1375 : vector<128x8xf32>
      %exp3A_1377 = math.exp %sub3A_1376 : vector<128x8xf32>
      %mul3A_1378 = arith.mulf %get3A_1369, %exp3A_1377 : vector<128x8xf32>
      %broadcast_in_dim3A_1379 = arith.constant 0.000000e+00 : f32
      %broadcast_in_dim3A_1380 = vector.broadcast %broadcast_in_dim3A_1379 : f32 to vector<128x1xf32>
      %slice3A_1381 = vector.extract_strided_slice %mul3A_1378 {offsets = [0, 0], sizes = [128, 7], strides = [1, 1]} : vector<128x8xf32> to vector<128x7xf32>
      %concatenate3A_1382 = tpu.concatenate %broadcast_in_dim3A_1380, %slice3A_1381 in 1 : vector<128x1xf32>, vector<128x7xf32> -> vector<128x8xf32>
      %add3A_1383 = arith.addf %mul3A_1378, %concatenate3A_1382 : vector<128x8xf32>
      %broadcast_in_dim3A_1384 = arith.constant 0.000000e+00 : f32
      %broadcast_in_dim3A_1385 = vector.broadcast %broadcast_in_dim3A_1384 : f32 to vector<128x2xf32>
      %slice3A_1386 = vector.extract_strided_slice %add3A_1383 {offsets = [0, 0], sizes = [128, 6], strides = [1, 1]} : vector<128x8xf32> to vector<128x6xf32>
      %concatenate3A_1387 = tpu.concatenate %broadcast_in_dim3A_1385, %slice3A_1386 in 1 : vector<128x2xf32>, vector<128x6xf32> -> vector<128x8xf32>
      %add3A_1388 = arith.addf %add3A_1383, %concatenate3A_1387 : vector<128x8xf32>
      %broadcast_in_dim3A_1389 = arith.constant 0.000000e+00 : f32
      %broadcast_in_dim3A_1390 = vector.broadcast %broadcast_in_dim3A_1389 : f32 to vector<128x4xf32>
      %slice3A_1391 = vector.extract_strided_slice %add3A_1388 {offsets = [0, 0], sizes = [128, 4], strides = [1, 1]} : vector<128x8xf32> to vector<128x4xf32>
      %concatenate3A_1392 = tpu.concatenate %broadcast_in_dim3A_1390, %slice3A_1391 in 1 : vector<128x4xf32>, vector<128x4xf32> -> vector<128x8xf32>
      %add3A_1393 = arith.addf %add3A_1388, %concatenate3A_1392 : vector<128x8xf32>
      %add3A_1394 = vector.broadcast %add3A_1364 : vector<128x1xf32> to vector<128x8xf32>
      %add3A_1395 = arith.addf %add3A_1394, %add3A_1393 : vector<128x8xf32>
      %lt3A_1396 = vector.broadcast %mul3A_616 : vector<128x1xf32> to vector<128x8xf32>
      %lt3A_1397 = arith.cmpf olt, %add3A_1395, %lt3A_1396 : vector<128x8xf32>
      %jit3A_1398 = arith.constant 1.000000e+00 : f32
      %jit3A_1399 = arith.constant 0.000000e+00 : f32
      %broadcast_in_dim3A_1400 = vector.broadcast %jit3A_1398 : f32 to vector<128x8xf32>
      %broadcast_in_dim3A_1401 = vector.broadcast %jit3A_1399 : f32 to vector<128x8xf32>
      %select_n3A_1402 = arith.select %lt3A_1397, %broadcast_in_dim3A_1400, %broadcast_in_dim3A_1401 : vector<128x8xi1>, vector<128x8xf32>
      %reduce_sum3A_1403 = arith.constant dense<0.000000e+00> : vector<128xf32>
      %reduce_sum3A_1404 = vector.multi_reduction <add>, %select_n3A_1402, %reduce_sum3A_1403 [1] : vector<128x8xf32> to vector<128xf32>
      %broadcast_in_dim3A_1405 = vector.shape_cast %reduce_sum3A_1404 : vector<128xf32> to vector<128x1xf32>
      %add3A_1406 = arith.addf %add3A_1353, %broadcast_in_dim3A_1405 : vector<128x1xf32>
      %jit3A_1407 = arith.constant 0.000000e+00 : f32
      %broadcast_in_dim3A_1408 = vector.broadcast %jit3A_1407 : f32 to vector<128x8xf32>
      %select_n3A_1409 = arith.select %lt3A_1397, %mul3A_1378, %broadcast_in_dim3A_1408 : vector<128x8xi1>, vector<128x8xf32>
      %reduce_sum3A_1410 = arith.constant dense<0.000000e+00> : vector<128xf32>
      %reduce_sum3A_1411 = vector.multi_reduction <add>, %select_n3A_1409, %reduce_sum3A_1410 [1] : vector<128x8xf32> to vector<128xf32>
      %broadcast_in_dim3A_1412 = vector.shape_cast %reduce_sum3A_1411 : vector<128xf32> to vector<128x1xf32>
      %add3A_1413 = arith.addf %add3A_1360, %broadcast_in_dim3A_1412 : vector<128x1xf32>
      %reduce_sum3A_1414 = arith.constant dense<0.000000e+00> : vector<128xf32>
      %reduce_sum3A_1415 = vector.multi_reduction <add>, %mul3A_1378, %reduce_sum3A_1414 [1] : vector<128x8xf32> to vector<128xf32>
      %broadcast_in_dim3A_1416 = vector.shape_cast %reduce_sum3A_1415 : vector<128xf32> to vector<128x1xf32>
      %add3A_1417 = arith.addf %add3A_1364, %broadcast_in_dim3A_1416 : vector<128x1xf32>
      %get3A_1418 = arith.constant 15 : index
      %get3A_1419 = arith.constant 0 : index
      %get3A_1420 = arith.constant 0 : index
      %get3A_1421 = vector.load %arg7[%get3A_1418, %get3A_1419, %get3A_1420] : memref<16x128x8xf32, #tpu.memory_space<vmem>>, vector<1x128x8xf32>
      %get3A_1422 = vector.shape_cast %get3A_1421 : vector<1x128x8xf32> to vector<128x8xf32>
      %get3A_1423 = arith.constant 15 : index
      %get3A_1424 = arith.constant 0 : index
      %get3A_1425 = arith.constant 0 : index
      %get3A_1426 = vector.load %arg6[%get3A_1423, %get3A_1424, %get3A_1425] : memref<16x128x8xf32, #tpu.memory_space<vmem>>, vector<1x128x8xf32>
      %get3A_1427 = vector.shape_cast %get3A_1426 : vector<1x128x8xf32> to vector<128x8xf32>
      %sub3A_1428 = vector.broadcast %max3A_322 : vector<128x1xf32> to vector<128x8xf32>
      %sub3A_1429 = arith.subf %get3A_1427, %sub3A_1428 : vector<128x8xf32>
      %exp3A_1430 = math.exp %sub3A_1429 : vector<128x8xf32>
      %mul3A_1431 = arith.mulf %get3A_1422, %exp3A_1430 : vector<128x8xf32>
      %broadcast_in_dim3A_1432 = arith.constant 0.000000e+00 : f32
      %broadcast_in_dim3A_1433 = vector.broadcast %broadcast_in_dim3A_1432 : f32 to vector<128x1xf32>
      %slice3A_1434 = vector.extract_strided_slice %mul3A_1431 {offsets = [0, 0], sizes = [128, 7], strides = [1, 1]} : vector<128x8xf32> to vector<128x7xf32>
      %concatenate3A_1435 = tpu.concatenate %broadcast_in_dim3A_1433, %slice3A_1434 in 1 : vector<128x1xf32>, vector<128x7xf32> -> vector<128x8xf32>
      %add3A_1436 = arith.addf %mul3A_1431, %concatenate3A_1435 : vector<128x8xf32>
      %broadcast_in_dim3A_1437 = arith.constant 0.000000e+00 : f32
      %broadcast_in_dim3A_1438 = vector.broadcast %broadcast_in_dim3A_1437 : f32 to vector<128x2xf32>
      %slice3A_1439 = vector.extract_strided_slice %add3A_1436 {offsets = [0, 0], sizes = [128, 6], strides = [1, 1]} : vector<128x8xf32> to vector<128x6xf32>
      %concatenate3A_1440 = tpu.concatenate %broadcast_in_dim3A_1438, %slice3A_1439 in 1 : vector<128x2xf32>, vector<128x6xf32> -> vector<128x8xf32>
      %add3A_1441 = arith.addf %add3A_1436, %concatenate3A_1440 : vector<128x8xf32>
      %broadcast_in_dim3A_1442 = arith.constant 0.000000e+00 : f32
      %broadcast_in_dim3A_1443 = vector.broadcast %broadcast_in_dim3A_1442 : f32 to vector<128x4xf32>
      %slice3A_1444 = vector.extract_strided_slice %add3A_1441 {offsets = [0, 0], sizes = [128, 4], strides = [1, 1]} : vector<128x8xf32> to vector<128x4xf32>
      %concatenate3A_1445 = tpu.concatenate %broadcast_in_dim3A_1443, %slice3A_1444 in 1 : vector<128x4xf32>, vector<128x4xf32> -> vector<128x8xf32>
      %add3A_1446 = arith.addf %add3A_1441, %concatenate3A_1445 : vector<128x8xf32>
      %add3A_1447 = vector.broadcast %add3A_1417 : vector<128x1xf32> to vector<128x8xf32>
      %add3A_1448 = arith.addf %add3A_1447, %add3A_1446 : vector<128x8xf32>
      %lt3A_1449 = vector.broadcast %mul3A_616 : vector<128x1xf32> to vector<128x8xf32>
      %lt3A_1450 = arith.cmpf olt, %add3A_1448, %lt3A_1449 : vector<128x8xf32>
      %jit3A_1451 = arith.constant 1.000000e+00 : f32
      %jit3A_1452 = arith.constant 0.000000e+00 : f32
      %broadcast_in_dim3A_1453 = vector.broadcast %jit3A_1451 : f32 to vector<128x8xf32>
      %broadcast_in_dim3A_1454 = vector.broadcast %jit3A_1452 : f32 to vector<128x8xf32>
      %select_n3A_1455 = arith.select %lt3A_1450, %broadcast_in_dim3A_1453, %broadcast_in_dim3A_1454 : vector<128x8xi1>, vector<128x8xf32>
      %reduce_sum3A_1456 = arith.constant dense<0.000000e+00> : vector<128xf32>
      %reduce_sum3A_1457 = vector.multi_reduction <add>, %select_n3A_1455, %reduce_sum3A_1456 [1] : vector<128x8xf32> to vector<128xf32>
      %broadcast_in_dim3A_1458 = vector.shape_cast %reduce_sum3A_1457 : vector<128xf32> to vector<128x1xf32>
      %add3A_1459 = arith.addf %add3A_1406, %broadcast_in_dim3A_1458 : vector<128x1xf32>
      %jit3A_1460 = arith.constant 0.000000e+00 : f32
      %broadcast_in_dim3A_1461 = vector.broadcast %jit3A_1460 : f32 to vector<128x8xf32>
      %select_n3A_1462 = arith.select %lt3A_1450, %mul3A_1431, %broadcast_in_dim3A_1461 : vector<128x8xi1>, vector<128x8xf32>
      %reduce_sum3A_1463 = arith.constant dense<0.000000e+00> : vector<128xf32>
      %reduce_sum3A_1464 = vector.multi_reduction <add>, %select_n3A_1462, %reduce_sum3A_1463 [1] : vector<128x8xf32> to vector<128xf32>
      %broadcast_in_dim3A_1465 = vector.shape_cast %reduce_sum3A_1464 : vector<128xf32> to vector<128x1xf32>
      %add3A_1466 = arith.addf %add3A_1413, %broadcast_in_dim3A_1465 : vector<128x1xf32>
      %min3A = arith.constant 1.240000e+02 : f32
      %min3A_1467 = vector.broadcast %min3A : f32 to vector<128x1xf32>
      %min3A_1468 = arith.minimumf %add3A_1459, %min3A_1467 : vector<128x1xf32>
      %iota3A_1469 = tpu.iota {dimensions = array<i32: 0>} : vector<128x1xi32>
      %convert_element_type3A_1470 = arith.sitofp %iota3A_1469 : vector<128x1xi32> to vector<128x1xf32>
      %mul3A_1471 = arith.constant 1.250000e+02 : f32
      %mul3A_1472 = vector.broadcast %mul3A_1471 : f32 to vector<128x1xf32>
      %mul3A_1473 = arith.mulf %convert_element_type3A_1470, %mul3A_1472 : vector<128x1xf32>
      %add3A_1474 = arith.addf %mul3A_1473, %min3A_1468 : vector<128x1xf32>
      %convert_element_type3A_1475 = arith.fptosi %add3A_1474 : vector<128x1xf32> to vector<128x1xi32>
      %swap3A_1476 = arith.constant 0 : index
      %swap3A_1477 = arith.constant 0 : index
      %swap3A_1478 = vector.load %arg4[%swap3A_1476, %swap3A_1477] : memref<128x1xi32, #tpu.memory_space<vmem>>, vector<128x1xi32>
      tpu.vector_store %arg4[%swap3A_1476, %swap3A_1477], %convert_element_type3A_1475 {strides = array<i32>} : memref<128x1xi32, #tpu.memory_space<vmem>>, vector<128x1xi32>,
      %broadcast_in_dim3A_1479 = arith.constant 0.000000e+00 : f32
      %broadcast_in_dim3A_1480 = vector.broadcast %broadcast_in_dim3A_1479 : f32 to vector<128x4xf32>
      %concatenate3A_1481 = tpu.concatenate %max3A_322, %mul3A_616, %add3A_1466, %min3A_1468, %broadcast_in_dim3A_1480 in 1 : vector<128x1xf32>, vector<128x1xf32>, vector<128x1xf32>, vector<128x1xf32>, vector<128x4xf32> -> vector<128x8xf32>
      %swap3A_1482 = arith.constant 0 : index
      %swap3A_1483 = arith.constant 0 : index
      %swap3A_1484 = vector.load %arg5[%swap3A_1482, %swap3A_1483] : memref<128x8xf32, #tpu.memory_space<vmem>>, vector<128x8xf32>
      tpu.vector_store %arg5[%swap3A_1482, %swap3A_1483], %concatenate3A_1481 {strides = array<i32>} : memref<128x8xf32, #tpu.memory_space<vmem>>, vector<128x8xf32>,
    } else {
    }
    return
  }
  func.func @transform_0(%arg0: i32) -> (i32, i32) {
    %c0_i32 = arith.constant 0 : i32
    %c0_i32_0 = arith.constant 0 : i32
    return %c0_i32, %arg0 : i32, i32
  }
  func.func @transform_1(%arg0: i32) -> (i32, i32) {
    %c0_i32 = arith.constant 0 : i32
    %c0_i32_0 = arith.constant 0 : i32
    %c0_i32_1 = arith.constant 0 : i32
    return %c0_i32, %c0_i32_0 : i32, i32
  }
  func.func @transform_2(%arg0: i32) -> (i32, i32) {
    %c0_i32 = arith.constant 0 : i32
    %c0_i32_0 = arith.constant 0 : i32
    %c0_i32_1 = arith.constant 0 : i32
    return %c0_i32, %c0_i32_0 : i32, i32
  }
  func.func @transform_3(%arg0: i32) -> (i32, i32) {
    %c0_i32 = arith.constant 0 : i32
    %c0_i32_0 = arith.constant 0 : i32
    %c0_i32_1 = arith.constant 0 : i32
    return %c0_i32, %c0_i32_0 : i32, i32
  }
  func.func @transform_4(%arg0: i32) -> (i32, i32) {
    %c0_i32 = arith.constant 0 : i32
    %c0_i32_0 = arith.constant 0 : i32
    %c0_i32_1 = arith.constant 0 : i32
    return %c0_i32, %c0_i32_0 : i32, i32
  }
}

</mosaic_0001>

<sc_bundles>
// kernel: kernel.4.cloned.1.call-start
scs
__scs_entry_jumppad:
0x0: {  	(pc) =	sbr.rel $0x88, $3  }
0x1: {  	(tag) =	ssettag $0x0;
	lr =	simm.s32 $0x1  }
0x2: {  	[smem:$0x3F9F] =	sst lr;
	_ =	strace $0xD0000000  }
0x3: {  	_ = 	snop  }
0x4: {  	_ = 	snop  }
0x5: {  	_ = 	snop  }
0x6: {  	_ = 	snop  }
0x7: {  	_ = 	snop  }
__scs_overlays_trampoline_lowered:
0x8: {  	[smem:$0x3FAE] =	sst s0  }
0x9: {  	[smem:$0x3FAF] =	sst s1  }
0xa: {  	[smem:$0x3FB0] =	sst s2  }
0xb: {  	[smem:$0x3FB1] =	sst s3  }
0xc: {  	[smem:$0x3FB2] =	sst s4  }
0xd: {  	[smem:$0x3FB3] =	sst s5  }
0xe: {  	[smem:$0x3FB4] =	sst s6  }
0xf: {  	[smem:$0x3FB5] =	sst s7  }
0x10: {  	[smem:$0x3FB6] =	sst s8  }
0x11: {  	[smem:$0x3FB7] =	sst s9;
	s0 =	simm.s32 @!p0 $0x0  }
0x12: {  	s1 =	sld [smem:$0x3F9D];
	s0 =	simm.s32 @p0 $0x1  }
0x13: {  	[smem:$0x3FB8] =	sst s0;
	s0 =	simm.s32 @!p1 $0x0  }
0x14: {  	s2 =	sld [smem:$0x3F9C];
	s0 =	simm.s32 @p1 $0x1  }
0x15: {  	[smem:$0x3FB9] =	sst s0;
	s0 =	simm.s32 @!p2 $0x0  }
0x16: {  	s3 =	sld [smem:$0x3FDB];
	s0 =	simm.s32 @p2 $0x1  }
0x17: {  	s4 =	simm.s32 $0x1BF5;
	[smem:$0x3FBB] =	sst s0  }
0x18: {  	s0 =	sld [smem:$0x3F9E];
	_ =	swait.ge [sflag:s4], $0x0  }
0x19: {  	s7 =	sld [smem:$0x3F9F]  }
0x1a: {  	s8 =	sadd.s32 $0xFFFFE003, lr  }
0x1b: {  	s9 =	sadd.s32 $0xFFFFFEF7, lr;
	s5 =	simm.s32 $0xFFFFFFFF;
	p2 =	slt.u32 s8, $0xFFFFF086  }
0x1c: {  	p1 =	slt.u32 s9, $0xF7A;
	s5 =	simm.s32 @!p2 $0x0  }
0x1d: {  	s5 =	simm.s32 @p1 $0x1;
	p0 =	seq.s32 s7, s2  }
0x1e: {  	s7 =	smul.u32 @!p0 $0xF7A, s2;
	p2 =	seq.s32 @!p0 s5, $0x0  }
0x1f: {  	s9 =	smul.u32 $0xF7A, s1;
	s8 =	simm.s32 @!p0 $0x1BF5;
	p2 =	por !p2, p0  }
0x20: {  	[sflag:s8] =	ssyncset.s32 @!p0 $0xFFFFF086;
	s6 =	sadd.s32 @!p0 s3, s7;
	s7 =	simm.s32 @!p0 $0x108  }
0x21: {  	s3 =	sadd.s32 s3, s9;
	s6 =	sadd.s32 @!p0 $0x88, s6;
	s7 =	simm.s32 @p2 $0x1082  }
0x22: {  	[simem:s7], [sflag:s8] =	dma.local @!p0 [hbm:s6], $0xF7A  }
0x23: {  	s9 =	sor.u32 $0xD0000000, s2;
	s6 =	simm.s32 $0x108;
	_ =	swait.ge @!p0 [sflag:s8], $0x0  }
0x24: {  	s3 =	sadd.s32 $0x88, s3;
	s6 =	simm.s32 @!p1 $0x1082;
	[sflag:s4] =	ssyncset.s32 $0xFFFFF086  }
0x25: {  	[simem:s6], [sflag:s4] =	dma.local [hbm:s3], $0xF7A  }
0x26: {  	[smem:$0x3F9F] =	sst s1;
	(tag) =	ssettag s2;
	_ =	strace s9  }
0x27: {  	s1 =	sld [smem:$0x3FAF]  }
0x28: {  	s2 =	sld [smem:$0x3FB0]  }
0x29: {  	s4 =	sld [smem:$0x3FB2]  }
0x2a: {  	p0 =	seq.s32 s5, $0x0;
	s5 =	sld [smem:$0x3FB3]  }
0x2b: {  	s6 =	sld [smem:$0x3FB4]  }
0x2c: {  	s7 =	sld [smem:$0x3FB5]  }
0x2d: {  	s3 =	simm.s32 $0x108;
	s8 =	sld [smem:$0x3FB6]  }
0x2e: {  	s3 =	simm.s32 @!p0 $0x1082;
	s9 =	sld [smem:$0x3FB7]  }
0x2f: {  	lr =	sadd.s32 s0, s3;
	s0 =	sld [smem:$0x3FAE]  }
0x30: {  	s3 =	sld [smem:$0x3FB1]  }
0x31: {  	[smem:$0x3FBA] =	sst s10  }
0x32: {  	s10 =	sld [smem:$0x3FB8];
	_ =	sdelay $0x3  }
0x33: {  	p0 =	seq.s32 s10, $0x1;
	s10 =	sld [smem:$0x3FBA];
	_ =	sdelay $0x3  }
0x34: {  	[smem:$0x3FBA] =	sst s10  }
0x35: {  	s10 =	sld [smem:$0x3FB9];
	_ =	sdelay $0x3  }
0x36: {  	p1 =	seq.s32 s10, $0x1;
	s10 =	sld [smem:$0x3FBA];
	_ =	sdelay $0x3  }
0x37: {  	[smem:$0x3FBA] =	sst s10  }
0x38: {  	s10 =	sld [smem:$0x3FBB]  }
0x39: {  	_ = 	snop;
	(pc) =	sbr.ind lr, $3  }
0x3a: {  	_ = 	snop  }
0x3b: {  	_ = 	snop  }
0x3c: {  	p2 =	seq.s32 s10, $0x1;
	s10 =	sld [smem:$0x3FBA]  }
0x3d: {  	_ =	shalt  }
0x3e: {  	_ =	shalt  }
0x3f: {  	_ =	shalt  }
0x40: {  	_ =	shalt  }
0x41: {  	_ =	shalt  }
0x42: {  	_ =	shalt  }
0x43: {  	_ =	shalt  }
0x44: {  	_ =	shalt  }
0x45: {  	_ =	shalt  }
0x46: {  	_ =	shalt  }
0x47: {  	_ =	shalt  }
0x48: {  	_ =	shalt  }
0x49: {  	_ =	shalt  }
0x4a: {  	_ =	shalt  }
0x4b: {  	_ =	shalt  }
0x4c: {  	_ =	shalt  }
0x4d: {  	_ =	shalt  }
0x4e: {  	_ =	shalt  }
0x4f: {  	_ =	shalt  }
0x50: {  	_ =	shalt  }
0x51: {  	_ =	shalt  }
0x52: {  	_ =	shalt  }
0x53: {  	_ =	shalt  }
0x54: {  	_ =	shalt  }
0x55: {  	_ =	shalt  }
0x56: {  	_ =	shalt  }
0x57: {  	_ =	shalt  }
0x58: {  	_ =	shalt  }
0x59: {  	_ =	shalt  }
0x5a: {  	_ =	shalt  }
0x5b: {  	_ =	shalt  }
0x5c: {  	_ =	shalt  }
0x5d: {  	_ =	shalt  }
0x5e: {  	_ =	shalt  }
0x5f: {  	_ =	shalt  }
0x60: {  	_ =	shalt  }
0x61: {  	_ =	shalt  }
0x62: {  	_ =	shalt  }
0x63: {  	_ =	shalt  }
0x64: {  	_ =	shalt  }
0x65: {  	_ =	shalt  }
0x66: {  	_ =	shalt  }
0x67: {  	_ =	shalt  }
0x68: {  	_ =	shalt  }
0x69: {  	_ =	shalt  }
0x6a: {  	_ =	shalt  }
0x6b: {  	_ =	shalt  }
0x6c: {  	_ =	shalt  }
0x6d: {  	_ =	shalt  }
0x6e: {  	_ =	shalt  }
0x6f: {  	_ =	shalt  }
0x70: {  	_ =	shalt  }
0x71: {  	_ =	shalt  }
0x72: {  	_ =	shalt  }
0x73: {  	_ =	shalt  }
0x74: {  	_ =	shalt  }
0x75: {  	_ =	shalt  }
0x76: {  	_ =	shalt  }
0x77: {  	_ =	shalt  }
0x78: {  	_ =	shalt  }
0x79: {  	_ =	shalt  }
0x7a: {  	_ =	shalt  }
0x7b: {  	_ =	shalt  }
0x7c: {  	_ =	shalt  }
0x7d: {  	_ =	shalt  }
0x7e: {  	_ =	shalt  }
0x7f: {  	_ =	shalt  }
0x80: {  	_ =	shalt  }
0x81: {  	_ =	shalt  }
0x82: {  	_ =	shalt  }
0x83: {  	_ =	shalt  }
0x84: {  	_ =	shalt  }
0x85: {  	_ =	shalt  }
0x86: {  	_ =	shalt  }
0x87: {  	_ =	shalt  }
.Lfunc_end0:
.L_simem_size_0:
called_computation_lowered:
.L_overlay_start_0:
0x88: {  	s2 =	sld [smem:$0x3FD9]  }
0x89: {  	s3 =	sld [smem:$0x3FFE];
	_ =	sdelay $0x1  }
0x8a: {  	s1 =	srdreg.scid  }
0x8b: {  	s0 =	sand.u32 $0x1, s1  }
0x8c: {  	s16 =	sshll.u32 s0, $0xA;
	s2 =	sadd.s32 s3, s2  }
0x8d: {  	s2 =	sadd.s32 s2, s16  }
0x8e: {  	[smem:$0x3FC6] =	sst s2  }
0x8f: {  	_ = 	snop  }
0x90: {  	(tm) =	ssettm $0x1  }
0x91: {  	s17 =	sld [smem:$0x3FFB];
	_ =	sdelay $0x3  }
0x92: {  	_ =	strace s17  }
0x93: {  	s2 =	sld [smem:$0x3FFC];
	_ =	sdelay $0x3  }
0x94: {  	_ =	strace s2  }
0x95: {  	s2 =	sld [smem:$0x3FFD];
	_ =	sdelay $0x3  }
0x96: {  	_ =	strace s2  }
0x97: {  	_ =	strace $0x8FFFFFFF  }
0x98: {  	s18 =	sld [smem:$0x3FDB];
	_ =	sdelay $0x1  }
0x99: {  	s19 =	simm.s32 $_scs_section_size  }
0x9a: {  	s4 =	simm.s32 $_size__tile_overlayer_lowered;
	s5 =	simm.s32 $_tile_overlayer_lowered  }
0x9b: {  	s22 =	simm.s32 $0x1BFF;
	s21 =	sshll.u32 s5, $0x1;
	s2 =	sadd.s32 s19, s18  }
0x9c: {  	s6 =	simm.s32 $0x0;
	s20 =	sshll.u32 s4, $0x1;
	s4 =	sadd.s32 s21, s2  }
0x9d: {  	[timem:s6], [sflag:s22] =	dma.local [hbm:s4], s20  }
0x9e: {  	_ =	swait.ge [sflag:s22], s20  }
0x9f: {  	s3 =	ssub.s32 $0x0, s20;
	[sflag:s22] =	ssyncset.done $0x0  }
0xa0: {  	[sflag:s22] =	ssyncadd.s32 s3;
	_ =	sdelay $0x1  }
0xa1: {  	s23 =	simm.s32 $0x1B8B  }
0xa2: {  	_ =	swait.ge [sflag:s23], $0x1  }
0xa3: {  	[sflag:s23] =	ssyncset.done $0x0  }
0xa4: {  	s25 =	simm.s32 $0x1B8E;
	s24 =	sld [smem:$0x3FFE];
	[sflag:s23] =	ssyncadd.s32 $0xFFFFFFFF  }
0xa5: {  	s26 =	simm.s32 $execute0_lowered;
	[smem:$0x3FD2] =	sst s25  }
0xa6: {  	s4 =	sshll.u32 s26, $0x1;
	_ =	strace $0x80000046;
	[dreg:$0x1] =	wrdreg $0xFFFFFFFF  }
0xa7: {  	s28 =	simm.s32 $_size_execute0_lowered;
	s2 =	sadd.s32 s2, s4;
	[dreg:$0x0] =	wrdreg $0x0  }
0xa8: {  	s4 =	sshll.u32 s28, $0x1;
	[dreg:$0x2] =	wrdreg s2  }
0xa9: {  	[dreg:$0x3] =	wrdreg s4  }
0xaa: {  	[dreg:$0x4] =	wrdreg $0xC0  }
0xab: {  	_ =	task [dreg:s6], $0x5FFFF  }
0xac: {  	[dreg:$0x1] =	wrdreg $0xFFFFFFFF  }
0xad: {  	[dreg:$0x0] =	wrdreg $0x60  }
0xae: {  	[dreg:$0x2] =	wrdreg s24  }
0xaf: {  	[dreg:$0x3] =	wrdreg $0x9  }
0xb0: {  	_ =	task.clear_ibuf [dreg:s6], $0x4FFFF;
	_ =	strace $0x90000046  }
0xb1: {  	s29 =	simm.s32 $0x9;
	_ =	strace $0x80000048  }
0xb2: {  	_ =	swait.ge [sflag:s29], $0x1  }
0xb3: {  	[sflag:s29] =	ssyncadd.s32 $0xFFFFFFFF  }
0xb4: {  	_ =	strace $0x90000048  }
0xb5: {  	_ =	sfence  }
0xb6: {  	s30 =	sld [smem:$0x0];
	_ =	sdelay $0x2  }
0xb7: {  	s31 =	sshll.u32 s1, $0xD;
	s1 =	sshrl.u32 s1, $0x2  }
0xb8: {  	s3 =	sand.u32 $0x4000, s31;
	s1 =	sadd.s32 s1, s30  }
0xb9: {  	s0 =	sor.u32 s3, s0;
	s1 =	sshll.u32 s1, $0x11  }
0xba: {  	s0 =	sor.u32 s1, s0  }
0xbb: {  	s0 =	sadd.s32 $0x8F2B, s0  }
0xbc: {  	[sflag:s0] =	ssyncadd.remote.s32 $0x1  }
0xbd: {  	_ =	sfence.sel $0xFFFF  }
0xbe: {  	[dreg:$0x0] =	wrdreg $0xFFFFFFFF;
	(pc) =	sbr.abs _section_cstart, $3  }
0xbf: {  	[dreg:$0x1] =	wrdreg $0xFFFFFFFF  }
0xc0: {  	_ =	task.clear_ibuf [dreg:s6], $0x2FFFF;
	_ =	strace $0x9FFFFFFF  }
0xc1: {  	(tm) =	ssettm $0x7FFFFFFF  }
tec
execute0_lowered:
.L_overlay_start_1:
0x0: {  	(tag) =	ssettag $0x1  }
0x1: {  	v0 =	vimm.s32 $0xEDCBA987  }
0x2: {  	v1 =	vimm.s32 $0x65432100;
	v2 =	vimm.s32 $0xDCBA9876;
	v0 =	vunpack.c.l.s4.s8 v0  }
0x3: {  	v3 =	vimm.s32 $0x54321000;
	v4 =	vimm.s32 $0xBA987654;
	v1 =	vunpack.c.l.s4.s8 v1  }
0x4: {  	s4 =	rddreg [dreg:$0x0];
	vm0 =	vmmov $0x3;
	vm2 =	vcmask $0x3F30;
	v0 =	vunpack.c.0.s8.s32 v0  }
0x5: {  	s0 =	rddreg [dreg:$0x1];
	vm1 =	vmmov $0xf;
	vm3 =	vmmov $0x1;
	v1 =	vunpack.c.0.s8.s32 v1  }
0x6: {  	s2 =	simm.s32 $0x0;
	s3 =	srdreg.scid;
	s1 =	stileid.u32;
	vm4 =	vcmask $0x310;
	v2 =	vunpack.c.l.s4.s8 v2;
	v0 =	vand.u32 $0xF, v0  }
0x7: {  	s12 =	simm.s32 $0x8;
	s13 =	simm.s32 $0x1;
	s14 =	simm.s32 $0x1908;
	v0 =	vcombine.low v1, v0;
	v1 =	vunpack.c.l.s4.s8 v3;
	v3 =	vimm.s32 $0xE40000  }
0x8: {  	vm5 =	vcmask $0x710;
	s15 =	simm.s32 $0x1988;
	s16 =	simm.s32 $0x0;
	[smem:$0x7FF] =	sst s2;
	v2 =	vunpack.c.0.s8.s32 v2;
	v3 =	vunpack.c.l.s2.s4 v3  }
0x9: {  	s5 =	sand.u32 $0x1, s3;
	s6 =	sshll.u32 s1, $0x1;
	v4 =	vunpack.c.l.s4.s8 v4;
	s3 =	sadd.s32 $0x187400, s4;
	v5 =	vunpack.c.0.s8.s32 v1;
	v1 =	vimm.s32 $0x32100000  }
0xa: {  	_ =	strace $0x80000047;
	s6 =	sor.u32 s5, s6;
	s5 =	ssub.s32 $0x2, s5;
	v2 =	vand.u32 $0xF, v2;
	v6 =	vunpack.c.l.s4.s8 v1;
	v3 =	vunpack.c.l.s4.s8 v3  }
0xb: {  	vm6 =	vcmask $0xB10;
	s7 =	sadd.s32 s6, s4;
	s8 =	sshll.u32 s6, $0x6;
	v4 =	vunpack.c.0.s8.s32 v4;
	s6 =	sshll.u32 s6, $0x1;
	v2 =	vcombine.low v5, v2  }
0xc: {  	s9 =	sshrl.u32 s5, $0x1;
	s8 =	sadd.s32 s8, s4;
	s10 =	sadd.s32 s6, s4;
	v5 =	vunpack.c.0.s8.s32 v6;
	v6 =	vimm.s32 $0x7060504;
	v7 =	vunpack.c.0.s8.s32 v3  }
0xd: {  	s11 =	ssub.s32 s5, s9;
	s4 =	sadd.s32 $0xC00, s7;
	s5 =	sadd.s32 $0x400, s8;
	v1 =	vlaneseq.u32;
	v3 =	vand.u32 $0xF, v4;
	v4 =	vunpack.c.0.s8.s32 v6  }
0xe: {  	s6 =	sadd.s32 $0x410, s8;
	s7 =	sadd.s32 $0x420, s8;
	s8 =	sadd.s32 $0x430, s8;
	v6 =	vimm.f32 $0.0e+00;
	v3 =	vcombine.low v5, v3;
	v5 =	vand.u32 $0x3, v7  }
0xf: {  	s9 =	sadd.s32 $0xE00, s10;
	s10 =	smax.u32 s11, $0x1;
	s11 =	simm.s32 $0x2;
	v4 =	vsel vm2, v4, v5;
	vm2 =	vmmov $0xff;
	v5 =	vimm.s32 $0xF  }
.LBB2_1:
0x10: {  	[tilespmem:s2], [sflag:$0x2] =	stream.linear.gather [hbm4b:s4+s2], $0x8, $0x38;
	[tilespmem:$0x1998] =	vst v63  }
0x11: {  	_ =	swait.ge [sflag:s11], $0x8  }
0x12: {  	[sflag:s11] =	ssyncset.done $0x0  }
0x13: {  	[sflag:s11] =	ssyncadd.s32 $0xFFFFFFF8  }
0x14: {  	[tilespmem:s12], [sflag:$0x1] =	stream.indirect.gather [hbm4b:s3+s12], $0x320, s2, s12, $0xb8;
	[tilespmem:$0x1998] =	vst v63  }
0x15: {  	_ =	swait.ge [sflag:s13], $0x1900  }
0x16: {  	[sflag:s13] =	ssyncset.done $0x0  }
0x17: {  	[sflag:s13] =	ssyncadd.s32 $0xFFFFE700  }
0x18: {  	[tilespmem:s14], [sflag:$0x2] =	stream.linear.gather [hbm4b:s5+s2], $0x80, $0x38;
	[tilespmem:$0x1998] =	vst v63  }
0x19: {  	_ =	swait.ge [sflag:s11], $0x80  }
0x1a: {  	[sflag:s11] =	ssyncset.done $0x0  }
0x1b: {  	[sflag:s11] =	ssyncadd.s32 $0xFFFFFF80  }
0x1c: {  	s17 =	simm.s32 $0x0;
	v9 =	vld [tilespmem:$0x1948]  }
0x1d: {  	v7 =	vld [tilespmem:s17+$0x8];
	_ =	sdelay $0x1  }
0x1e: {  	v10 =	vld [tilespmem:$0x1908];
	_ =	sdelay $0x2  }
0x1f: {  	v7 =	vmul.f32 v7, v9  }
0x20: {  	s24 =	simm.s32 $0x10  }
0x21: {  	v8 =	vld [tilespmem:s24+$0x8];
	v7 =	vsub.f32 v7, v10;
	_ =	sdelay $0x1  }
0x22: {  	v7 =	vmul.f32 $1.442695020e+00, v7  }
0x23: {  	s25 =	simm.s32 $0x20  }
0x24: {  	v11 =	vld [tilespmem:s25+$0x8];
	(erf) = vpow2.f32 v7  }
0x25: {  	v7 =	vmul.f32 v8, v9;
	_ =	sdelay $0x1  }
0x26: {  	s26 =	simm.s32 $0x30;
	v7 =	vsub.f32 v7, v10  }
0x27: {  	v8 =	vld [tilespmem:s26+$0x8]  }
0x28: {  	v11 =	vmul.f32 v11, v9;
	v7 =	vmul.f32 $1.442695020e+00, v7;
	_ =	sdelay $0x1  }
0x29: {  	(erf) = vpow2.f32 v7;
	v7 =	vsub.f32 v11, v10  }
0x2a: {  	s28 =	simm.s32 $0x40  }
0x2b: {  	v8 =	vmul.f32 v8, v9;
	v11 =	vld [tilespmem:s28+$0x8];
	v7 =	vmul.f32 $1.442695020e+00, v7;
	v12 =	vpop (erf)  }
0x2c: {  	v13 =	vperm.xlane v12, v0  }
0x2d: {  	vm7 =	veq.s32 v1, $0x0;
	(erf) = vpow2.f32 v7;
	v7 =	vsub.f32 v8, v10  }
0x2e: {  	v8 =	vsel vm7, $0x0, v13  }
0x2f: {  	v7 =	vmul.f32 $1.442695020e+00, v7;
	v8 =	vadd.f32 v12, v8  }
0x30: {  	v11 =	vmul.f32 v11, v9  }
0x31: {  	v12 =	vperm.xlane v8, v2  }
0x32: {  	s29 =	simm.s32 $0x50;
	v11 =	vsub.f32 v11, v10  }
0x33: {  	s30 =	simm.s32 $0x60;
	v14 =	vld [tilespmem:s29+$0x8];
	(erf) = vpow2.f32 v7;
	v7 =	vpop (erf);
	v12 =	vsel vm0, $0x0, v12  }
0x34: {  	v16 =	vld [tilespmem:s30+$0x8];
	v11 =	vmul.f32 $1.442695020e+00, v11;
	v13 =	vperm.xlane v7, v0  }
0x35: {  	v8 =	vadd.f32 v8, v12  }
0x36: {  	(erf) = vpow2.f32 v11;
	v13 =	vsel vm7, $0x0, v13;
	v12 =	vpop (erf)  }
0x37: {  	v7 =	vadd.f32 v7, v13;
	v13 =	vperm.xlane v8, v3;
	v11 =	vperm.xlane v12, v0  }
0x38: {  	v14 =	vmul.f32 v14, v9  }
0x39: {  	v16 =	vmul.f32 v16, v9;
	v13 =	vsel vm1, $0x0, v13;
	v11 =	vsel vm7, $0x0, v11  }
0x3a: {  	v15 =	vperm.xlane v7, v2;
	v17 =	vadd.f32 v8, v13;
	v8 =	vsub.f32 v14, v10  }
0x3b: {  	v16 =	vsub.f32 v16, v10  }
0x3c: {  	v15 =	vsel vm0, $0x0, v15;
	v12 =	vadd.f32 v12, v11;
	v18 =	vmul.f32 $1.442695020e+00, v8;
	v11 =	vpop (erf)  }
0x3d: {  	v16 =	vmul.f32 $1.442695020e+00, v16;
	v7 =	vadd.f32 v7, v15;
	v13 =	vperm.xlane v11, v0  }
0x3e: {  	v15 =	vperm.xlane v17, v4;
	v14 =	vperm.xlane v12, v2  }
0x3f: {  	v19 =	vld [tilespmem:$0x1928];
	(erf) = vpow2.f32 v18;
	v8 =	vsel vm7, $0x0, v13;
	v13 =	vperm.xlane v7, v3  }
0x40: {  	v15 =	vsel vm2, $0x0, v15;
	v14 =	vsel vm0, $0x0, v14;
	v18 =	vpop (erf);
	v20 =	vadd.f32 v11, v8  }
0x41: {  	s31 =	simm.s32 $0x70;
	v8 =	vld [tilespmem:$0x1918];
	v21 =	vperm.xlane v18, v0;
	v11 =	vsel vm1, $0x0, v13;
	v13 =	vadd.f32 v12, v14  }
0x42: {  	v14 =	vadd.f32 v17, v15;
	v11 =	vadd.f32 v7, v11;
	v7 =	vld [tilespmem:s31+$0x8];
	v12 =	vperm.xlane v20, v2  }
0x43: {  	(erf) = vpow2.f32 v16;
	v17 =	vsel vm7, $0x0, v21  }
0x44: {  	v22 =	vadd.f32 v14, v19;
	v19 =	vperm.xlane v13, v3;
	v63 =	vsel vm0, $0x0, v12  }
0x45: {  	v15 =	vperm.xlane v11, v4;
	v12 =	vadd.f32 v18, v17;
	v14 =	vadd.f32 v20, v63  }
0x46: {  	vm8 =	vlt.f32 v22, v8;
	v19 =	vsel vm1, $0x0, v19;
	v16 =	vperm.xlane v22, v5  }
0x47: {  	s17 =	simm.s32 $0x200;
	v17 =	vsel vm2, $0x0, v15;
	v15 =	vimm.f32 $0.0e+00;
	v18 =	vmul.f32 v7, v9;
	v7 =	vld [tilespmem:$0x1938]  }
.LBB2_2:
0x48: {  	s18 =	sshra.s32 s17, $0x2;
	p0 =	sne.s32 s17, $0xC40;
	s17 =	sadd.s32 $0x40, s17;
	v20 =	vpop (erf);
	v21 =	vperm.xlane v12, v2;
	v19 =	vadd.f32 v13, v19;
	v22 =	vsel vm8, $0x3F800000, v6  }
0x49: {  	v17 =	vadd.f32 v11, v17;
	v13 =	vmovc v14;
	v23 =	vld [tilespmem:s18+$0x8];
	v18 =	vsub.f32 v18, v10;
	v24 =	vperm.xlane v20, v0  }
.Ltmp0:
0x4a: {  	v15 =	vadd.f32 v22, v15;
	v14 =	vsel vm0, $0x0, v21;
	v21 =	vperm.xlane v19, v4;
	v11 =	vmovc v19;
	(pc) =	sbr.rel @p0 .LBB2_2-.Ltmp0, $4  }
0x4b: {  	v16 =	vadd.f32 v17, v16;
	v18 =	vmul.f32 $1.442695020e+00, v18;
	v19 =	vsel vm7, $0x0, v24  }
0x4c: {  	v20 =	vadd.f32 v20, v19;
	v19 =	vperm.xlane v13, v3;
	v17 =	vsel vm2, $0x0, v21  }
0x4d: {  	v14 =	vadd.f32 v12, v14;
	vm8 =	vlt.f32 v16, v8;
	(erf) = vpow2.f32 v18  }
0x4e: {  	v16 =	vperm.xlane v16, v5;
	v18 =	vmul.f32 v23, v9;
	v19 =	vsel vm1, $0x0, v19;
	v12 =	vmovc v20  }
0x4f: {  	_ = 	snop  }
0x50: {  	v9 =	vsub.f32 v18, v10;
	_ =	sdelay $0x1  }
0x51: {  	v9 =	vmul.f32 $1.442695020e+00, v9  }
0x52: {  	v13 =	vadd.f32 v13, v19;
	v18 =	vperm.xlane v12, v2  }
0x53: {  	v11 =	vadd.f32 v11, v17;
	v20 =	vperm.xlane v14, v3;
	(erf) = vpow2.f32 v9  }
0x54: {  	v10 =	vpop (erf);
	v17 =	vsel vm0, $0x0, v18;
	v18 =	vperm.xlane v13, v4  }
0x55: {  	v19 =	vperm.xlane v10, v0;
	v11 =	vadd.f32 v11, v16;
	v16 =	vsel vm1, $0x0, v20  }
0x56: {  	vm7 =	veq.s32 v1, $0x0;
	v14 =	vadd.f32 v14, v16;
	v9 =	vsel vm8, $0x3F800000, v6  }
0x57: {  	v12 =	vadd.f32 v12, v17;
	v9 =	vadd.f32 v9, v15;
	v15 =	vsel vm7, $0x0, v19  }
0x58: {  	v17 =	vperm.xlane v11, v5;
	v10 =	vadd.f32 v10, v15;
	v15 =	vsel vm2, $0x0, v18;
	v18 =	vpop (erf)  }
0x59: {  	vm8 =	vlt.f32 v11, v8;
	v16 =	vperm.xlane v18, v0;
	v13 =	vadd.f32 v13, v15  }
0x5a: {  	v19 =	vsel vm8, $0x3F800000, v6;
	v15 =	vperm.xlane v14, v4;
	v11 =	vperm.xlane v10, v2  }
0x5b: {  	v20 =	vperm.xlane v12, v3;
	v16 =	vsel vm7, $0x0, v16;
	v13 =	vadd.f32 v13, v17  }
0x5c: {  	v15 =	vsel vm2, $0x0, v15;
	v11 =	vsel vm0, $0x0, v11;
	v16 =	vadd.f32 v18, v16;
	v17 =	vpop (erf)  }
0x5d: {  	v10 =	vadd.f32 v10, v11;
	v11 =	vsel vm1, $0x0, v20;
	v18 =	vperm.xlane v17, v0  }
0x5e: {  	v20 =	vperm.xlane v13, v5;
	v21 =	vperm.xlane v16, v2;
	v11 =	vadd.f32 v12, v11  }
0x5f: {  	v12 =	vadd.f32 v14, v15;
	v15 =	vperm.xlane v10, v3;
	v14 =	vsel vm7, $0x0, v18  }
0x60: {  	v18 =	vsel vm0, $0x0, v21;
	v21 =	vperm.xlane v11, v4;
	v14 =	vadd.f32 v17, v14  }
0x61: {  	v12 =	vadd.f32 v12, v20;
	v15 =	vsel vm1, $0x0, v15;
	v16 =	vadd.f32 v16, v18  }
0x62: {  	v10 =	vadd.f32 v10, v15;
	v17 =	vsel vm2, $0x0, v21;
	v18 =	vperm.xlane v14, v2  }
0x63: {  	v15 =	vperm.xlane v12, v5;
	v11 =	vadd.f32 v11, v17;
	v17 =	vperm.xlane v16, v3  }
0x64: {  	v9 =	vadd.f32 v19, v9;
	v19 =	vperm.xlane v10, v4;
	v18 =	vsel vm0, $0x0, v18  }
0x65: {  	v11 =	vadd.f32 v11, v15;
	v15 =	vsel vm1, $0x0, v17;
	v14 =	vadd.f32 v14, v18  }
0x66: {  	s17 =	simm.s32 $0x0;
	vm8 =	vlt.f32 v13, v8;
	v13 =	vsel vm2, $0x0, v19;
	v15 =	vadd.f32 v16, v15  }
0x67: {  	[tilespmem:s14], [sflag:$0x2] =	stream.linear.gather [hbm4b:s6+s17], $0x80, $0x38;
	v10 =	vadd.f32 v10, v13;
	v16 =	vperm.xlane v11, v5;
	v13 =	vperm.xlane v14, v3;
	[tilespmem:$0x1998] =	vst v63  }
0x68: {  	_ =	swait.ge [sflag:s11], $0x80;
	v17 =	vsel vm8, $0x3F800000, v6;
	v18 =	vperm.xlane v15, v4  }
0x69: {  	[sflag:s11] =	ssyncset.done $0x0;
	vm8 =	vlt.f32 v12, v8;
	v10 =	vadd.f32 v10, v16;
	v13 =	vsel vm1, $0x0, v13  }
0x6a: {  	s23 =	simm.s32 $0x0;
	[sflag:s11] =	ssyncadd.s32 $0xFFFFFF80;
	v9 =	vadd.f32 v17, v9;
	v12 =	vsel vm2, $0x0, v18;
	v13 =	vadd.f32 v14, v13  }
0x6b: {  	v17 =	vld [tilespmem:s23+$0x328];
	v14 =	vsel vm8, $0x3F800000, v6;
	v16 =	vperm.xlane v10, v5;
	v12 =	vadd.f32 v15, v12  }
0x6c: {  	vm8 =	vlt.f32 v11, v8;
	v11 =	vld [tilespmem:$0x1948];
	v9 =	vadd.f32 v14, v9;
	v14 =	vperm.xlane v13, v4  }
0x6d: {  	v16 =	vadd.f32 v12, v16  }
0x6e: {  	s24 =	simm.s32 $0x10;
	v15 =	vsel vm8, $0x3F800000, v6;
	vm8 =	vlt.f32 v10, v8;
	v12 =	vld [tilespmem:$0x1908];
	v14 =	vsel vm2, $0x0, v14  }
0x6f: {  	v9 =	vadd.f32 v15, v9;
	v10 =	vperm.xlane v16, v5;
	v13 =	vadd.f32 v13, v14;
	v14 =	vld [tilespmem:s24+$0x328]  }
0x70: {  	v15 =	vsel vm8, $0x3F800000, v6;
	vm8 =	vlt.f32 v16, v8  }
0x71: {  	v9 =	vadd.f32 v15, v9;
	v15 =	vmul.f32 v17, v11;
	v10 =	vadd.f32 v13, v10  }
0x72: {  	v13 =	vsel vm8, $0x3F800000, v6  }
0x73: {  	v9 =	vadd.f32 v13, v9;
	vm8 =	vlt.f32 v10, v8;
	v10 =	vsub.f32 v15, v12  }
0x74: {  	s25 =	simm.s32 $0x20;
	v8 =	vsel vm8, $0x3F800000, v6;
	v13 =	vmul.f32 v14, v11  }
0x75: {  	v8 =	vadd.f32 v8, v9;
	v9 =	vmul.f32 $1.442695020e+00, v10;
	v10 =	vld [tilespmem:s25+$0x328]  }
0x76: {  	v13 =	vsub.f32 v13, v12  }
0x77: {  	(erf) = vpow2.f32 v9  }
0x78: {  	v14 =	vperm.xlane v8, v0;
	v9 =	vmul.f32 $1.442695020e+00, v13  }
0x79: {  	s26 =	simm.s32 $0x30  }
0x7a: {  	v13 =	vsel vm7, $0x0, v14;
	(erf) = vpow2.f32 v9;
	v9 =	vld [tilespmem:s26+$0x328];
	v10 =	vmul.f32 v10, v11  }
0x7b: {  	v8 =	vadd.f32 v13, v8  }
0x7c: {  	v10 =	vsub.f32 v10, v12  }
0x7d: {  	v13 =	vperm.xlane v8, v2  }
0x7e: {  	v10 =	vmul.f32 $1.442695020e+00, v10  }
0x7f: {  	v13 =	vsel vm0, $0x0, v13;
	v9 =	vmul.f32 v9, v11  }
0x80: {  	s28 =	simm.s32 $0x40;
	v8 =	vadd.f32 v13, v8;
	v14 =	vpop (erf);
	(erf) = vpow2.f32 v10  }
0x81: {  	v13 =	vld [tilespmem:s28+$0x328];
	v9 =	vsub.f32 v9, v12;
	v15 =	vperm.xlane v14, v0  }
0x82: {  	v10 =	vperm.xlane v8, v3  }
0x83: {  	v9 =	vmul.f32 $1.442695020e+00, v9;
	v15 =	vsel vm7, $0x0, v15  }
0x84: {  	v16 =	vpop (erf);
	v10 =	vsel vm1, $0x0, v10;
	v14 =	vadd.f32 v14, v15  }
0x85: {  	v17 =	vperm.xlane v16, v0;
	v8 =	vadd.f32 v10, v8;
	(erf) = vpow2.f32 v9  }
0x86: {  	v9 =	vmul.f32 v13, v11;
	v10 =	vperm.xlane v14, v2  }
0x87: {  	s29 =	simm.s32 $0x50;
	v13 =	vsel vm7, $0x0, v17;
	v15 =	vperm.xlane v8, v4  }
0x88: {  	v9 =	vsub.f32 v9, v12;
	v13 =	vadd.f32 v16, v13;
	v16 =	vld [tilespmem:s29+$0x328];
	v10 =	vsel vm0, $0x0, v10  }
0x89: {  	v15 =	vsel vm2, $0x0, v15;
	v10 =	vadd.f32 v14, v10;
	v14 =	vpop (erf)  }
0x8a: {  	s30 =	simm.s32 $0x60;
	v9 =	vmul.f32 $1.442695020e+00, v9;
	v8 =	vadd.f32 v15, v8;
	v15 =	vperm.xlane v14, v0  }
0x8b: {  	v18 =	vld [tilespmem:s30+$0x328];
	v17 =	vperm.xlane v13, v2  }
0x8c: {  	(erf) = vpow2.f32 v9;
	v9 =	vperm.xlane v10, v3;
	v15 =	vsel vm7, $0x0, v15  }
0x8d: {  	v17 =	vsel vm0, $0x0, v17;
	v14 =	vadd.f32 v14, v15;
	v15 =	vmul.f32 v16, v11  }
0x8e: {  	v17 =	vadd.f32 v13, v17  }
0x8f: {  	v9 =	vsel vm1, $0x0, v9;
	v15 =	vsub.f32 v15, v12  }
0x90: {  	v18 =	vmul.f32 v18, v11;
	v16 =	vpop (erf);
	v9 =	vadd.f32 v10, v9;
	v21 =	vperm.xlane v17, v3  }
0x91: {  	v10 =	vperm.xlane v16, v0;
	v15 =	vmul.f32 $1.442695020e+00, v15  }
0x92: {  	v8 =	vperm.xlane v8, v5;
	v13 =	vimm.f32 $0.0e+00;
	v20 =	vperm.xlane v9, v4  }
0x93: {  	v22 =	vld [tilespmem:$0x1928];
	v19 =	vperm.xlane v14, v2;
	v10 =	vsel vm7, $0x0, v10;
	(erf) = vpow2.f32 v15  }
0x94: {  	s31 =	simm.s32 $0x70;
	v23 =	vadd.f32 v16, v10;
	v16 =	vsel vm2, $0x0, v20;
	v20 =	vsel vm1, $0x0, v21  }
0x95: {  	v19 =	vsel vm0, $0x0, v19;
	v15 =	vadd.f32 v17, v20;
	v20 =	vld [tilespmem:s31+$0x328];
	v17 =	vsub.f32 v18, v12;
	v21 =	vpop (erf)  }
0x96: {  	v10 =	vld [tilespmem:$0x1918];
	v9 =	vadd.f32 v9, v16;
	v24 =	vperm.xlane v23, v2;
	v18 =	vperm.xlane v21, v0  }
0x97: {  	v16 =	vadd.f32 v14, v19;
	v19 =	vperm.xlane v15, v4;
	v17 =	vmul.f32 $1.442695020e+00, v17  }
0x98: {  	v24 =	vsel vm0, $0x0, v24;
	v14 =	vsel vm7, $0x0, v18;
	v18 =	vadd.f32 v9, v22  }
0x99: {  	(erf) = vpow2.f32 v17;
	v14 =	vadd.f32 v21, v14;
	v21 =	vperm.xlane v16, v3  }
0x9a: {  	v19 =	vsel vm2, $0x0, v19;
	v17 =	vadd.f32 v23, v24;
	v20 =	vmul.f32 v20, v11  }
0x9b: {  	s17 =	simm.s32 $0x200;
	v9 =	vld [tilespmem:$0x1938];
	vm8 =	vlt.f32 v18, v10;
	v18 =	vperm.xlane v18, v5;
	v21 =	vsel vm1, $0x0, v21  }
.LBB2_4:
0x9c: {  	s18 =	sshra.s32 s17, $0x2;
	p0 =	sne.s32 s17, $0xC40;
	s17 =	sadd.s32 $0x40, s17;
	v22 =	vpop (erf);
	v23 =	vperm.xlane v14, v2;
	v21 =	vadd.f32 v16, v21;
	v24 =	vsel vm8, $0x3F800000, v6  }
0x9d: {  	v19 =	vadd.f32 v15, v19;
	v16 =	vmovc v17;
	v25 =	vld [tilespmem:s18+$0x328];
	v20 =	vsub.f32 v20, v12;
	v26 =	vperm.xlane v22, v0  }
.Ltmp1:
0x9e: {  	v13 =	vadd.f32 v24, v13;
	v17 =	vsel vm0, $0x0, v23;
	v23 =	vperm.xlane v21, v4;
	v15 =	vmovc v21;
	(pc) =	sbr.rel @p0 .LBB2_4-.Ltmp1, $4  }
0x9f: {  	v18 =	vadd.f32 v19, v18;
	v20 =	vmul.f32 $1.442695020e+00, v20;
	v21 =	vsel vm7, $0x0, v26  }
0xa0: {  	v22 =	vadd.f32 v22, v21;
	v21 =	vperm.xlane v16, v3;
	v19 =	vsel vm2, $0x0, v23  }
0xa1: {  	v17 =	vadd.f32 v14, v17;
	vm8 =	vlt.f32 v18, v10;
	(erf) = vpow2.f32 v20  }
0xa2: {  	v18 =	vperm.xlane v18, v5;
	v20 =	vmul.f32 v25, v11;
	v21 =	vsel vm1, $0x0, v21;
	v14 =	vmovc v22  }
0xa3: {  	_ = 	snop  }
0xa4: {  	v11 =	vsub.f32 v20, v12;
	_ =	sdelay $0x1  }
0xa5: {  	v11 =	vmul.f32 $1.442695020e+00, v11  }
0xa6: {  	v16 =	vadd.f32 v16, v21;
	v20 =	vperm.xlane v14, v2  }
0xa7: {  	v15 =	vadd.f32 v15, v19;
	v22 =	vperm.xlane v17, v3;
	(erf) = vpow2.f32 v11  }
0xa8: {  	v12 =	vpop (erf);
	v19 =	vsel vm0, $0x0, v20;
	v20 =	vperm.xlane v16, v4  }
0xa9: {  	v21 =	vperm.xlane v12, v0;
	v15 =	vadd.f32 v15, v18;
	v18 =	vsel vm1, $0x0, v22  }
0xaa: {  	vm7 =	veq.s32 v1, $0x0;
	v17 =	vadd.f32 v17, v18;
	v11 =	vsel vm8, $0x3F800000, v6  }
0xab: {  	v14 =	vadd.f32 v14, v19;
	v11 =	vadd.f32 v11, v13;
	v13 =	vsel vm7, $0x0, v21  }
0xac: {  	v19 =	vperm.xlane v15, v5;
	v12 =	vadd.f32 v12, v13;
	v13 =	vsel vm2, $0x0, v20;
	v20 =	vpop (erf)  }
0xad: {  	vm8 =	vlt.f32 v15, v10;
	v18 =	vperm.xlane v20, v0;
	v13 =	vadd.f32 v16, v13  }
0xae: {  	v21 =	vsel vm8, $0x3F800000, v6;
	v16 =	vperm.xlane v17, v4;
	v15 =	vperm.xlane v12, v2  }
0xaf: {  	v22 =	vperm.xlane v14, v3;
	v18 =	vsel vm7, $0x0, v18;
	v13 =	vadd.f32 v13, v19  }
0xb0: {  	v16 =	vsel vm2, $0x0, v16;
	v15 =	vsel vm0, $0x0, v15;
	v18 =	vadd.f32 v20, v18;
	v19 =	vpop (erf)  }
0xb1: {  	v12 =	vadd.f32 v12, v15;
	v15 =	vsel vm1, $0x0, v22;
	v20 =	vperm.xlane v19, v0  }
0xb2: {  	v22 =	vperm.xlane v13, v5;
	v23 =	vperm.xlane v18, v2;
	v14 =	vadd.f32 v14, v15  }
0xb3: {  	v15 =	vadd.f32 v17, v16;
	v17 =	vperm.xlane v12, v3;
	v16 =	vsel vm7, $0x0, v20  }
0xb4: {  	v20 =	vsel vm0, $0x0, v23;
	v23 =	vperm.xlane v14, v4;
	v16 =	vadd.f32 v19, v16  }
0xb5: {  	v15 =	vadd.f32 v15, v22;
	v17 =	vsel vm1, $0x0, v17;
	v18 =	vadd.f32 v18, v20  }
0xb6: {  	v12 =	vadd.f32 v12, v17;
	v19 =	vsel vm2, $0x0, v23;
	v20 =	vperm.xlane v16, v2  }
0xb7: {  	v17 =	vperm.xlane v15, v5;
	v14 =	vadd.f32 v14, v19;
	v19 =	vperm.xlane v18, v3  }
0xb8: {  	v11 =	vadd.f32 v21, v11;
	v21 =	vperm.xlane v12, v4;
	v20 =	vsel vm0, $0x0, v20  }
0xb9: {  	v14 =	vadd.f32 v14, v17;
	v17 =	vsel vm1, $0x0, v19;
	v16 =	vadd.f32 v16, v20  }
0xba: {  	vm8 =	vlt.f32 v13, v10;
	v13 =	vsel vm2, $0x0, v21;
	v17 =	vadd.f32 v18, v17  }
0xbb: {  	s17 =	simm.s32 $0x0;
	v12 =	vadd.f32 v12, v13;
	v18 =	vperm.xlane v14, v5;
	v13 =	vperm.xlane v16, v3  }
0xbc: {  	[tilespmem:s14], [sflag:$0x2] =	stream.linear.gather [hbm4b:s7+s17], $0x80, $0x38;
	v19 =	vsel vm8, $0x3F800000, v6;
	v20 =	vperm.xlane v17, v4;
	[tilespmem:$0x1998] =	vst v63  }
0xbd: {  	_ =	swait.ge [sflag:s11], $0x80;
	vm8 =	vlt.f32 v15, v10;
	v12 =	vadd.f32 v12, v18;
	v13 =	vsel vm1, $0x0, v13  }
0xbe: {  	[sflag:s11] =	ssyncset.done $0x0;
	v11 =	vadd.f32 v19, v11;
	v15 =	vsel vm2, $0x0, v20;
	v16 =	vadd.f32 v16, v13  }
0xbf: {  	[sflag:s11] =	ssyncadd.s32 $0xFFFFFF80;
	v13 =	vsel vm8, $0x3F800000, v6;
	v18 =	vperm.xlane v12, v5;
	v15 =	vadd.f32 v17, v15  }
0xc0: {  	s23 =	simm.s32 $0x0;
	v11 =	vadd.f32 v13, v11;
	v13 =	vld [tilespmem:$0x1948]  }
0xc1: {  	vm8 =	vlt.f32 v14, v10;
	v14 =	vperm.xlane v16, v4;
	v15 =	vadd.f32 v15, v18;
	v18 =	vld [tilespmem:s23+$0x648]  }
0xc2: {  	v17 =	vsel vm8, $0x3F800000, v6  }
0xc3: {  	s24 =	simm.s32 $0x10;
	v11 =	vadd.f32 v17, v11;
	v17 =	vsel vm2, $0x0, v14;
	v14 =	vld [tilespmem:$0x1908]  }
0xc4: {  	vm8 =	vlt.f32 v12, v10;
	v12 =	vperm.xlane v15, v5;
	v16 =	vadd.f32 v16, v17;
	v17 =	vld [tilespmem:s24+$0x648]  }
0xc5: {  	v19 =	vsel vm8, $0x3F800000, v6;
	vm8 =	vlt.f32 v15, v10  }
0xc6: {  	v11 =	vadd.f32 v19, v11;
	v12 =	vadd.f32 v16, v12;
	v16 =	vmul.f32 v18, v13  }
0xc7: {  	v15 =	vsel vm8, $0x3F800000, v6  }
0xc8: {  	v11 =	vadd.f32 v15, v11;
	vm8 =	vlt.f32 v12, v10;
	v12 =	vsub.f32 v16, v14  }
0xc9: {  	s25 =	simm.s32 $0x20;
	v10 =	vsel vm8, $0x3F800000, v6;
	v15 =	vmul.f32 v17, v13  }
0xca: {  	v10 =	vadd.f32 v10, v11;
	v11 =	vmul.f32 $1.442695020e+00, v12;
	v12 =	vld [tilespmem:s25+$0x648]  }
0xcb: {  	v15 =	vsub.f32 v15, v14  }
0xcc: {  	(erf) = vpow2.f32 v11  }
0xcd: {  	v16 =	vperm.xlane v10, v0;
	v11 =	vmul.f32 $1.442695020e+00, v15  }
0xce: {  	s26 =	simm.s32 $0x30  }
0xcf: {  	v15 =	vsel vm7, $0x0, v16;
	(erf) = vpow2.f32 v11;
	v11 =	vld [tilespmem:s26+$0x648];
	v12 =	vmul.f32 v12, v13  }
0xd0: {  	v10 =	vadd.f32 v15, v10  }
0xd1: {  	v12 =	vsub.f32 v12, v14  }
0xd2: {  	v15 =	vperm.xlane v10, v2  }
0xd3: {  	v12 =	vmul.f32 $1.442695020e+00, v12  }
0xd4: {  	v15 =	vsel vm0, $0x0, v15;
	v11 =	vmul.f32 v11, v13  }
0xd5: {  	s28 =	simm.s32 $0x40;
	v10 =	vadd.f32 v15, v10;
	v16 =	vpop (erf);
	(erf) = vpow2.f32 v12  }
0xd6: {  	v15 =	vld [tilespmem:s28+$0x648];
	v11 =	vsub.f32 v11, v14;
	v17 =	vperm.xlane v16, v0  }
0xd7: {  	v12 =	vperm.xlane v10, v3  }
0xd8: {  	v11 =	vmul.f32 $1.442695020e+00, v11;
	v17 =	vsel vm7, $0x0, v17  }
0xd9: {  	v18 =	vpop (erf);
	v12 =	vsel vm1, $0x0, v12;
	v16 =	vadd.f32 v16, v17  }
0xda: {  	v19 =	vperm.xlane v18, v0;
	v10 =	vadd.f32 v12, v10;
	(erf) = vpow2.f32 v11  }
0xdb: {  	v11 =	vmul.f32 v15, v13;
	v12 =	vperm.xlane v16, v2  }
0xdc: {  	s29 =	simm.s32 $0x50;
	v15 =	vsel vm7, $0x0, v19;
	v17 =	vperm.xlane v10, v4  }
0xdd: {  	v11 =	vsub.f32 v11, v14;
	v15 =	vadd.f32 v18, v15;
	v18 =	vld [tilespmem:s29+$0x648];
	v12 =	vsel vm0, $0x0, v12  }
0xde: {  	v17 =	vsel vm2, $0x0, v17;
	v12 =	vadd.f32 v16, v12;
	v16 =	vpop (erf)  }
0xdf: {  	s30 =	simm.s32 $0x60;
	v11 =	vmul.f32 $1.442695020e+00, v11;
	v10 =	vadd.f32 v17, v10;
	v17 =	vperm.xlane v16, v0  }
0xe0: {  	v20 =	vld [tilespmem:s30+$0x648];
	v19 =	vperm.xlane v15, v2  }
0xe1: {  	(erf) = vpow2.f32 v11;
	v11 =	vperm.xlane v12, v3;
	v17 =	vsel vm7, $0x0, v17  }
0xe2: {  	v19 =	vsel vm0, $0x0, v19;
	v16 =	vadd.f32 v16, v17;
	v17 =	vmul.f32 v18, v13  }
0xe3: {  	v19 =	vadd.f32 v15, v19  }
0xe4: {  	v11 =	vsel vm1, $0x0, v11;
	v17 =	vsub.f32 v17, v14  }
0xe5: {  	v20 =	vmul.f32 v20, v13;
	v18 =	vpop (erf);
	v11 =	vadd.f32 v12, v11;
	v23 =	vperm.xlane v19, v3  }
0xe6: {  	v12 =	vperm.xlane v18, v0;
	v17 =	vmul.f32 $1.442695020e+00, v17  }
0xe7: {  	v10 =	vperm.xlane v10, v5;
	v15 =	vimm.f32 $0.0e+00;
	v22 =	vperm.xlane v11, v4  }
0xe8: {  	v24 =	vld [tilespmem:$0x1928];
	v21 =	vperm.xlane v16, v2;
	v12 =	vsel vm7, $0x0, v12;
	(erf) = vpow2.f32 v17  }
0xe9: {  	s31 =	simm.s32 $0x70;
	v25 =	vadd.f32 v18, v12;
	v18 =	vsel vm2, $0x0, v22;
	v22 =	vsel vm1, $0x0, v23  }
0xea: {  	v21 =	vsel vm0, $0x0, v21;
	v17 =	vadd.f32 v19, v22;
	v22 =	vld [tilespmem:s31+$0x648];
	v19 =	vsub.f32 v20, v14;
	v23 =	vpop (erf)  }
0xeb: {  	v12 =	vld [tilespmem:$0x1918];
	v11 =	vadd.f32 v11, v18;
	v26 =	vperm.xlane v25, v2;
	v20 =	vperm.xlane v23, v0  }
0xec: {  	v18 =	vadd.f32 v16, v21;
	v21 =	vperm.xlane v17, v4;
	v19 =	vmul.f32 $1.442695020e+00, v19  }
0xed: {  	v26 =	vsel vm0, $0x0, v26;
	v16 =	vsel vm7, $0x0, v20;
	v20 =	vadd.f32 v11, v24  }
0xee: {  	(erf) = vpow2.f32 v19;
	v16 =	vadd.f32 v23, v16;
	v23 =	vperm.xlane v18, v3  }
0xef: {  	v21 =	vsel vm2, $0x0, v21;
	v19 =	vadd.f32 v25, v26;
	v22 =	vmul.f32 v22, v13  }
0xf0: {  	s17 =	simm.s32 $0x200;
	v11 =	vld [tilespmem:$0x1938];
	vm8 =	vlt.f32 v20, v12;
	v20 =	vperm.xlane v20, v5;
	v23 =	vsel vm1, $0x0, v23  }
.LBB2_6:
0xf1: {  	s18 =	sshra.s32 s17, $0x2;
	p0 =	sne.s32 s17, $0xC40;
	s17 =	sadd.s32 $0x40, s17;
	v24 =	vpop (erf);
	v25 =	vperm.xlane v16, v2;
	v23 =	vadd.f32 v18, v23;
	v26 =	vsel vm8, $0x3F800000, v6  }
0xf2: {  	v21 =	vadd.f32 v17, v21;
	v18 =	vmovc v19;
	v27 =	vld [tilespmem:s18+$0x648];
	v22 =	vsub.f32 v22, v14;
	v28 =	vperm.xlane v24, v0  }
.Ltmp2:
0xf3: {  	v15 =	vadd.f32 v26, v15;
	v19 =	vsel vm0, $0x0, v25;
	v25 =	vperm.xlane v23, v4;
	v17 =	vmovc v23;
	(pc) =	sbr.rel @p0 .LBB2_6-.Ltmp2, $4  }
0xf4: {  	v20 =	vadd.f32 v21, v20;
	v22 =	vmul.f32 $1.442695020e+00, v22;
	v23 =	vsel vm7, $0x0, v28  }
0xf5: {  	v24 =	vadd.f32 v24, v23;
	v23 =	vperm.xlane v18, v3;
	v21 =	vsel vm2, $0x0, v25  }
0xf6: {  	v19 =	vadd.f32 v16, v19;
	vm8 =	vlt.f32 v20, v12;
	(erf) = vpow2.f32 v22  }
0xf7: {  	v20 =	vperm.xlane v20, v5;
	v22 =	vmul.f32 v27, v13;
	v23 =	vsel vm1, $0x0, v23;
	v16 =	vmovc v24  }
0xf8: {  	_ = 	snop  }
0xf9: {  	v13 =	vsub.f32 v22, v14;
	_ =	sdelay $0x1  }
0xfa: {  	v13 =	vmul.f32 $1.442695020e+00, v13  }
0xfb: {  	v18 =	vadd.f32 v18, v23;
	v22 =	vperm.xlane v16, v2  }
0xfc: {  	v17 =	vadd.f32 v17, v21;
	v24 =	vperm.xlane v19, v3;
	(erf) = vpow2.f32 v13  }
0xfd: {  	v14 =	vpop (erf);
	v21 =	vsel vm0, $0x0, v22;
	v22 =	vperm.xlane v18, v4  }
0xfe: {  	v23 =	vperm.xlane v14, v0;
	v17 =	vadd.f32 v17, v20;
	v20 =	vsel vm1, $0x0, v24  }
0xff: {  	vm7 =	veq.s32 v1, $0x0;
	v19 =	vadd.f32 v19, v20;
	v13 =	vsel vm8, $0x3F800000, v6  }
0x100: {  	v16 =	vadd.f32 v16, v21;
	v13 =	vadd.f32 v13, v15;
	v15 =	vsel vm7, $0x0, v23  }
0x101: {  	v21 =	vperm.xlane v17, v5;
	v14 =	vadd.f32 v14, v15;
	v15 =	vsel vm2, $0x0, v22;
	v22 =	vpop (erf)  }
0x102: {  	vm8 =	vlt.f32 v17, v12;
	v20 =	vperm.xlane v22, v0;
	v15 =	vadd.f32 v18, v15  }
0x103: {  	v23 =	vsel vm8, $0x3F800000, v6;
	v18 =	vperm.xlane v19, v4;
	v17 =	vperm.xlane v14, v2  }
0x104: {  	v24 =	vperm.xlane v16, v3;
	v20 =	vsel vm7, $0x0, v20;
	v15 =	vadd.f32 v15, v21  }
0x105: {  	v18 =	vsel vm2, $0x0, v18;
	v17 =	vsel vm0, $0x0, v17;
	v20 =	vadd.f32 v22, v20;
	v21 =	vpop (erf)  }
0x106: {  	v14 =	vadd.f32 v14, v17;
	v17 =	vsel vm1, $0x0, v24;
	v22 =	vperm.xlane v21, v0  }
0x107: {  	v24 =	vperm.xlane v15, v5;
	v25 =	vperm.xlane v20, v2;
	v16 =	vadd.f32 v16, v17  }
0x108: {  	v17 =	vadd.f32 v19, v18;
	v19 =	vperm.xlane v14, v3;
	v18 =	vsel vm7, $0x0, v22  }
0x109: {  	v22 =	vsel vm0, $0x0, v25;
	v25 =	vperm.xlane v16, v4;
	v18 =	vadd.f32 v21, v18  }
0x10a: {  	v17 =	vadd.f32 v17, v24;
	v19 =	vsel vm1, $0x0, v19;
	v20 =	vadd.f32 v20, v22  }
0x10b: {  	v14 =	vadd.f32 v14, v19;
	v21 =	vsel vm2, $0x0, v25;
	v22 =	vperm.xlane v18, v2  }
0x10c: {  	v19 =	vperm.xlane v17, v5;
	v16 =	vadd.f32 v16, v21;
	v21 =	vperm.xlane v20, v3  }
0x10d: {  	v13 =	vadd.f32 v23, v13;
	v23 =	vperm.xlane v14, v4;
	v22 =	vsel vm0, $0x0, v22  }
0x10e: {  	v16 =	vadd.f32 v16, v19;
	v19 =	vsel vm1, $0x0, v21;
	v18 =	vadd.f32 v18, v22  }
0x10f: {  	vm8 =	vlt.f32 v15, v12;
	v15 =	vsel vm2, $0x0, v23;
	v19 =	vadd.f32 v20, v19  }
0x110: {  	s17 =	simm.s32 $0x0;
	v14 =	vadd.f32 v14, v15;
	v20 =	vperm.xlane v16, v5;
	v15 =	vperm.xlane v18, v3  }
0x111: {  	[tilespmem:s14], [sflag:$0x2] =	stream.linear.gather [hbm4b:s8+s17], $0x80, $0x38;
	v21 =	vsel vm8, $0x3F800000, v6;
	v22 =	vperm.xlane v19, v4;
	[tilespmem:$0x1998] =	vst v63  }
0x112: {  	_ =	swait.ge [sflag:s11], $0x80;
	vm8 =	vlt.f32 v17, v12;
	v14 =	vadd.f32 v14, v20;
	v15 =	vsel vm1, $0x0, v15  }
0x113: {  	[sflag:s11] =	ssyncset.done $0x0;
	v13 =	vadd.f32 v21, v13;
	v17 =	vsel vm2, $0x0, v22;
	v18 =	vadd.f32 v18, v15  }
0x114: {  	[sflag:s11] =	ssyncadd.s32 $0xFFFFFF80;
	v15 =	vsel vm8, $0x3F800000, v6;
	v20 =	vperm.xlane v14, v5;
	v17 =	vadd.f32 v19, v17  }
0x115: {  	s23 =	simm.s32 $0x0;
	v15 =	vadd.f32 v15, v13;
	v13 =	vld [tilespmem:$0x1948]  }
0x116: {  	vm8 =	vlt.f32 v16, v12;
	v16 =	vperm.xlane v18, v4;
	v17 =	vadd.f32 v17, v20;
	v20 =	vld [tilespmem:s23+$0x968]  }
0x117: {  	v19 =	vsel vm8, $0x3F800000, v6  }
0x118: {  	s24 =	simm.s32 $0x10;
	v19 =	vadd.f32 v19, v15;
	v15 =	vld [tilespmem:$0x1908];
	v16 =	vsel vm2, $0x0, v16  }
0x119: {  	vm8 =	vlt.f32 v14, v12;
	v14 =	vperm.xlane v17, v5;
	v16 =	vadd.f32 v18, v16;
	v18 =	vld [tilespmem:s24+$0x968]  }
0x11a: {  	v21 =	vsel vm8, $0x3F800000, v6;
	vm8 =	vlt.f32 v17, v12  }
0x11b: {  	v19 =	vadd.f32 v21, v19;
	v14 =	vadd.f32 v16, v14;
	v17 =	vmul.f32 v20, v13  }
0x11c: {  	v16 =	vsel vm8, $0x3F800000, v6  }
0x11d: {  	v16 =	vadd.f32 v16, v19;
	vm8 =	vlt.f32 v14, v12;
	v14 =	vsub.f32 v17, v15  }
0x11e: {  	s25 =	simm.s32 $0x20;
	v12 =	vsel vm8, $0x3F800000, v6;
	v17 =	vmul.f32 v18, v13  }
0x11f: {  	v12 =	vadd.f32 v12, v16;
	v14 =	vmul.f32 $1.442695020e+00, v14;
	v16 =	vld [tilespmem:s25+$0x968]  }
0x120: {  	v17 =	vsub.f32 v17, v15  }
0x121: {  	(erf) = vpow2.f32 v14  }
0x122: {  	v18 =	vperm.xlane v12, v0;
	v14 =	vmul.f32 $1.442695020e+00, v17  }
0x123: {  	s26 =	simm.s32 $0x30  }
0x124: {  	v17 =	vsel vm7, $0x0, v18;
	(erf) = vpow2.f32 v14;
	v14 =	vld [tilespmem:s26+$0x968];
	v16 =	vmul.f32 v16, v13  }
0x125: {  	v12 =	vadd.f32 v17, v12  }
0x126: {  	v16 =	vsub.f32 v16, v15  }
0x127: {  	v17 =	vperm.xlane v12, v2  }
0x128: {  	v16 =	vmul.f32 $1.442695020e+00, v16  }
0x129: {  	v17 =	vsel vm0, $0x0, v17;
	v14 =	vmul.f32 v14, v13  }
0x12a: {  	s28 =	simm.s32 $0x40;
	v12 =	vadd.f32 v17, v12;
	v18 =	vpop (erf);
	(erf) = vpow2.f32 v16  }
0x12b: {  	v17 =	vld [tilespmem:s28+$0x968];
	v14 =	vsub.f32 v14, v15;
	v19 =	vperm.xlane v18, v0  }
0x12c: {  	v16 =	vperm.xlane v12, v3  }
0x12d: {  	v14 =	vmul.f32 $1.442695020e+00, v14;
	v19 =	vsel vm7, $0x0, v19  }
0x12e: {  	v20 =	vpop (erf);
	v16 =	vsel vm1, $0x0, v16;
	v18 =	vadd.f32 v18, v19  }
0x12f: {  	v21 =	vperm.xlane v20, v0;
	v12 =	vadd.f32 v16, v12;
	(erf) = vpow2.f32 v14  }
0x130: {  	v14 =	vmul.f32 v17, v13;
	v16 =	vperm.xlane v18, v2  }
0x131: {  	s29 =	simm.s32 $0x50;
	v17 =	vsel vm7, $0x0, v21;
	v19 =	vperm.xlane v12, v4  }
0x132: {  	v14 =	vsub.f32 v14, v15;
	v17 =	vadd.f32 v20, v17;
	v20 =	vld [tilespmem:s29+$0x968];
	v16 =	vsel vm0, $0x0, v16  }
0x133: {  	v19 =	vsel vm2, $0x0, v19;
	v16 =	vadd.f32 v18, v16;
	v18 =	vpop (erf)  }
0x134: {  	s30 =	simm.s32 $0x60;
	v14 =	vmul.f32 $1.442695020e+00, v14;
	v12 =	vadd.f32 v19, v12;
	v19 =	vperm.xlane v18, v0  }
0x135: {  	v22 =	vld [tilespmem:s30+$0x968];
	v21 =	vperm.xlane v17, v2  }
0x136: {  	(erf) = vpow2.f32 v14;
	v14 =	vperm.xlane v16, v3;
	v19 =	vsel vm7, $0x0, v19  }
0x137: {  	v21 =	vsel vm0, $0x0, v21;
	v18 =	vadd.f32 v18, v19;
	v19 =	vmul.f32 v20, v13  }
0x138: {  	v21 =	vadd.f32 v17, v21  }
0x139: {  	v14 =	vsel vm1, $0x0, v14;
	v19 =	vsub.f32 v19, v15  }
0x13a: {  	v22 =	vmul.f32 v22, v13;
	v20 =	vpop (erf);
	v16 =	vadd.f32 v16, v14;
	v25 =	vperm.xlane v21, v3  }
0x13b: {  	v14 =	vperm.xlane v20, v0;
	v19 =	vmul.f32 $1.442695020e+00, v19  }
0x13c: {  	v12 =	vperm.xlane v12, v5;
	v17 =	vimm.f32 $0.0e+00;
	v24 =	vperm.xlane v16, v4  }
0x13d: {  	v26 =	vld [tilespmem:$0x1928];
	v23 =	vperm.xlane v18, v2;
	v14 =	vsel vm7, $0x0, v14;
	(erf) = vpow2.f32 v19  }
0x13e: {  	s31 =	simm.s32 $0x70;
	v27 =	vadd.f32 v20, v14;
	v20 =	vsel vm2, $0x0, v24;
	v24 =	vsel vm1, $0x0, v25  }
0x13f: {  	v23 =	vsel vm0, $0x0, v23;
	v19 =	vadd.f32 v21, v24;
	v24 =	vld [tilespmem:s31+$0x968];
	v21 =	vsub.f32 v22, v15;
	v25 =	vpop (erf)  }
0x140: {  	v14 =	vld [tilespmem:$0x1918];
	v16 =	vadd.f32 v16, v20;
	v28 =	vperm.xlane v27, v2;
	v22 =	vperm.xlane v25, v0  }
0x141: {  	v20 =	vadd.f32 v18, v23;
	v23 =	vperm.xlane v19, v4;
	v21 =	vmul.f32 $1.442695020e+00, v21  }
0x142: {  	v28 =	vsel vm0, $0x0, v28;
	v18 =	vsel vm7, $0x0, v22;
	v22 =	vadd.f32 v16, v26  }
0x143: {  	(erf) = vpow2.f32 v21;
	v18 =	vadd.f32 v25, v18;
	v25 =	vperm.xlane v20, v3  }
0x144: {  	v23 =	vsel vm2, $0x0, v23;
	v21 =	vadd.f32 v27, v28;
	v24 =	vmul.f32 v24, v13  }
0x145: {  	s17 =	simm.s32 $0x200;
	v16 =	vld [tilespmem:$0x1938];
	vm8 =	vlt.f32 v22, v14;
	v22 =	vperm.xlane v22, v5;
	v25 =	vsel vm1, $0x0, v25  }
.LBB2_8:
0x146: {  	s18 =	sshra.s32 s17, $0x2;
	p0 =	sne.s32 s17, $0xC40;
	s17 =	sadd.s32 $0x40, s17;
	v26 =	vpop (erf);
	v27 =	vperm.xlane v18, v2;
	v25 =	vadd.f32 v20, v25;
	v28 =	vsel vm8, $0x3F800000, v6  }
0x147: {  	v23 =	vadd.f32 v19, v23;
	v20 =	vmovc v21;
	v29 =	vld [tilespmem:s18+$0x968];
	v24 =	vsub.f32 v24, v15;
	v30 =	vperm.xlane v26, v0  }
.Ltmp3:
0x148: {  	v17 =	vadd.f32 v28, v17;
	v21 =	vsel vm0, $0x0, v27;
	v27 =	vperm.xlane v25, v4;
	v19 =	vmovc v25;
	(pc) =	sbr.rel @p0 .LBB2_8-.Ltmp3, $4  }
0x149: {  	v22 =	vadd.f32 v23, v22;
	v24 =	vmul.f32 $1.442695020e+00, v24;
	v25 =	vsel vm7, $0x0, v30  }
0x14a: {  	v26 =	vadd.f32 v26, v25;
	v25 =	vperm.xlane v20, v3;
	v23 =	vsel vm2, $0x0, v27  }
0x14b: {  	v21 =	vadd.f32 v18, v21;
	vm8 =	vlt.f32 v22, v14;
	(erf) = vpow2.f32 v24  }
0x14c: {  	v22 =	vperm.xlane v22, v5;
	v24 =	vmul.f32 v29, v13;
	v25 =	vsel vm1, $0x0, v25;
	v18 =	vmovc v26  }
0x14d: {  	_ = 	snop  }
0x14e: {  	v13 =	vsub.f32 v24, v15;
	_ =	sdelay $0x1  }
0x14f: {  	v13 =	vmul.f32 $1.442695020e+00, v13  }
0x150: {  	v54 =	vperm.xlane v18, v2  }
0x151: {  	v53 =	vpop (erf);
	v20 =	vadd.f32 v20, v25;
	v19 =	vadd.f32 v19, v23;
	(erf) = vpow2.f32 v13  }
0x152: {  	vm7 =	veq.s32 v1, $0x0;
	v26 =	vperm.xlane v21, v3;
	v56 =	vperm.xlane v53, v0  }
0x153: {  	v57 =	vsel vm0, $0x0, v54;
	v58 =	vperm.xlane v20, v4;
	v19 =	vadd.f32 v19, v22  }
0x154: {  	v61 =	vsel vm1, $0x0, v26;
	v59 =	vsel vm7, $0x0, v56;
	v62 =	vadd.f32 v18, v57  }
0x155: {  	v55 =	vsel vm8, $0x3F800000, v6;
	v29 =	vadd.f32 v21, v61;
	v15 =	vadd.f32 v53, v59  }
0x156: {  	v60 =	vsel vm2, $0x0, v58;
	v63 =	vperm.xlane v19, v5;
	vm8 =	vlt.f32 v19, v14;
	v28 =	vpop (erf)  }
0x157: {  	v13 =	vadd.f32 v55, v17;
	v17 =	vadd.f32 v20, v60;
	v31 =	vperm.xlane v28, v0  }
0x158: {  	v32 =	vsel vm8, $0x3F800000, v6;
	v33 =	vperm.xlane v29, v4;
	v30 =	vperm.xlane v15, v2  }
0x159: {  	v34 =	vperm.xlane v62, v3;
	v17 =	vadd.f32 v17, v63;
	v22 =	vsel vm7, $0x0, v31  }
0x15a: {  	v20 =	vsel vm2, $0x0, v33;
	v19 =	vsel vm0, $0x0, v30;
	v22 =	vadd.f32 v28, v22;
	v35 =	vpop (erf)  }
0x15b: {  	v36 =	vsel vm1, $0x0, v34;
	v15 =	vadd.f32 v15, v19;
	v37 =	vperm.xlane v35, v0  }
0x15c: {  	v18 =	vadd.f32 v62, v36;
	v20 =	vadd.f32 v29, v20;
	v39 =	vperm.xlane v22, v2  }
0x15d: {  	v38 =	vperm.xlane v17, v5;
	v41 =	vperm.xlane v15, v3;
	v40 =	vsel vm7, $0x0, v37  }
0x15e: {  	v42 =	vperm.xlane v18, v4;
	v19 =	vsel vm0, $0x0, v39;
	v21 =	vadd.f32 v35, v40  }
0x15f: {  	v20 =	vadd.f32 v20, v38;
	v43 =	vsel vm1, $0x0, v41;
	v19 =	vadd.f32 v22, v19  }
0x160: {  	v23 =	vsel vm2, $0x0, v42;
	v15 =	vadd.f32 v15, v43;
	v44 =	vperm.xlane v21, v2  }
0x161: {  	v45 =	vperm.xlane v20, v5;
	v18 =	vadd.f32 v18, v23;
	v46 =	vperm.xlane v19, v3  }
0x162: {  	v13 =	vadd.f32 v32, v13;
	v47 =	vperm.xlane v15, v4;
	v24 =	vsel vm0, $0x0, v44  }
0x163: {  	v18 =	vadd.f32 v18, v45;
	v48 =	vsel vm1, $0x0, v46;
	v21 =	vadd.f32 v21, v24  }
0x164: {  	vm8 =	vlt.f32 v17, v14;
	v49 =	vsel vm2, $0x0, v47;
	v19 =	vadd.f32 v19, v48  }
0x165: {  	v50 =	vperm.xlane v18, v5;
	v15 =	vadd.f32 v15, v49;
	v51 =	vperm.xlane v21, v3  }
0x166: {  	v52 =	vsel vm8, $0x3F800000, v6;
	v53 =	vperm.xlane v19, v4  }
0x167: {  	v13 =	vadd.f32 v52, v13;
	v15 =	vadd.f32 v15, v50;
	v17 =	vsel vm1, $0x0, v51  }
0x168: {  	vm8 =	vlt.f32 v20, v14;
	v54 =	vsel vm2, $0x0, v53;
	v17 =	vadd.f32 v21, v17  }
0x169: {  	v55 =	vsel vm8, $0x3F800000, v6;
	v22 =	vperm.xlane v15, v5;
	v19 =	vadd.f32 v19, v54  }
0x16a: {  	v13 =	vadd.f32 v55, v13;
	vm8 =	vlt.f32 v18, v14;
	v56 =	vperm.xlane v17, v4  }
0x16b: {  	v57 =	vsel vm8, $0x3F800000, v6;
	v19 =	vadd.f32 v19, v22  }
0x16c: {  	v13 =	vadd.f32 v57, v13;
	v18 =	vsel vm2, $0x0, v56  }
0x16d: {  	vm8 =	vlt.f32 v15, v14;
	v58 =	vperm.xlane v19, v5;
	v17 =	vadd.f32 v17, v18  }
0x16e: {  	v59 =	vsel vm8, $0x3F800000, v6  }
0x16f: {  	v13 =	vadd.f32 v59, v13;
	vm8 =	vlt.f32 v19, v14;
	v15 =	vadd.f32 v17, v58  }
0x170: {  	v60 =	vsel vm8, $0x3F800000, v6  }
0x171: {  	v13 =	vadd.f32 v60, v13;
	vm8 =	vlt.f32 v15, v14  }
0x172: {  	v14 =	vsel vm8, $0x3F800000, v6  }
0x173: {  	v13 =	vadd.f32 v14, v13;
	_ =	sdelay $0x1  }
0x174: {  	v14 =	vperm.xlane v13, v0;
	_ =	sdelay $0x1  }
0x175: {  	v14 =	vsel vm7, $0x0, v14  }
0x176: {  	v13 =	vadd.f32 v14, v13;
	_ =	sdelay $0x1  }
0x177: {  	v14 =	vperm.xlane v13, v2;
	_ =	sdelay $0x1  }
0x178: {  	v14 =	vsel vm0, $0x0, v14  }
0x179: {  	v13 =	vadd.f32 v14, v13;
	_ =	sdelay $0x1  }
0x17a: {  	v14 =	vperm.xlane v13, v3;
	_ =	sdelay $0x1  }
0x17b: {  	v14 =	vsel vm1, $0x0, v14  }
0x17c: {  	v13 =	vadd.f32 v14, v13;
	_ =	sdelay $0x1  }
0x17d: {  	v14 =	vperm.xlane v13, v4;
	_ =	sdelay $0x1  }
0x17e: {  	v7 =	vmul.f32 $8.000000000e+02, v7;
	v14 =	vsel vm2, $0x0, v14  }
0x17f: {  	v9 =	vmul.f32 $8.000000000e+02, v9;
	v13 =	vadd.f32 v14, v13  }
0x180: {  	v7 =	vadd.f32 v8, v7;
	v8 =	vmul.f32 $8.000000000e+02, v11  }
0x181: {  	v9 =	vadd.f32 v10, v9;
	v62 =	vmul.f32 $8.000000000e+02, v16;
	v61 =	vperm.xlane v13, v5  }
0x182: {  	v7 =	vmin.f32 v7, $9.999900000e+04;
	v8 =	vadd.f32 v12, v8  }
0x183: {  	v9 =	vmin.f32 v9, $9.999900000e+04;
	v7 =	vtrunc.f32 v7;
	v10 =	vadd.f32 v61, v62  }
0x184: {  	v9 =	vtrunc.f32 v9;
	v7 =	vcvt.f32.s32 v7;
	v8 =	vmin.f32 v8, $9.999900000e+04  }
0x185: {  	v9 =	vcvt.f32.s32 v9;
	v8 =	vtrunc.f32 v8;
	v10 =	vmin.f32 v10, $9.999900000e+04  }
0x186: {  	v7 =	vnsel vm3, $0x0, v7;
	v8 =	vcvt.f32.s32 v8;
	v10 =	vtrunc.f32 v10  }
0x187: {  	v7 =	vsel vm4, v7, v9;
	v63 =	vcvt.f32.s32 v10  }
0x188: {  	s16 =	sadd.s32 $0x1, s16;
	v7 =	vsel vm5, v7, v8  }
0x189: {  	p0 =	sne.s32 s16, s10;
	v7 =	vsel vm6, v7, v63  }
.Ltmp4:
0x18a: {  	[tilespmem:$0x1988] =	vst v7;
	(pc) =	sbr.rel @p0 .LBB2_1-.Ltmp4, $4  }
0x18b: {  	[hbm4b:s9+s2] =	stream.linear.scatter [tilespmem:s15], [sflag:$0x2], $0x10, $0x38;
	[tilespmem:$0x1998] =	vst v63  }
0x18c: {  	_ =	swait.ge [sflag:s11], $0x10  }
0x18d: {  	[sflag:s11] =	ssyncset.done $0x0  }
0x18e: {  	[sflag:s11] =	ssyncadd.s32 $0xFFFFFFF0  }
0x18f: {  	_ =	sfence.sel $0x180000  }
0x190: {  	[bflag:$0x0] =	sbarrier.arrive $0xFFFF  }
0x191: {  	p0 =	sne.s32 s1, $0x0;
	_ =	strace $0x90000047  }
0x192: {  	s0 =	sadd.s32 @!p0 $0x100000, s0;
	[bflag:$0x2] =	sbarrier.arrive $0xFFFF  }
0x193: {  	[sflag:s0] =	ssyncadd.tile.s32 @!p0 $0x1;
	_ =	shalt  }
.Lfunc_end2:
_tile_overlayer_lowered:
.L_overlay_start_2:
0x194: {  	(tag) =	ssettag $0x2  }
0x195: {  	s0 =	rddreg [dreg:$0x0];
	s2 =	stileid.u32  }
0x196: {  	s1 =	rddreg [dreg:$0x1];
	p0 =	sne.s32 s2, $0x0  }
0x197: {  	s3 =	rddreg [dreg:$0x2];
	[bflag:$0x3] =	sbarrier.arrive $0xFFFF;
	s2 =	simm.s32 @!p0 $0x1C02  }
0x198: {  	[timem:s3], [sflag:s2] =	dma.local @!p0 [hbm:s0], s1  }
0x199: {  	s0 =	simm.s32 @!p0 $0x2  }
0x19a: {  	_ =	swait.ge @!p0 [sflag:s0], s1  }
0x19b: {  	s1 =	ssub.s32 @!p0 $0x0, s1;
	[sflag:s0] =	ssyncset.done @!p0 $0x0  }
0x19c: {  	[sflag:s0] =	ssyncadd.s32 @!p0 s1  }
0x19d: {  	[bflag:$0x3] =	sbarrier.arrive $0xFFFF  }
0x19e: {  	_ =	shalt  }

</sc_bundles>
